<compile_context>
chip_gen: v7x
topology: tpu7x:2x2x1
jax: 0.10.2.dev20260603
libtpu: 0.0.44.dev20260713+nightly
codegen_flags: <defaults>
</compile_context>

<pallas_src>
import functools

import jax
import jax.numpy as jnp
from jax import lax
from jax.experimental import pallas as pl
from jax.experimental.pallas import tpu as pltpu
from jax.experimental.pallas import tpu_sc as plsc

N_BINS = 11
L = 16
NW = 32
CHUNK_R = 64
NEG = -3.0e38
SPLIT = 12288



def _stats(x, labels, lo, hi):
    m = jnp.max(x, axis=1, keepdims=True)
    s = jnp.sum(jnp.exp(x - m), axis=1, keepdims=True)
    conf = 1.0 / s
    col = jax.lax.broadcasted_iota(jnp.int32, x.shape, 1)
    xl = jnp.max(jnp.where(col == labels, x, NEG), axis=1, keepdims=True)
    acc = (xl == m).astype(jnp.float32)
    mask = ((conf > lo) & (conf <= hi)).astype(jnp.float32)
    return (jnp.sum(mask, axis=0, keepdims=True),
            jnp.sum(mask * acc, axis=0, keepdims=True),
            jnp.sum(mask * conf, axis=0, keepdims=True))


def _tc_partial_kernel(nb, xa_ref, xb_ref, labels_ref, bounds_ref,
                       cnt_ref, asum_ref, csum_ref, cnt_s, asum_s, csum_s):
    i = pl.program_id(0)

    @pl.when(i == 0)
    def _init():
        cnt_s[...] = jnp.zeros_like(cnt_s)
        asum_s[...] = jnp.zeros_like(asum_s)
        csum_s[...] = jnp.zeros_like(csum_s)

    lo = bounds_ref[0:1, 0:N_BINS]
    hi = bounds_ref[0:1, 1:N_BINS + 1]
    half = xa_ref.shape[0]
    labs = labels_ref[0]

    c1, a1, s1 = _stats(xa_ref[...], labs[:half], lo, hi)
    c2, a2, s2 = _stats(xb_ref[...], labs[half:], lo, hi)
    cnt_s[...] += c1 + c2
    asum_s[...] += a1 + a2
    csum_s[...] += s1 + s2

    @pl.when(i == nb - 1)
    def _fin():
        cnt_ref[...] = cnt_s[...]
        asum_ref[...] = asum_s[...]
        csum_ref[...] = csum_s[...]


def _tc_partial(logits, labels3, bounds, nb, block_r):
    n_cols = logits.shape[1]
    return pl.pallas_call(
        functools.partial(_tc_partial_kernel, nb),
        grid=(nb,),
        in_specs=[
            pl.BlockSpec((block_r, n_cols), lambda i: (2 * i, 0)),
            pl.BlockSpec((block_r, n_cols), lambda i: (2 * i + 1, 0)),
            pl.BlockSpec((1, 2 * block_r, 1), lambda i: (i, 0, 0)),
            pl.BlockSpec((1, N_BINS + 1), lambda i: (0, 0)),
        ],
        out_specs=[
            pl.BlockSpec((1, N_BINS), lambda i: (0, 0)),
            pl.BlockSpec((1, N_BINS), lambda i: (0, 0)),
            pl.BlockSpec((1, N_BINS), lambda i: (0, 0)),
        ],
        out_shape=[
            jax.ShapeDtypeStruct((1, N_BINS), jnp.float32),
            jax.ShapeDtypeStruct((1, N_BINS), jnp.float32),
            jax.ShapeDtypeStruct((1, N_BINS), jnp.float32),
        ],
        scratch_shapes=[
            pltpu.VMEM((1, N_BINS), jnp.float32),
            pltpu.VMEM((1, N_BINS), jnp.float32),
            pltpu.VMEM((1, N_BINS), jnp.float32),
        ],
    )(logits, logits, labels3, bounds)



def _perm(v, idx):
    return lax.gather(
        v, idx[:, None],
        lax.GatherDimensionNumbers(
            offset_dims=(), collapsed_slice_dims=(0,), start_index_map=(0,)),
        slice_sizes=(1,),
        mode=lax.GatherScatterMode.PROMISE_IN_BOUNDS)


def _butterfly(v, op):
    for sh in (8, 4, 2, 1):
        idx = (jnp.arange(16, dtype=jnp.int32) + sh) % 16
        v = op(v, _perm(v, idx))
    return v


def _make_sc_partial(n_rows_sc, row0_global, n_cols):
    rows_per_w = n_rows_sc // NW
    n_chunks = rows_per_w // CHUNK_R
    mesh = plsc.VectorSubcoreMesh(core_axis_name="c", subcore_axis_name="s")

    @functools.partial(
        pl.kernel,
        mesh=mesh,
        out_type=jax.ShapeDtypeStruct((NW, 48), jnp.float32),
        scratch_types=[
            pltpu.VMEM((CHUNK_R * n_cols,), jnp.float32),
            pltpu.VMEM((CHUNK_R + 16,), jnp.int32),
            pltpu.VMEM((2 * L,), jnp.float32),
            pltpu.VMEM((48,), jnp.float32),
        ],
    )
    def sc_partial(logits_hbm, labels_hbm, bounds_hbm, out_hbm,
                   buf, labbuf, bbuf, stat):
        cid = lax.axis_index("c")
        sid = lax.axis_index("s")
        wid = sid * 2 + cid
        row0 = row0_global + wid * rows_per_w

        pltpu.sync_copy(bounds_hbm, bbuf)
        lo_v = bbuf[pl.ds(0, 16)]
        hi_v = bbuf[pl.ds(16, 16)]
        lane = lax.iota(jnp.int32, 16)

        def chunk_body(ck, carry):
            cnt_v, asum_v, csum_v = carry
            rbase = row0 + ck * CHUNK_R
            pltpu.sync_copy(
                logits_hbm.at[pl.ds(rbase * n_cols, CHUNK_R * n_cols)], buf)
            pltpu.sync_copy(labels_hbm.at[pl.ds(rbase, CHUNK_R)],
                            labbuf.at[pl.ds(0, CHUNK_R)])

            def row_body(r, rcarry):
                cnt_v, asum_v, csum_v = rcarry
                rb = r * n_cols
                lab_v = labbuf[pl.ds(r, 16)]
                label = lab_v[0]

                xs = [buf[pl.ds(rb + j * 16, 16)] for j in range(62)]
                xt = buf[pl.ds(rb + 984, 16)]
                tmask = lane >= 8
                mxa = [xs[0], xs[1], xs[2], xs[3]]
                for j in range(4, 62):
                    mxa[j % 4] = jnp.maximum(mxa[j % 4], xs[j])
                mx = jnp.maximum(jnp.maximum(mxa[0], mxa[1]),
                                 jnp.maximum(mxa[2], mxa[3]))
                mx = jnp.maximum(mx, jnp.where(tmask, xt, NEG))
                m_v = _butterfly(mx, jnp.maximum)

                sa = [jnp.exp(xs[k] - m_v) for k in range(4)]
                la = [jnp.where(k * 16 + lane == label, xs[k], NEG)
                      for k in range(4)]
                for j in range(4, 62):
                    k = j % 4
                    sa[k] = sa[k] + jnp.exp(xs[j] - m_v)
                    la[k] = jnp.maximum(
                        la[k], jnp.where(j * 16 + lane == label, xs[j], NEG))
                s_acc = (sa[0] + sa[1]) + (sa[2] + sa[3])
                l_acc = jnp.maximum(jnp.maximum(la[0], la[1]),
                                    jnp.maximum(la[2], la[3]))
                s_acc = s_acc + jnp.where(tmask, jnp.exp(xt - m_v), 0.0)
                l_acc = jnp.maximum(
                    l_acc,
                    jnp.where(tmask & (984 + lane == label), xt, NEG))

                s_v = _butterfly(s_acc, jnp.add)
                xl_v = _butterfly(l_acc, jnp.maximum)
                conf_v = 1.0 / s_v
                acc_v = jnp.where(xl_v == m_v, 1.0, 0.0)

                onehot = (conf_v > lo_v) & (conf_v <= hi_v)
                cnt_v = cnt_v + jnp.where(onehot, 1.0, 0.0)
                asum_v = asum_v + jnp.where(onehot, acc_v, 0.0)
                csum_v = csum_v + jnp.where(onehot, conf_v, 0.0)
                return cnt_v, asum_v, csum_v

            return lax.fori_loop(0, CHUNK_R, row_body, (cnt_v, asum_v, csum_v))

        z = jnp.zeros((L,), jnp.float32)
        cnt_v, asum_v, csum_v = lax.fori_loop(0, n_chunks, chunk_body,
                                              (z, z, z))
        stat[pl.ds(0, 16)] = cnt_v
        stat[pl.ds(16, 16)] = asum_v
        stat[pl.ds(32, 16)] = csum_v
        pltpu.sync_copy(stat, out_hbm.at[wid])

    return sc_partial



def _merge_kernel(n_rows, cnt_ref, asum_ref, csum_ref, sc_ref,
                  ece_ref, accs_ref, confs_ref):
    scp = jnp.sum(sc_ref[...], axis=0, keepdims=True)
    cnt = cnt_ref[...] + scp[:, 0:N_BINS]
    asum = asum_ref[...] + scp[:, 16:16 + N_BINS]
    csum = csum_ref[...] + scp[:, 32:32 + N_BINS]
    prop = cnt / jnp.float32(n_rows)
    safe = jnp.maximum(cnt, 1.0)
    acc_in = asum / safe
    conf_in = csum / safe
    nonempty = cnt > 0
    contrib = jnp.where(nonempty, jnp.abs(conf_in - acc_in) * prop, 0.0)
    ece_ref[...] = jnp.sum(contrib, axis=1, keepdims=True)
    accs_ref[...] = jnp.where(nonempty, acc_in, 0.0)
    confs_ref[...] = jnp.where(nonempty, conf_in, 0.0)


def kernel(logits, labels):
    n_rows, n_cols = logits.shape
    block_r = 512
    nb = SPLIT // (2 * block_r)
    labels3 = labels[:SPLIT].reshape(nb, 2 * block_r, 1)
    b = jnp.linspace(0.0, 1.0, N_BINS + 1).astype(jnp.float32)
    bounds2d = b.reshape(1, N_BINS + 1)

    cnt, asum, csum = _tc_partial(logits, labels3, bounds2d, nb, block_r)

    pad_lo = jnp.full((L - N_BINS,), 2.0, jnp.float32)
    pad_hi = jnp.full((L - N_BINS,), 3.0, jnp.float32)
    sc_bounds = jnp.concatenate([b[0:N_BINS], pad_lo,
                                 b[1:N_BINS + 1], pad_hi])
    sc_fn = _make_sc_partial(n_rows - SPLIT, SPLIT, n_cols)
    sc_out = sc_fn(logits.reshape(-1), labels, sc_bounds)

    ece2, accs2, confs2 = pl.pallas_call(
        functools.partial(_merge_kernel, n_rows),
        out_shape=[
            jax.ShapeDtypeStruct((1, 1), jnp.float32),
            jax.ShapeDtypeStruct((1, N_BINS), jnp.float32),
            jax.ShapeDtypeStruct((1, N_BINS), jnp.float32),
        ],
    )(cnt, asum, csum, sc_out)
    return (ece2.reshape(1), accs2.reshape(N_BINS), confs2.reshape(N_BINS))

# --- scband reference (transcript-rebuilt; emitter-appended) ---
"""Pipeline reference for scband-eceloss-24661702213976 (READ-ONLY COPY).

The authoritative reference and input builder live on the scoring server;
editing this copy changes nothing except your own understanding.
"""

import jax, jax.numpy as jnp
import numpy as np

N_BINS = 11


def setup_inputs(seed: int = 0) -> dict:
    key = jax.random.key(seed)
    k1, k2 = jax.random.split(key)
    logits = jax.random.normal(k1, (16384, 1000), dtype=jnp.float32)
    labels = jax.random.randint(k2, (16384,), 0, 1000, dtype=jnp.int32)
    return {"logits": logits, "labels": labels}


def reference(logits, labels):
    softmaxes = jax.nn.softmax(logits, axis=1)
    confidences = jnp.max(softmaxes, axis=1)
    predictions = jnp.argmax(softmaxes, axis=1)
    accuracies = (predictions == labels).astype(jnp.float32)
    boundaries = jnp.linspace(0.0, 1.0, N_BINS + 1)
    n = jnp.float32(confidences.shape[0])
    ece = jnp.zeros((1,), dtype=jnp.float32)
    accs = []
    confs = []
    for i in range(N_BINS):
        lo = boundaries[i]
        hi = boundaries[i + 1]
        in_bin = ((confidences > lo) & (confidences <= hi)).astype(jnp.float32)
        count = jnp.sum(in_bin)
        prop_in_bin = count / n
        safe_count = jnp.maximum(count, 1.0)
        accuracy_in_bin = jnp.sum(accuracies * in_bin) / safe_count
        avg_confidence_in_bin = jnp.sum(confidences * in_bin) / safe_count
        contrib = jnp.where(count > 0, jnp.abs(avg_confidence_in_bin - accuracy_in_bin) * prop_in_bin, 0.0)
        ece = ece + contrib
        accs.append(jnp.where(count > 0, accuracy_in_bin, 0.0))
        confs.append(jnp.where(count > 0, avg_confidence_in_bin, 0.0))
    return (ece, jnp.stack(accs), jnp.stack(confs))

if __name__ == "__main__":
    import jax
    _d = setup_inputs()
    print(jax.jit(kernel)(*tuple(_d.values())))

</pallas_src>

<mosaic_0001>
#map = affine_map<(d0, d1) -> (0)>
#map1 = affine_map<(d0, d1) -> (0, 0)>
module attributes {stable_mosaic.version = 14 : i64} {
  func.func @sc_partial(%arg0: i32, %arg1: i32, %arg2: memref<16384000xf32, #tpu.memory_space<hbm>>, %arg3: memref<16384xi32, #tpu.memory_space<hbm>>, %arg4: memref<32xf32, #tpu.memory_space<hbm>>, %arg5: memref<32x48xf32, #tpu.memory_space<hbm>>, %arg6: memref<64000xf32, #tpu.memory_space<vmem>>, %arg7: memref<80xi32, #tpu.memory_space<vmem>>, %arg8: memref<32xf32, #tpu.memory_space<vmem>>, %arg9: memref<48xf32, #tpu.memory_space<vmem>>) attributes {dimension_semantics = [#tpu.dimension_semantics<core_parallel>, #tpu.dimension_semantics<subcore_parallel>], iteration_bounds = array<i64: 2, 16>, scalar_prefetch = 0 : i64, scratch_operands = 4 : i64, tpu.core_type = #tpu.core_type<sc_vector_subcore>, window_params = [{transform_indices = #map}, {transform_indices = #map}, {transform_indices = #map}, {transform_indices = #map1}]} {
    %mul3A = arith.constant 2 : i32
    %mul3A_0 = arith.muli %arg1, %mul3A : i32
    %add3A = arith.addi %mul3A_0, %arg0 : i32
    %mul3A_1 = arith.constant 128 : i32
    %mul3A_2 = arith.muli %add3A, %mul3A_1 : i32
    %add3A_3 = arith.constant 12288 : i32
    %add3A_4 = arith.addi %add3A_3, %mul3A_2 : i32
    "tpu.region"() ({
      %run_scoped3A = tpu.sem_alloc : memref<!tpu.dma_semaphore, #tpu.memory_space<semaphore_mem>>
      tpu.enqueue_dma source(%arg4 : memref<32xf32, #tpu.memory_space<hbm>>) target(%arg8 : memref<32xf32, #tpu.memory_space<vmem>>) target_semaphore(%run_scoped3A : memref<!tpu.dma_semaphore, #tpu.memory_space<semaphore_mem>>)
      tpu.wait_dma2 semaphore(%run_scoped3A : memref<!tpu.dma_semaphore, #tpu.memory_space<semaphore_mem>>) src(%arg4 : memref<32xf32, #tpu.memory_space<hbm>>) dst(%arg8 : memref<32xf32, #tpu.memory_space<vmem>>)
      tpu.yield
    }) : () -> ()
    %get3A = arith.constant 0 : index
    %get3A_5 = tpu.vector_load %arg8[%get3A] {strides = array<i32>} : memref<32xf32, #tpu.memory_space<vmem>>, vector<16xf32>,
    %get3A_6 = vector.shape_cast %get3A_5 : vector<16xf32> to vector<16xf32>
    %get3A_7 = arith.constant 16 : index
    %get3A_8 = tpu.vector_load %arg8[%get3A_7] {strides = array<i32>} : memref<32xf32, #tpu.memory_space<vmem>>, vector<16xf32>,
    %get3A_9 = vector.shape_cast %get3A_8 : vector<16xf32> to vector<16xf32>
    %iota3A = tpu.iota {dimensions = array<i32: 0>} : vector<16xi32>
    %broadcast_in_dim3A = arith.constant 0.000000e+00 : f32
    %broadcast_in_dim3A_10 = vector.broadcast %broadcast_in_dim3A : f32 to vector<16xf32>
    %scan3A = arith.constant 0 : i32
    %scan3A_11 = arith.constant 2 : i32
    %scan3A_12 = arith.addi %scan3A, %scan3A_11 : i32
    %scan3A_13 = arith.constant 1 : i32
    %scan3A_14:3 = scf.for %scan3A_27 = %scan3A to %scan3A_12 step %scan3A_13 iter_args(%scan3A_28 = %broadcast_in_dim3A_10, %scan3A_29 = %broadcast_in_dim3A_10, %scan3A_30 = %broadcast_in_dim3A_10) -> (vector<16xf32>, vector<16xf32>, vector<16xf32>)  : i32 {
      %mul3A_31 = arith.constant 64 : i32
      %mul3A_32 = arith.muli %scan3A_27, %mul3A_31 : i32
      %add3A_33 = arith.addi %add3A_4, %mul3A_32 : i32
      %mul3A_34 = arith.constant 1000 : i32
      %mul3A_35 = arith.muli %add3A_33, %mul3A_34 : i32
      "tpu.region"() ({
        %run_scoped3A = tpu.sem_alloc : memref<!tpu.dma_semaphore, #tpu.memory_space<semaphore_mem>>
        %dma_start3A = tpu.memref_slice %arg2[%mul3A_35] : memref<16384000xf32, #tpu.memory_space<hbm>> -> memref<64000xf32, #tpu.memory_space<hbm>>
        %dma_start3A_42 = tpu.memref_slice %arg2[%mul3A_35] : memref<16384000xf32, #tpu.memory_space<hbm>> -> memref<64000xf32, #tpu.memory_space<hbm>>
        tpu.enqueue_dma source(%dma_start3A_42 : memref<64000xf32, #tpu.memory_space<hbm>>) target(%arg6 : memref<64000xf32, #tpu.memory_space<vmem>>) target_semaphore(%run_scoped3A : memref<!tpu.dma_semaphore, #tpu.memory_space<semaphore_mem>>)
        %dma_wait3A = tpu.memref_slice %arg2[%mul3A_35] : memref<16384000xf32, #tpu.memory_space<hbm>> -> memref<64000xf32, #tpu.memory_space<hbm>>
        %dma_wait3A_43 = tpu.memref_slice %arg2[%mul3A_35] : memref<16384000xf32, #tpu.memory_space<hbm>> -> memref<64000xf32, #tpu.memory_space<hbm>>
        tpu.wait_dma2 semaphore(%run_scoped3A : memref<!tpu.dma_semaphore, #tpu.memory_space<semaphore_mem>>) src(%dma_wait3A_43 : memref<64000xf32, #tpu.memory_space<hbm>>) dst(%arg6 : memref<64000xf32, #tpu.memory_space<vmem>>)
        tpu.yield
      }) : () -> ()
      "tpu.region"() ({
        %run_scoped3A = tpu.sem_alloc : memref<!tpu.dma_semaphore, #tpu.memory_space<semaphore_mem>>
        %dma_start3A = arith.constant 0 : i32
        %dma_start3A_42 = tpu.memref_slice %arg7[%dma_start3A] : memref<80xi32, #tpu.memory_space<vmem>> -> memref<64xi32, #tpu.memory_space<vmem>>
        %dma_start3A_43 = tpu.memref_slice %arg3[%add3A_33] : memref<16384xi32, #tpu.memory_space<hbm>> -> memref<64xi32, #tpu.memory_space<hbm>>
        %dma_start3A_44 = arith.constant 0 : i32
        %dma_start3A_45 = tpu.memref_slice %arg7[%dma_start3A_44] : memref<80xi32, #tpu.memory_space<vmem>> -> memref<64xi32, #tpu.memory_space<vmem>>
        %dma_start3A_46 = tpu.memref_slice %arg3[%add3A_33] : memref<16384xi32, #tpu.memory_space<hbm>> -> memref<64xi32, #tpu.memory_space<hbm>>
        tpu.enqueue_dma source(%dma_start3A_46 : memref<64xi32, #tpu.memory_space<hbm>>) target(%dma_start3A_45 : memref<64xi32, #tpu.memory_space<vmem>>) target_semaphore(%run_scoped3A : memref<!tpu.dma_semaphore, #tpu.memory_space<semaphore_mem>>)
        %dma_wait3A = arith.constant 0 : i32
        %dma_wait3A_47 = tpu.memref_slice %arg7[%dma_wait3A] : memref<80xi32, #tpu.memory_space<vmem>> -> memref<64xi32, #tpu.memory_space<vmem>>
        %dma_wait3A_48 = tpu.memref_slice %arg3[%add3A_33] : memref<16384xi32, #tpu.memory_space<hbm>> -> memref<64xi32, #tpu.memory_space<hbm>>
        %dma_wait3A_49 = arith.constant 0 : i32
        %dma_wait3A_50 = tpu.memref_slice %arg7[%dma_wait3A_49] : memref<80xi32, #tpu.memory_space<vmem>> -> memref<64xi32, #tpu.memory_space<vmem>>
        %dma_wait3A_51 = tpu.memref_slice %arg3[%add3A_33] : memref<16384xi32, #tpu.memory_space<hbm>> -> memref<64xi32, #tpu.memory_space<hbm>>
        tpu.wait_dma2 semaphore(%run_scoped3A : memref<!tpu.dma_semaphore, #tpu.memory_space<semaphore_mem>>) src(%dma_wait3A_51 : memref<64xi32, #tpu.memory_space<hbm>>) dst(%dma_wait3A_50 : memref<64xi32, #tpu.memory_space<vmem>>)
        tpu.yield
      }) : () -> ()
      %scan3A_36 = arith.constant 0 : i32
      %scan3A_37 = arith.constant 64 : i32
      %scan3A_38 = arith.addi %scan3A_36, %scan3A_37 : i32
      %scan3A_39 = arith.constant 1 : i32
      %scan3A_40:3 = scf.for %scan3A_42 = %scan3A_36 to %scan3A_38 step %scan3A_39 iter_args(%scan3A_43 = %scan3A_28, %scan3A_44 = %scan3A_29, %scan3A_45 = %scan3A_30) -> (vector<16xf32>, vector<16xf32>, vector<16xf32>)  : i32 {
        %mul3A_46 = arith.constant 1000 : i32
        %mul3A_47 = arith.muli %scan3A_42, %mul3A_46 : i32
        %get3A_48 = arith.index_cast %scan3A_42 : i32 to index
        %get3A_49 = tpu.vector_load %arg7[%get3A_48] {strides = array<i32>} : memref<80xi32, #tpu.memory_space<vmem>>, vector<16xi32>,
        %get3A_50 = vector.shape_cast %get3A_49 : vector<16xi32> to vector<16xi32>
        %slice3A = vector.extract_strided_slice %get3A_50 {offsets = [0], sizes = [1], strides = [1]} : vector<16xi32> to vector<1xi32>
        %squeeze3A = vector.extract %slice3A[0] : i32 from vector<1xi32>
        %add3A_51 = arith.constant 0 : i32
        %add3A_52 = arith.addi %mul3A_47, %add3A_51 : i32
        %get3A_53 = arith.index_cast %add3A_52 : i32 to index
        %get3A_54 = tpu.vector_load %arg6[%get3A_53] {strides = array<i32>} : memref<64000xf32, #tpu.memory_space<vmem>>, vector<16xf32>,
        %get3A_55 = vector.shape_cast %get3A_54 : vector<16xf32> to vector<16xf32>
        %add3A_56 = arith.constant 16 : i32
        %add3A_57 = arith.addi %mul3A_47, %add3A_56 : i32
        %get3A_58 = arith.index_cast %add3A_57 : i32 to index
        %get3A_59 = tpu.vector_load %arg6[%get3A_58] {strides = array<i32>} : memref<64000xf32, #tpu.memory_space<vmem>>, vector<16xf32>,
        %get3A_60 = vector.shape_cast %get3A_59 : vector<16xf32> to vector<16xf32>
        %add3A_61 = arith.constant 32 : i32
        %add3A_62 = arith.addi %mul3A_47, %add3A_61 : i32
        %get3A_63 = arith.index_cast %add3A_62 : i32 to index
        %get3A_64 = tpu.vector_load %arg6[%get3A_63] {strides = array<i32>} : memref<64000xf32, #tpu.memory_space<vmem>>, vector<16xf32>,
        %get3A_65 = vector.shape_cast %get3A_64 : vector<16xf32> to vector<16xf32>
        %add3A_66 = arith.constant 48 : i32
        %add3A_67 = arith.addi %mul3A_47, %add3A_66 : i32
        %get3A_68 = arith.index_cast %add3A_67 : i32 to index
        %get3A_69 = tpu.vector_load %arg6[%get3A_68] {strides = array<i32>} : memref<64000xf32, #tpu.memory_space<vmem>>, vector<16xf32>,
        %get3A_70 = vector.shape_cast %get3A_69 : vector<16xf32> to vector<16xf32>
        %add3A_71 = arith.constant 64 : i32
        %add3A_72 = arith.addi %mul3A_47, %add3A_71 : i32
        %get3A_73 = arith.index_cast %add3A_72 : i32 to index
        %get3A_74 = tpu.vector_load %arg6[%get3A_73] {strides = array<i32>} : memref<64000xf32, #tpu.memory_space<vmem>>, vector<16xf32>,
        %get3A_75 = vector.shape_cast %get3A_74 : vector<16xf32> to vector<16xf32>
        %add3A_76 = arith.constant 80 : i32
        %add3A_77 = arith.addi %mul3A_47, %add3A_76 : i32
        %get3A_78 = arith.index_cast %add3A_77 : i32 to index
        %get3A_79 = tpu.vector_load %arg6[%get3A_78] {strides = array<i32>} : memref<64000xf32, #tpu.memory_space<vmem>>, vector<16xf32>,
        %get3A_80 = vector.shape_cast %get3A_79 : vector<16xf32> to vector<16xf32>
        %add3A_81 = arith.constant 96 : i32
        %add3A_82 = arith.addi %mul3A_47, %add3A_81 : i32
        %get3A_83 = arith.index_cast %add3A_82 : i32 to index
        %get3A_84 = tpu.vector_load %arg6[%get3A_83] {strides = array<i32>} : memref<64000xf32, #tpu.memory_space<vmem>>, vector<16xf32>,
        %get3A_85 = vector.shape_cast %get3A_84 : vector<16xf32> to vector<16xf32>
        %add3A_86 = arith.constant 112 : i32
        %add3A_87 = arith.addi %mul3A_47, %add3A_86 : i32
        %get3A_88 = arith.index_cast %add3A_87 : i32 to index
        %get3A_89 = tpu.vector_load %arg6[%get3A_88] {strides = array<i32>} : memref<64000xf32, #tpu.memory_space<vmem>>, vector<16xf32>,
        %get3A_90 = vector.shape_cast %get3A_89 : vector<16xf32> to vector<16xf32>
        %add3A_91 = arith.constant 128 : i32
        %add3A_92 = arith.addi %mul3A_47, %add3A_91 : i32
        %get3A_93 = arith.index_cast %add3A_92 : i32 to index
        %get3A_94 = tpu.vector_load %arg6[%get3A_93] {strides = array<i32>} : memref<64000xf32, #tpu.memory_space<vmem>>, vector<16xf32>,
        %get3A_95 = vector.shape_cast %get3A_94 : vector<16xf32> to vector<16xf32>
        %add3A_96 = arith.constant 144 : i32
        %add3A_97 = arith.addi %mul3A_47, %add3A_96 : i32
        %get3A_98 = arith.index_cast %add3A_97 : i32 to index
        %get3A_99 = tpu.vector_load %arg6[%get3A_98] {strides = array<i32>} : memref<64000xf32, #tpu.memory_space<vmem>>, vector<16xf32>,
        %get3A_100 = vector.shape_cast %get3A_99 : vector<16xf32> to vector<16xf32>
        %add3A_101 = arith.constant 160 : i32
        %add3A_102 = arith.addi %mul3A_47, %add3A_101 : i32
        %get3A_103 = arith.index_cast %add3A_102 : i32 to index
        %get3A_104 = tpu.vector_load %arg6[%get3A_103] {strides = array<i32>} : memref<64000xf32, #tpu.memory_space<vmem>>, vector<16xf32>,
        %get3A_105 = vector.shape_cast %get3A_104 : vector<16xf32> to vector<16xf32>
        %add3A_106 = arith.constant 176 : i32
        %add3A_107 = arith.addi %mul3A_47, %add3A_106 : i32
        %get3A_108 = arith.index_cast %add3A_107 : i32 to index
        %get3A_109 = tpu.vector_load %arg6[%get3A_108] {strides = array<i32>} : memref<64000xf32, #tpu.memory_space<vmem>>, vector<16xf32>,
        %get3A_110 = vector.shape_cast %get3A_109 : vector<16xf32> to vector<16xf32>
        %add3A_111 = arith.constant 192 : i32
        %add3A_112 = arith.addi %mul3A_47, %add3A_111 : i32
        %get3A_113 = arith.index_cast %add3A_112 : i32 to index
        %get3A_114 = tpu.vector_load %arg6[%get3A_113] {strides = array<i32>} : memref<64000xf32, #tpu.memory_space<vmem>>, vector<16xf32>,
        %get3A_115 = vector.shape_cast %get3A_114 : vector<16xf32> to vector<16xf32>
        %add3A_116 = arith.constant 208 : i32
        %add3A_117 = arith.addi %mul3A_47, %add3A_116 : i32
        %get3A_118 = arith.index_cast %add3A_117 : i32 to index
        %get3A_119 = tpu.vector_load %arg6[%get3A_118] {strides = array<i32>} : memref<64000xf32, #tpu.memory_space<vmem>>, vector<16xf32>,
        %get3A_120 = vector.shape_cast %get3A_119 : vector<16xf32> to vector<16xf32>
        %add3A_121 = arith.constant 224 : i32
        %add3A_122 = arith.addi %mul3A_47, %add3A_121 : i32
        %get3A_123 = arith.index_cast %add3A_122 : i32 to index
        %get3A_124 = tpu.vector_load %arg6[%get3A_123] {strides = array<i32>} : memref<64000xf32, #tpu.memory_space<vmem>>, vector<16xf32>,
        %get3A_125 = vector.shape_cast %get3A_124 : vector<16xf32> to vector<16xf32>
        %add3A_126 = arith.constant 240 : i32
        %add3A_127 = arith.addi %mul3A_47, %add3A_126 : i32
        %get3A_128 = arith.index_cast %add3A_127 : i32 to index
        %get3A_129 = tpu.vector_load %arg6[%get3A_128] {strides = array<i32>} : memref<64000xf32, #tpu.memory_space<vmem>>, vector<16xf32>,
        %get3A_130 = vector.shape_cast %get3A_129 : vector<16xf32> to vector<16xf32>
        %add3A_131 = arith.constant 256 : i32
        %add3A_132 = arith.addi %mul3A_47, %add3A_131 : i32
        %get3A_133 = arith.index_cast %add3A_132 : i32 to index
        %get3A_134 = tpu.vector_load %arg6[%get3A_133] {strides = array<i32>} : memref<64000xf32, #tpu.memory_space<vmem>>, vector<16xf32>,
        %get3A_135 = vector.shape_cast %get3A_134 : vector<16xf32> to vector<16xf32>
        %add3A_136 = arith.constant 272 : i32
        %add3A_137 = arith.addi %mul3A_47, %add3A_136 : i32
        %get3A_138 = arith.index_cast %add3A_137 : i32 to index
        %get3A_139 = tpu.vector_load %arg6[%get3A_138] {strides = array<i32>} : memref<64000xf32, #tpu.memory_space<vmem>>, vector<16xf32>,
        %get3A_140 = vector.shape_cast %get3A_139 : vector<16xf32> to vector<16xf32>
        %add3A_141 = arith.constant 288 : i32
        %add3A_142 = arith.addi %mul3A_47, %add3A_141 : i32
        %get3A_143 = arith.index_cast %add3A_142 : i32 to index
        %get3A_144 = tpu.vector_load %arg6[%get3A_143] {strides = array<i32>} : memref<64000xf32, #tpu.memory_space<vmem>>, vector<16xf32>,
        %get3A_145 = vector.shape_cast %get3A_144 : vector<16xf32> to vector<16xf32>
        %add3A_146 = arith.constant 304 : i32
        %add3A_147 = arith.addi %mul3A_47, %add3A_146 : i32
        %get3A_148 = arith.index_cast %add3A_147 : i32 to index
        %get3A_149 = tpu.vector_load %arg6[%get3A_148] {strides = array<i32>} : memref<64000xf32, #tpu.memory_space<vmem>>, vector<16xf32>,
        %get3A_150 = vector.shape_cast %get3A_149 : vector<16xf32> to vector<16xf32>
        %add3A_151 = arith.constant 320 : i32
        %add3A_152 = arith.addi %mul3A_47, %add3A_151 : i32
        %get3A_153 = arith.index_cast %add3A_152 : i32 to index
        %get3A_154 = tpu.vector_load %arg6[%get3A_153] {strides = array<i32>} : memref<64000xf32, #tpu.memory_space<vmem>>, vector<16xf32>,
        %get3A_155 = vector.shape_cast %get3A_154 : vector<16xf32> to vector<16xf32>
        %add3A_156 = arith.constant 336 : i32
        %add3A_157 = arith.addi %mul3A_47, %add3A_156 : i32
        %get3A_158 = arith.index_cast %add3A_157 : i32 to index
        %get3A_159 = tpu.vector_load %arg6[%get3A_158] {strides = array<i32>} : memref<64000xf32, #tpu.memory_space<vmem>>, vector<16xf32>,
        %get3A_160 = vector.shape_cast %get3A_159 : vector<16xf32> to vector<16xf32>
        %add3A_161 = arith.constant 352 : i32
        %add3A_162 = arith.addi %mul3A_47, %add3A_161 : i32
        %get3A_163 = arith.index_cast %add3A_162 : i32 to index
        %get3A_164 = tpu.vector_load %arg6[%get3A_163] {strides = array<i32>} : memref<64000xf32, #tpu.memory_space<vmem>>, vector<16xf32>,
        %get3A_165 = vector.shape_cast %get3A_164 : vector<16xf32> to vector<16xf32>
        %add3A_166 = arith.constant 368 : i32
        %add3A_167 = arith.addi %mul3A_47, %add3A_166 : i32
        %get3A_168 = arith.index_cast %add3A_167 : i32 to index
        %get3A_169 = tpu.vector_load %arg6[%get3A_168] {strides = array<i32>} : memref<64000xf32, #tpu.memory_space<vmem>>, vector<16xf32>,
        %get3A_170 = vector.shape_cast %get3A_169 : vector<16xf32> to vector<16xf32>
        %add3A_171 = arith.constant 384 : i32
        %add3A_172 = arith.addi %mul3A_47, %add3A_171 : i32
        %get3A_173 = arith.index_cast %add3A_172 : i32 to index
        %get3A_174 = tpu.vector_load %arg6[%get3A_173] {strides = array<i32>} : memref<64000xf32, #tpu.memory_space<vmem>>, vector<16xf32>,
        %get3A_175 = vector.shape_cast %get3A_174 : vector<16xf32> to vector<16xf32>
        %add3A_176 = arith.constant 400 : i32
        %add3A_177 = arith.addi %mul3A_47, %add3A_176 : i32
        %get3A_178 = arith.index_cast %add3A_177 : i32 to index
        %get3A_179 = tpu.vector_load %arg6[%get3A_178] {strides = array<i32>} : memref<64000xf32, #tpu.memory_space<vmem>>, vector<16xf32>,
        %get3A_180 = vector.shape_cast %get3A_179 : vector<16xf32> to vector<16xf32>
        %add3A_181 = arith.constant 416 : i32
        %add3A_182 = arith.addi %mul3A_47, %add3A_181 : i32
        %get3A_183 = arith.index_cast %add3A_182 : i32 to index
        %get3A_184 = tpu.vector_load %arg6[%get3A_183] {strides = array<i32>} : memref<64000xf32, #tpu.memory_space<vmem>>, vector<16xf32>,
        %get3A_185 = vector.shape_cast %get3A_184 : vector<16xf32> to vector<16xf32>
        %add3A_186 = arith.constant 432 : i32
        %add3A_187 = arith.addi %mul3A_47, %add3A_186 : i32
        %get3A_188 = arith.index_cast %add3A_187 : i32 to index
        %get3A_189 = tpu.vector_load %arg6[%get3A_188] {strides = array<i32>} : memref<64000xf32, #tpu.memory_space<vmem>>, vector<16xf32>,
        %get3A_190 = vector.shape_cast %get3A_189 : vector<16xf32> to vector<16xf32>
        %add3A_191 = arith.constant 448 : i32
        %add3A_192 = arith.addi %mul3A_47, %add3A_191 : i32
        %get3A_193 = arith.index_cast %add3A_192 : i32 to index
        %get3A_194 = tpu.vector_load %arg6[%get3A_193] {strides = array<i32>} : memref<64000xf32, #tpu.memory_space<vmem>>, vector<16xf32>,
        %get3A_195 = vector.shape_cast %get3A_194 : vector<16xf32> to vector<16xf32>
        %add3A_196 = arith.constant 464 : i32
        %add3A_197 = arith.addi %mul3A_47, %add3A_196 : i32
        %get3A_198 = arith.index_cast %add3A_197 : i32 to index
        %get3A_199 = tpu.vector_load %arg6[%get3A_198] {strides = array<i32>} : memref<64000xf32, #tpu.memory_space<vmem>>, vector<16xf32>,
        %get3A_200 = vector.shape_cast %get3A_199 : vector<16xf32> to vector<16xf32>
        %add3A_201 = arith.constant 480 : i32
        %add3A_202 = arith.addi %mul3A_47, %add3A_201 : i32
        %get3A_203 = arith.index_cast %add3A_202 : i32 to index
        %get3A_204 = tpu.vector_load %arg6[%get3A_203] {strides = array<i32>} : memref<64000xf32, #tpu.memory_space<vmem>>, vector<16xf32>,
        %get3A_205 = vector.shape_cast %get3A_204 : vector<16xf32> to vector<16xf32>
        %add3A_206 = arith.constant 496 : i32
        %add3A_207 = arith.addi %mul3A_47, %add3A_206 : i32
        %get3A_208 = arith.index_cast %add3A_207 : i32 to index
        %get3A_209 = tpu.vector_load %arg6[%get3A_208] {strides = array<i32>} : memref<64000xf32, #tpu.memory_space<vmem>>, vector<16xf32>,
        %get3A_210 = vector.shape_cast %get3A_209 : vector<16xf32> to vector<16xf32>
        %add3A_211 = arith.constant 512 : i32
        %add3A_212 = arith.addi %mul3A_47, %add3A_211 : i32
        %get3A_213 = arith.index_cast %add3A_212 : i32 to index
        %get3A_214 = tpu.vector_load %arg6[%get3A_213] {strides = array<i32>} : memref<64000xf32, #tpu.memory_space<vmem>>, vector<16xf32>,
        %get3A_215 = vector.shape_cast %get3A_214 : vector<16xf32> to vector<16xf32>
        %add3A_216 = arith.constant 528 : i32
        %add3A_217 = arith.addi %mul3A_47, %add3A_216 : i32
        %get3A_218 = arith.index_cast %add3A_217 : i32 to index
        %get3A_219 = tpu.vector_load %arg6[%get3A_218] {strides = array<i32>} : memref<64000xf32, #tpu.memory_space<vmem>>, vector<16xf32>,
        %get3A_220 = vector.shape_cast %get3A_219 : vector<16xf32> to vector<16xf32>
        %add3A_221 = arith.constant 544 : i32
        %add3A_222 = arith.addi %mul3A_47, %add3A_221 : i32
        %get3A_223 = arith.index_cast %add3A_222 : i32 to index
        %get3A_224 = tpu.vector_load %arg6[%get3A_223] {strides = array<i32>} : memref<64000xf32, #tpu.memory_space<vmem>>, vector<16xf32>,
        %get3A_225 = vector.shape_cast %get3A_224 : vector<16xf32> to vector<16xf32>
        %add3A_226 = arith.constant 560 : i32
        %add3A_227 = arith.addi %mul3A_47, %add3A_226 : i32
        %get3A_228 = arith.index_cast %add3A_227 : i32 to index
        %get3A_229 = tpu.vector_load %arg6[%get3A_228] {strides = array<i32>} : memref<64000xf32, #tpu.memory_space<vmem>>, vector<16xf32>,
        %get3A_230 = vector.shape_cast %get3A_229 : vector<16xf32> to vector<16xf32>
        %add3A_231 = arith.constant 576 : i32
        %add3A_232 = arith.addi %mul3A_47, %add3A_231 : i32
        %get3A_233 = arith.index_cast %add3A_232 : i32 to index
        %get3A_234 = tpu.vector_load %arg6[%get3A_233] {strides = array<i32>} : memref<64000xf32, #tpu.memory_space<vmem>>, vector<16xf32>,
        %get3A_235 = vector.shape_cast %get3A_234 : vector<16xf32> to vector<16xf32>
        %add3A_236 = arith.constant 592 : i32
        %add3A_237 = arith.addi %mul3A_47, %add3A_236 : i32
        %get3A_238 = arith.index_cast %add3A_237 : i32 to index
        %get3A_239 = tpu.vector_load %arg6[%get3A_238] {strides = array<i32>} : memref<64000xf32, #tpu.memory_space<vmem>>, vector<16xf32>,
        %get3A_240 = vector.shape_cast %get3A_239 : vector<16xf32> to vector<16xf32>
        %add3A_241 = arith.constant 608 : i32
        %add3A_242 = arith.addi %mul3A_47, %add3A_241 : i32
        %get3A_243 = arith.index_cast %add3A_242 : i32 to index
        %get3A_244 = tpu.vector_load %arg6[%get3A_243] {strides = array<i32>} : memref<64000xf32, #tpu.memory_space<vmem>>, vector<16xf32>,
        %get3A_245 = vector.shape_cast %get3A_244 : vector<16xf32> to vector<16xf32>
        %add3A_246 = arith.constant 624 : i32
        %add3A_247 = arith.addi %mul3A_47, %add3A_246 : i32
        %get3A_248 = arith.index_cast %add3A_247 : i32 to index
        %get3A_249 = tpu.vector_load %arg6[%get3A_248] {strides = array<i32>} : memref<64000xf32, #tpu.memory_space<vmem>>, vector<16xf32>,
        %get3A_250 = vector.shape_cast %get3A_249 : vector<16xf32> to vector<16xf32>
        %add3A_251 = arith.constant 640 : i32
        %add3A_252 = arith.addi %mul3A_47, %add3A_251 : i32
        %get3A_253 = arith.index_cast %add3A_252 : i32 to index
        %get3A_254 = tpu.vector_load %arg6[%get3A_253] {strides = array<i32>} : memref<64000xf32, #tpu.memory_space<vmem>>, vector<16xf32>,
        %get3A_255 = vector.shape_cast %get3A_254 : vector<16xf32> to vector<16xf32>
        %add3A_256 = arith.constant 656 : i32
        %add3A_257 = arith.addi %mul3A_47, %add3A_256 : i32
        %get3A_258 = arith.index_cast %add3A_257 : i32 to index
        %get3A_259 = tpu.vector_load %arg6[%get3A_258] {strides = array<i32>} : memref<64000xf32, #tpu.memory_space<vmem>>, vector<16xf32>,
        %get3A_260 = vector.shape_cast %get3A_259 : vector<16xf32> to vector<16xf32>
        %add3A_261 = arith.constant 672 : i32
        %add3A_262 = arith.addi %mul3A_47, %add3A_261 : i32
        %get3A_263 = arith.index_cast %add3A_262 : i32 to index
        %get3A_264 = tpu.vector_load %arg6[%get3A_263] {strides = array<i32>} : memref<64000xf32, #tpu.memory_space<vmem>>, vector<16xf32>,
        %get3A_265 = vector.shape_cast %get3A_264 : vector<16xf32> to vector<16xf32>
        %add3A_266 = arith.constant 688 : i32
        %add3A_267 = arith.addi %mul3A_47, %add3A_266 : i32
        %get3A_268 = arith.index_cast %add3A_267 : i32 to index
        %get3A_269 = tpu.vector_load %arg6[%get3A_268] {strides = array<i32>} : memref<64000xf32, #tpu.memory_space<vmem>>, vector<16xf32>,
        %get3A_270 = vector.shape_cast %get3A_269 : vector<16xf32> to vector<16xf32>
        %add3A_271 = arith.constant 704 : i32
        %add3A_272 = arith.addi %mul3A_47, %add3A_271 : i32
        %get3A_273 = arith.index_cast %add3A_272 : i32 to index
        %get3A_274 = tpu.vector_load %arg6[%get3A_273] {strides = array<i32>} : memref<64000xf32, #tpu.memory_space<vmem>>, vector<16xf32>,
        %get3A_275 = vector.shape_cast %get3A_274 : vector<16xf32> to vector<16xf32>
        %add3A_276 = arith.constant 720 : i32
        %add3A_277 = arith.addi %mul3A_47, %add3A_276 : i32
        %get3A_278 = arith.index_cast %add3A_277 : i32 to index
        %get3A_279 = tpu.vector_load %arg6[%get3A_278] {strides = array<i32>} : memref<64000xf32, #tpu.memory_space<vmem>>, vector<16xf32>,
        %get3A_280 = vector.shape_cast %get3A_279 : vector<16xf32> to vector<16xf32>
        %add3A_281 = arith.constant 736 : i32
        %add3A_282 = arith.addi %mul3A_47, %add3A_281 : i32
        %get3A_283 = arith.index_cast %add3A_282 : i32 to index
        %get3A_284 = tpu.vector_load %arg6[%get3A_283] {strides = array<i32>} : memref<64000xf32, #tpu.memory_space<vmem>>, vector<16xf32>,
        %get3A_285 = vector.shape_cast %get3A_284 : vector<16xf32> to vector<16xf32>
        %add3A_286 = arith.constant 752 : i32
        %add3A_287 = arith.addi %mul3A_47, %add3A_286 : i32
        %get3A_288 = arith.index_cast %add3A_287 : i32 to index
        %get3A_289 = tpu.vector_load %arg6[%get3A_288] {strides = array<i32>} : memref<64000xf32, #tpu.memory_space<vmem>>, vector<16xf32>,
        %get3A_290 = vector.shape_cast %get3A_289 : vector<16xf32> to vector<16xf32>
        %add3A_291 = arith.constant 768 : i32
        %add3A_292 = arith.addi %mul3A_47, %add3A_291 : i32
        %get3A_293 = arith.index_cast %add3A_292 : i32 to index
        %get3A_294 = tpu.vector_load %arg6[%get3A_293] {strides = array<i32>} : memref<64000xf32, #tpu.memory_space<vmem>>, vector<16xf32>,
        %get3A_295 = vector.shape_cast %get3A_294 : vector<16xf32> to vector<16xf32>
        %add3A_296 = arith.constant 784 : i32
        %add3A_297 = arith.addi %mul3A_47, %add3A_296 : i32
        %get3A_298 = arith.index_cast %add3A_297 : i32 to index
        %get3A_299 = tpu.vector_load %arg6[%get3A_298] {strides = array<i32>} : memref<64000xf32, #tpu.memory_space<vmem>>, vector<16xf32>,
        %get3A_300 = vector.shape_cast %get3A_299 : vector<16xf32> to vector<16xf32>
        %add3A_301 = arith.constant 800 : i32
        %add3A_302 = arith.addi %mul3A_47, %add3A_301 : i32
        %get3A_303 = arith.index_cast %add3A_302 : i32 to index
        %get3A_304 = tpu.vector_load %arg6[%get3A_303] {strides = array<i32>} : memref<64000xf32, #tpu.memory_space<vmem>>, vector<16xf32>,
        %get3A_305 = vector.shape_cast %get3A_304 : vector<16xf32> to vector<16xf32>
        %add3A_306 = arith.constant 816 : i32
        %add3A_307 = arith.addi %mul3A_47, %add3A_306 : i32
        %get3A_308 = arith.index_cast %add3A_307 : i32 to index
        %get3A_309 = tpu.vector_load %arg6[%get3A_308] {strides = array<i32>} : memref<64000xf32, #tpu.memory_space<vmem>>, vector<16xf32>,
        %get3A_310 = vector.shape_cast %get3A_309 : vector<16xf32> to vector<16xf32>
        %add3A_311 = arith.constant 832 : i32
        %add3A_312 = arith.addi %mul3A_47, %add3A_311 : i32
        %get3A_313 = arith.index_cast %add3A_312 : i32 to index
        %get3A_314 = tpu.vector_load %arg6[%get3A_313] {strides = array<i32>} : memref<64000xf32, #tpu.memory_space<vmem>>, vector<16xf32>,
        %get3A_315 = vector.shape_cast %get3A_314 : vector<16xf32> to vector<16xf32>
        %add3A_316 = arith.constant 848 : i32
        %add3A_317 = arith.addi %mul3A_47, %add3A_316 : i32
        %get3A_318 = arith.index_cast %add3A_317 : i32 to index
        %get3A_319 = tpu.vector_load %arg6[%get3A_318] {strides = array<i32>} : memref<64000xf32, #tpu.memory_space<vmem>>, vector<16xf32>,
        %get3A_320 = vector.shape_cast %get3A_319 : vector<16xf32> to vector<16xf32>
        %add3A_321 = arith.constant 864 : i32
        %add3A_322 = arith.addi %mul3A_47, %add3A_321 : i32
        %get3A_323 = arith.index_cast %add3A_322 : i32 to index
        %get3A_324 = tpu.vector_load %arg6[%get3A_323] {strides = array<i32>} : memref<64000xf32, #tpu.memory_space<vmem>>, vector<16xf32>,
        %get3A_325 = vector.shape_cast %get3A_324 : vector<16xf32> to vector<16xf32>
        %add3A_326 = arith.constant 880 : i32
        %add3A_327 = arith.addi %mul3A_47, %add3A_326 : i32
        %get3A_328 = arith.index_cast %add3A_327 : i32 to index
        %get3A_329 = tpu.vector_load %arg6[%get3A_328] {strides = array<i32>} : memref<64000xf32, #tpu.memory_space<vmem>>, vector<16xf32>,
        %get3A_330 = vector.shape_cast %get3A_329 : vector<16xf32> to vector<16xf32>
        %add3A_331 = arith.constant 896 : i32
        %add3A_332 = arith.addi %mul3A_47, %add3A_331 : i32
        %get3A_333 = arith.index_cast %add3A_332 : i32 to index
        %get3A_334 = tpu.vector_load %arg6[%get3A_333] {strides = array<i32>} : memref<64000xf32, #tpu.memory_space<vmem>>, vector<16xf32>,
        %get3A_335 = vector.shape_cast %get3A_334 : vector<16xf32> to vector<16xf32>
        %add3A_336 = arith.constant 912 : i32
        %add3A_337 = arith.addi %mul3A_47, %add3A_336 : i32
        %get3A_338 = arith.index_cast %add3A_337 : i32 to index
        %get3A_339 = tpu.vector_load %arg6[%get3A_338] {strides = array<i32>} : memref<64000xf32, #tpu.memory_space<vmem>>, vector<16xf32>,
        %get3A_340 = vector.shape_cast %get3A_339 : vector<16xf32> to vector<16xf32>
        %add3A_341 = arith.constant 928 : i32
        %add3A_342 = arith.addi %mul3A_47, %add3A_341 : i32
        %get3A_343 = arith.index_cast %add3A_342 : i32 to index
        %get3A_344 = tpu.vector_load %arg6[%get3A_343] {strides = array<i32>} : memref<64000xf32, #tpu.memory_space<vmem>>, vector<16xf32>,
        %get3A_345 = vector.shape_cast %get3A_344 : vector<16xf32> to vector<16xf32>
        %add3A_346 = arith.constant 944 : i32
        %add3A_347 = arith.addi %mul3A_47, %add3A_346 : i32
        %get3A_348 = arith.index_cast %add3A_347 : i32 to index
        %get3A_349 = tpu.vector_load %arg6[%get3A_348] {strides = array<i32>} : memref<64000xf32, #tpu.memory_space<vmem>>, vector<16xf32>,
        %get3A_350 = vector.shape_cast %get3A_349 : vector<16xf32> to vector<16xf32>
        %add3A_351 = arith.constant 960 : i32
        %add3A_352 = arith.addi %mul3A_47, %add3A_351 : i32
        %get3A_353 = arith.index_cast %add3A_352 : i32 to index
        %get3A_354 = tpu.vector_load %arg6[%get3A_353] {strides = array<i32>} : memref<64000xf32, #tpu.memory_space<vmem>>, vector<16xf32>,
        %get3A_355 = vector.shape_cast %get3A_354 : vector<16xf32> to vector<16xf32>
        %add3A_356 = arith.constant 976 : i32
        %add3A_357 = arith.addi %mul3A_47, %add3A_356 : i32
        %get3A_358 = arith.index_cast %add3A_357 : i32 to index
        %get3A_359 = tpu.vector_load %arg6[%get3A_358] {strides = array<i32>} : memref<64000xf32, #tpu.memory_space<vmem>>, vector<16xf32>,
        %get3A_360 = vector.shape_cast %get3A_359 : vector<16xf32> to vector<16xf32>
        %add3A_361 = arith.constant 984 : i32
        %add3A_362 = arith.addi %mul3A_47, %add3A_361 : i32
        %get3A_363 = arith.index_cast %add3A_362 : i32 to index
        %get3A_364 = tpu.vector_load %arg6[%get3A_363] {strides = array<i32>} : memref<64000xf32, #tpu.memory_space<vmem>>, vector<16xf32>,
        %get3A_365 = vector.shape_cast %get3A_364 : vector<16xf32> to vector<16xf32>
        %ge3A = arith.constant 8 : i32
        %ge3A_366 = vector.broadcast %ge3A : i32 to vector<16xi32>
        %ge3A_367 = arith.cmpi sge, %iota3A, %ge3A_366 : vector<16xi32>
        %max3A = arith.maximumf %get3A_55, %get3A_75 : vector<16xf32>
        %max3A_368 = arith.maximumf %get3A_60, %get3A_80 : vector<16xf32>
        %max3A_369 = arith.maximumf %get3A_65, %get3A_85 : vector<16xf32>
        %max3A_370 = arith.maximumf %get3A_70, %get3A_90 : vector<16xf32>
        %max3A_371 = arith.maximumf %max3A, %get3A_95 : vector<16xf32>
        %max3A_372 = arith.maximumf %max3A_368, %get3A_100 : vector<16xf32>
        %max3A_373 = arith.maximumf %max3A_369, %get3A_105 : vector<16xf32>
        %max3A_374 = arith.maximumf %max3A_370, %get3A_110 : vector<16xf32>
        %max3A_375 = arith.maximumf %max3A_371, %get3A_115 : vector<16xf32>
        %max3A_376 = arith.maximumf %max3A_372, %get3A_120 : vector<16xf32>
        %max3A_377 = arith.maximumf %max3A_373, %get3A_125 : vector<16xf32>
        %max3A_378 = arith.maximumf %max3A_374, %get3A_130 : vector<16xf32>
        %max3A_379 = arith.maximumf %max3A_375, %get3A_135 : vector<16xf32>
        %max3A_380 = arith.maximumf %max3A_376, %get3A_140 : vector<16xf32>
        %max3A_381 = arith.maximumf %max3A_377, %get3A_145 : vector<16xf32>
        %max3A_382 = arith.maximumf %max3A_378, %get3A_150 : vector<16xf32>
        %max3A_383 = arith.maximumf %max3A_379, %get3A_155 : vector<16xf32>
        %max3A_384 = arith.maximumf %max3A_380, %get3A_160 : vector<16xf32>
        %max3A_385 = arith.maximumf %max3A_381, %get3A_165 : vector<16xf32>
        %max3A_386 = arith.maximumf %max3A_382, %get3A_170 : vector<16xf32>
        %max3A_387 = arith.maximumf %max3A_383, %get3A_175 : vector<16xf32>
        %max3A_388 = arith.maximumf %max3A_384, %get3A_180 : vector<16xf32>
        %max3A_389 = arith.maximumf %max3A_385, %get3A_185 : vector<16xf32>
        %max3A_390 = arith.maximumf %max3A_386, %get3A_190 : vector<16xf32>
        %max3A_391 = arith.maximumf %max3A_387, %get3A_195 : vector<16xf32>
        %max3A_392 = arith.maximumf %max3A_388, %get3A_200 : vector<16xf32>
        %max3A_393 = arith.maximumf %max3A_389, %get3A_205 : vector<16xf32>
        %max3A_394 = arith.maximumf %max3A_390, %get3A_210 : vector<16xf32>
        %max3A_395 = arith.maximumf %max3A_391, %get3A_215 : vector<16xf32>
        %max3A_396 = arith.maximumf %max3A_392, %get3A_220 : vector<16xf32>
        %max3A_397 = arith.maximumf %max3A_393, %get3A_225 : vector<16xf32>
        %max3A_398 = arith.maximumf %max3A_394, %get3A_230 : vector<16xf32>
        %max3A_399 = arith.maximumf %max3A_395, %get3A_235 : vector<16xf32>
        %max3A_400 = arith.maximumf %max3A_396, %get3A_240 : vector<16xf32>
        %max3A_401 = arith.maximumf %max3A_397, %get3A_245 : vector<16xf32>
        %max3A_402 = arith.maximumf %max3A_398, %get3A_250 : vector<16xf32>
        %max3A_403 = arith.maximumf %max3A_399, %get3A_255 : vector<16xf32>
        %max3A_404 = arith.maximumf %max3A_400, %get3A_260 : vector<16xf32>
        %max3A_405 = arith.maximumf %max3A_401, %get3A_265 : vector<16xf32>
        %max3A_406 = arith.maximumf %max3A_402, %get3A_270 : vector<16xf32>
        %max3A_407 = arith.maximumf %max3A_403, %get3A_275 : vector<16xf32>
        %max3A_408 = arith.maximumf %max3A_404, %get3A_280 : vector<16xf32>
        %max3A_409 = arith.maximumf %max3A_405, %get3A_285 : vector<16xf32>
        %max3A_410 = arith.maximumf %max3A_406, %get3A_290 : vector<16xf32>
        %max3A_411 = arith.maximumf %max3A_407, %get3A_295 : vector<16xf32>
        %max3A_412 = arith.maximumf %max3A_408, %get3A_300 : vector<16xf32>
        %max3A_413 = arith.maximumf %max3A_409, %get3A_305 : vector<16xf32>
        %max3A_414 = arith.maximumf %max3A_410, %get3A_310 : vector<16xf32>
        %max3A_415 = arith.maximumf %max3A_411, %get3A_315 : vector<16xf32>
        %max3A_416 = arith.maximumf %max3A_412, %get3A_320 : vector<16xf32>
        %max3A_417 = arith.maximumf %max3A_413, %get3A_325 : vector<16xf32>
        %max3A_418 = arith.maximumf %max3A_414, %get3A_330 : vector<16xf32>
        %max3A_419 = arith.maximumf %max3A_415, %get3A_335 : vector<16xf32>
        %max3A_420 = arith.maximumf %max3A_416, %get3A_340 : vector<16xf32>
        %max3A_421 = arith.maximumf %max3A_417, %get3A_345 : vector<16xf32>
        %max3A_422 = arith.maximumf %max3A_418, %get3A_350 : vector<16xf32>
        %max3A_423 = arith.maximumf %max3A_419, %get3A_355 : vector<16xf32>
        %max3A_424 = arith.maximumf %max3A_420, %get3A_360 : vector<16xf32>
        %max3A_425 = arith.maximumf %max3A_423, %max3A_424 : vector<16xf32>
        %max3A_426 = arith.maximumf %max3A_421, %max3A_422 : vector<16xf32>
        %max3A_427 = arith.maximumf %max3A_425, %max3A_426 : vector<16xf32>
        %jit3A = arith.constant -3.000000e+38 : f32
        %broadcast_in_dim3A_428 = vector.broadcast %jit3A : f32 to vector<16xf32>
        %select_n3A = arith.select %ge3A_367, %get3A_365, %broadcast_in_dim3A_428 : vector<16xi1>, vector<16xf32>
        %max3A_429 = arith.maximumf %max3A_427, %select_n3A : vector<16xf32>
        %iota3A_430 = tpu.iota {dimensions = array<i32: 0>} : vector<16xi32>
        %add3A_431 = arith.constant 8 : i32
        %add3A_432 = vector.broadcast %add3A_431 : i32 to vector<16xi32>
        %add3A_433 = arith.addi %iota3A_430, %add3A_432 : vector<16xi32>
        %jit3A_434 = arith.constant 16 : i32
        %eq3A = arith.constant 0 : i32
        %eq3A_435 = arith.cmpi eq, %jit3A_434, %eq3A : i32
        %jit3A_436 = arith.constant 1 : i32
        %select_n3A_437 = arith.select %eq3A_435, %jit3A_436, %jit3A_434 : i32
        %rem3A = vector.broadcast %select_n3A_437 : i32 to vector<16xi32>
        %rem3A_438 = arith.remsi %add3A_433, %rem3A : vector<16xi32>
        %ne3A = arith.constant 0 : i32
        %ne3A_439 = vector.broadcast %ne3A : i32 to vector<16xi32>
        %ne3A_440 = arith.cmpi ne, %rem3A_438, %ne3A_439 : vector<16xi32>
        %lt3A = arith.constant 0 : i32
        %lt3A_441 = vector.broadcast %lt3A : i32 to vector<16xi32>
        %lt3A_442 = arith.cmpi slt, %rem3A_438, %lt3A_441 : vector<16xi32>
        %lt3A_443 = arith.constant 0 : i32
        %lt3A_444 = arith.cmpi slt, %select_n3A_437, %lt3A_443 : i32
        %ne3A_445 = vector.broadcast %lt3A_444 : i1 to vector<16xi1>
        %ne3A_446 = vector.broadcast %ne3A_445 : vector<16xi1> to vector<16xi1>
        %ne3A_447 = arith.xori %lt3A_442, %ne3A_446 : vector<16xi1>
        %and3A = arith.andi %ne3A_447, %ne3A_440 : vector<16xi1>
        %add3A_448 = vector.broadcast %select_n3A_437 : i32 to vector<16xi32>
        %add3A_449 = arith.addi %rem3A_438, %add3A_448 : vector<16xi32>
        %select_n3A_450 = arith.select %and3A, %add3A_449, %rem3A_438 : vector<16xi1>, vector<16xi32>
        %broadcast_in_dim3A_451 = vector.shape_cast %select_n3A_450 : vector<16xi32> to vector<16x1xi32>
        %gather3A = vector.shape_cast %broadcast_in_dim3A_451 : vector<16x1xi32> to vector<16xi32>
        %gather3A_452 = tpu.dynamic_gather %max3A_429[%gather3A] in [0] : vector<16xf32>, vector<16xi32> -> vector<16xf32>
        %max3A_453 = arith.maximumf %max3A_429, %gather3A_452 : vector<16xf32>
        %iota3A_454 = tpu.iota {dimensions = array<i32: 0>} : vector<16xi32>
        %add3A_455 = arith.constant 4 : i32
        %add3A_456 = vector.broadcast %add3A_455 : i32 to vector<16xi32>
        %add3A_457 = arith.addi %iota3A_454, %add3A_456 : vector<16xi32>
        %jit3A_458 = arith.constant 16 : i32
        %eq3A_459 = arith.constant 0 : i32
        %eq3A_460 = arith.cmpi eq, %jit3A_458, %eq3A_459 : i32
        %jit3A_461 = arith.constant 1 : i32
        %select_n3A_462 = arith.select %eq3A_460, %jit3A_461, %jit3A_458 : i32
        %rem3A_463 = vector.broadcast %select_n3A_462 : i32 to vector<16xi32>
        %rem3A_464 = arith.remsi %add3A_457, %rem3A_463 : vector<16xi32>
        %ne3A_465 = arith.constant 0 : i32
        %ne3A_466 = vector.broadcast %ne3A_465 : i32 to vector<16xi32>
        %ne3A_467 = arith.cmpi ne, %rem3A_464, %ne3A_466 : vector<16xi32>
        %lt3A_468 = arith.constant 0 : i32
        %lt3A_469 = vector.broadcast %lt3A_468 : i32 to vector<16xi32>
        %lt3A_470 = arith.cmpi slt, %rem3A_464, %lt3A_469 : vector<16xi32>
        %lt3A_471 = arith.constant 0 : i32
        %lt3A_472 = arith.cmpi slt, %select_n3A_462, %lt3A_471 : i32
        %ne3A_473 = vector.broadcast %lt3A_472 : i1 to vector<16xi1>
        %ne3A_474 = vector.broadcast %ne3A_473 : vector<16xi1> to vector<16xi1>
        %ne3A_475 = arith.xori %lt3A_470, %ne3A_474 : vector<16xi1>
        %and3A_476 = arith.andi %ne3A_475, %ne3A_467 : vector<16xi1>
        %add3A_477 = vector.broadcast %select_n3A_462 : i32 to vector<16xi32>
        %add3A_478 = arith.addi %rem3A_464, %add3A_477 : vector<16xi32>
        %select_n3A_479 = arith.select %and3A_476, %add3A_478, %rem3A_464 : vector<16xi1>, vector<16xi32>
        %broadcast_in_dim3A_480 = vector.shape_cast %select_n3A_479 : vector<16xi32> to vector<16x1xi32>
        %gather3A_481 = vector.shape_cast %broadcast_in_dim3A_480 : vector<16x1xi32> to vector<16xi32>
        %gather3A_482 = tpu.dynamic_gather %max3A_453[%gather3A_481] in [0] : vector<16xf32>, vector<16xi32> -> vector<16xf32>
        %max3A_483 = arith.maximumf %max3A_453, %gather3A_482 : vector<16xf32>
        %iota3A_484 = tpu.iota {dimensions = array<i32: 0>} : vector<16xi32>
        %add3A_485 = arith.constant 2 : i32
        %add3A_486 = vector.broadcast %add3A_485 : i32 to vector<16xi32>
        %add3A_487 = arith.addi %iota3A_484, %add3A_486 : vector<16xi32>
        %jit3A_488 = arith.constant 16 : i32
        %eq3A_489 = arith.constant 0 : i32
        %eq3A_490 = arith.cmpi eq, %jit3A_488, %eq3A_489 : i32
        %jit3A_491 = arith.constant 1 : i32
        %select_n3A_492 = arith.select %eq3A_490, %jit3A_491, %jit3A_488 : i32
        %rem3A_493 = vector.broadcast %select_n3A_492 : i32 to vector<16xi32>
        %rem3A_494 = arith.remsi %add3A_487, %rem3A_493 : vector<16xi32>
        %ne3A_495 = arith.constant 0 : i32
        %ne3A_496 = vector.broadcast %ne3A_495 : i32 to vector<16xi32>
        %ne3A_497 = arith.cmpi ne, %rem3A_494, %ne3A_496 : vector<16xi32>
        %lt3A_498 = arith.constant 0 : i32
        %lt3A_499 = vector.broadcast %lt3A_498 : i32 to vector<16xi32>
        %lt3A_500 = arith.cmpi slt, %rem3A_494, %lt3A_499 : vector<16xi32>
        %lt3A_501 = arith.constant 0 : i32
        %lt3A_502 = arith.cmpi slt, %select_n3A_492, %lt3A_501 : i32
        %ne3A_503 = vector.broadcast %lt3A_502 : i1 to vector<16xi1>
        %ne3A_504 = vector.broadcast %ne3A_503 : vector<16xi1> to vector<16xi1>
        %ne3A_505 = arith.xori %lt3A_500, %ne3A_504 : vector<16xi1>
        %and3A_506 = arith.andi %ne3A_505, %ne3A_497 : vector<16xi1>
        %add3A_507 = vector.broadcast %select_n3A_492 : i32 to vector<16xi32>
        %add3A_508 = arith.addi %rem3A_494, %add3A_507 : vector<16xi32>
        %select_n3A_509 = arith.select %and3A_506, %add3A_508, %rem3A_494 : vector<16xi1>, vector<16xi32>
        %broadcast_in_dim3A_510 = vector.shape_cast %select_n3A_509 : vector<16xi32> to vector<16x1xi32>
        %gather3A_511 = vector.shape_cast %broadcast_in_dim3A_510 : vector<16x1xi32> to vector<16xi32>
        %gather3A_512 = tpu.dynamic_gather %max3A_483[%gather3A_511] in [0] : vector<16xf32>, vector<16xi32> -> vector<16xf32>
        %max3A_513 = arith.maximumf %max3A_483, %gather3A_512 : vector<16xf32>
        %iota3A_514 = tpu.iota {dimensions = array<i32: 0>} : vector<16xi32>
        %add3A_515 = arith.constant 1 : i32
        %add3A_516 = vector.broadcast %add3A_515 : i32 to vector<16xi32>
        %add3A_517 = arith.addi %iota3A_514, %add3A_516 : vector<16xi32>
        %jit3A_518 = arith.constant 16 : i32
        %eq3A_519 = arith.constant 0 : i32
        %eq3A_520 = arith.cmpi eq, %jit3A_518, %eq3A_519 : i32
        %jit3A_521 = arith.constant 1 : i32
        %select_n3A_522 = arith.select %eq3A_520, %jit3A_521, %jit3A_518 : i32
        %rem3A_523 = vector.broadcast %select_n3A_522 : i32 to vector<16xi32>
        %rem3A_524 = arith.remsi %add3A_517, %rem3A_523 : vector<16xi32>
        %ne3A_525 = arith.constant 0 : i32
        %ne3A_526 = vector.broadcast %ne3A_525 : i32 to vector<16xi32>
        %ne3A_527 = arith.cmpi ne, %rem3A_524, %ne3A_526 : vector<16xi32>
        %lt3A_528 = arith.constant 0 : i32
        %lt3A_529 = vector.broadcast %lt3A_528 : i32 to vector<16xi32>
        %lt3A_530 = arith.cmpi slt, %rem3A_524, %lt3A_529 : vector<16xi32>
        %lt3A_531 = arith.constant 0 : i32
        %lt3A_532 = arith.cmpi slt, %select_n3A_522, %lt3A_531 : i32
        %ne3A_533 = vector.broadcast %lt3A_532 : i1 to vector<16xi1>
        %ne3A_534 = vector.broadcast %ne3A_533 : vector<16xi1> to vector<16xi1>
        %ne3A_535 = arith.xori %lt3A_530, %ne3A_534 : vector<16xi1>
        %and3A_536 = arith.andi %ne3A_535, %ne3A_527 : vector<16xi1>
        %add3A_537 = vector.broadcast %select_n3A_522 : i32 to vector<16xi32>
        %add3A_538 = arith.addi %rem3A_524, %add3A_537 : vector<16xi32>
        %select_n3A_539 = arith.select %and3A_536, %add3A_538, %rem3A_524 : vector<16xi1>, vector<16xi32>
        %broadcast_in_dim3A_540 = vector.shape_cast %select_n3A_539 : vector<16xi32> to vector<16x1xi32>
        %gather3A_541 = vector.shape_cast %broadcast_in_dim3A_540 : vector<16x1xi32> to vector<16xi32>
        %gather3A_542 = tpu.dynamic_gather %max3A_513[%gather3A_541] in [0] : vector<16xf32>, vector<16xi32> -> vector<16xf32>
        %max3A_543 = arith.maximumf %max3A_513, %gather3A_542 : vector<16xf32>
        %sub3A = arith.subf %get3A_55, %max3A_543 : vector<16xf32>
        %exp3A = math.exp %sub3A : vector<16xf32>
        %sub3A_544 = arith.subf %get3A_60, %max3A_543 : vector<16xf32>
        %exp3A_545 = math.exp %sub3A_544 : vector<16xf32>
        %sub3A_546 = arith.subf %get3A_65, %max3A_543 : vector<16xf32>
        %exp3A_547 = math.exp %sub3A_546 : vector<16xf32>
        %sub3A_548 = arith.subf %get3A_70, %max3A_543 : vector<16xf32>
        %exp3A_549 = math.exp %sub3A_548 : vector<16xf32>
        %add3A_550 = arith.constant 0 : i32
        %add3A_551 = vector.broadcast %add3A_550 : i32 to vector<16xi32>
        %add3A_552 = arith.addi %add3A_551, %iota3A : vector<16xi32>
        %eq3A_553 = vector.broadcast %squeeze3A : i32 to vector<16xi32>
        %eq3A_554 = arith.cmpi eq, %add3A_552, %eq3A_553 : vector<16xi32>
        %jit3A_555 = arith.constant -3.000000e+38 : f32
        %broadcast_in_dim3A_556 = vector.broadcast %jit3A_555 : f32 to vector<16xf32>
        %select_n3A_557 = arith.select %eq3A_554, %get3A_55, %broadcast_in_dim3A_556 : vector<16xi1>, vector<16xf32>
        %add3A_558 = arith.constant 16 : i32
        %add3A_559 = vector.broadcast %add3A_558 : i32 to vector<16xi32>
        %add3A_560 = arith.addi %add3A_559, %iota3A : vector<16xi32>
        %eq3A_561 = vector.broadcast %squeeze3A : i32 to vector<16xi32>
        %eq3A_562 = arith.cmpi eq, %add3A_560, %eq3A_561 : vector<16xi32>
        %jit3A_563 = arith.constant -3.000000e+38 : f32
        %broadcast_in_dim3A_564 = vector.broadcast %jit3A_563 : f32 to vector<16xf32>
        %select_n3A_565 = arith.select %eq3A_562, %get3A_60, %broadcast_in_dim3A_564 : vector<16xi1>, vector<16xf32>
        %add3A_566 = arith.constant 32 : i32
        %add3A_567 = vector.broadcast %add3A_566 : i32 to vector<16xi32>
        %add3A_568 = arith.addi %add3A_567, %iota3A : vector<16xi32>
        %eq3A_569 = vector.broadcast %squeeze3A : i32 to vector<16xi32>
        %eq3A_570 = arith.cmpi eq, %add3A_568, %eq3A_569 : vector<16xi32>
        %jit3A_571 = arith.constant -3.000000e+38 : f32
        %broadcast_in_dim3A_572 = vector.broadcast %jit3A_571 : f32 to vector<16xf32>
        %select_n3A_573 = arith.select %eq3A_570, %get3A_65, %broadcast_in_dim3A_572 : vector<16xi1>, vector<16xf32>
        %add3A_574 = arith.constant 48 : i32
        %add3A_575 = vector.broadcast %add3A_574 : i32 to vector<16xi32>
        %add3A_576 = arith.addi %add3A_575, %iota3A : vector<16xi32>
        %eq3A_577 = vector.broadcast %squeeze3A : i32 to vector<16xi32>
        %eq3A_578 = arith.cmpi eq, %add3A_576, %eq3A_577 : vector<16xi32>
        %jit3A_579 = arith.constant -3.000000e+38 : f32
        %broadcast_in_dim3A_580 = vector.broadcast %jit3A_579 : f32 to vector<16xf32>
        %select_n3A_581 = arith.select %eq3A_578, %get3A_70, %broadcast_in_dim3A_580 : vector<16xi1>, vector<16xf32>
        %sub3A_582 = arith.subf %get3A_75, %max3A_543 : vector<16xf32>
        %exp3A_583 = math.exp %sub3A_582 : vector<16xf32>
        %add3A_584 = arith.addf %exp3A, %exp3A_583 : vector<16xf32>
        %add3A_585 = arith.constant 64 : i32
        %add3A_586 = vector.broadcast %add3A_585 : i32 to vector<16xi32>
        %add3A_587 = arith.addi %add3A_586, %iota3A : vector<16xi32>
        %eq3A_588 = vector.broadcast %squeeze3A : i32 to vector<16xi32>
        %eq3A_589 = arith.cmpi eq, %add3A_587, %eq3A_588 : vector<16xi32>
        %jit3A_590 = arith.constant -3.000000e+38 : f32
        %broadcast_in_dim3A_591 = vector.broadcast %jit3A_590 : f32 to vector<16xf32>
        %select_n3A_592 = arith.select %eq3A_589, %get3A_75, %broadcast_in_dim3A_591 : vector<16xi1>, vector<16xf32>
        %max3A_593 = arith.maximumf %select_n3A_557, %select_n3A_592 : vector<16xf32>
        %sub3A_594 = arith.subf %get3A_80, %max3A_543 : vector<16xf32>
        %exp3A_595 = math.exp %sub3A_594 : vector<16xf32>
        %add3A_596 = arith.addf %exp3A_545, %exp3A_595 : vector<16xf32>
        %add3A_597 = arith.constant 80 : i32
        %add3A_598 = vector.broadcast %add3A_597 : i32 to vector<16xi32>
        %add3A_599 = arith.addi %add3A_598, %iota3A : vector<16xi32>
        %eq3A_600 = vector.broadcast %squeeze3A : i32 to vector<16xi32>
        %eq3A_601 = arith.cmpi eq, %add3A_599, %eq3A_600 : vector<16xi32>
        %jit3A_602 = arith.constant -3.000000e+38 : f32
        %broadcast_in_dim3A_603 = vector.broadcast %jit3A_602 : f32 to vector<16xf32>
        %select_n3A_604 = arith.select %eq3A_601, %get3A_80, %broadcast_in_dim3A_603 : vector<16xi1>, vector<16xf32>
        %max3A_605 = arith.maximumf %select_n3A_565, %select_n3A_604 : vector<16xf32>
        %sub3A_606 = arith.subf %get3A_85, %max3A_543 : vector<16xf32>
        %exp3A_607 = math.exp %sub3A_606 : vector<16xf32>
        %add3A_608 = arith.addf %exp3A_547, %exp3A_607 : vector<16xf32>
        %add3A_609 = arith.constant 96 : i32
        %add3A_610 = vector.broadcast %add3A_609 : i32 to vector<16xi32>
        %add3A_611 = arith.addi %add3A_610, %iota3A : vector<16xi32>
        %eq3A_612 = vector.broadcast %squeeze3A : i32 to vector<16xi32>
        %eq3A_613 = arith.cmpi eq, %add3A_611, %eq3A_612 : vector<16xi32>
        %jit3A_614 = arith.constant -3.000000e+38 : f32
        %broadcast_in_dim3A_615 = vector.broadcast %jit3A_614 : f32 to vector<16xf32>
        %select_n3A_616 = arith.select %eq3A_613, %get3A_85, %broadcast_in_dim3A_615 : vector<16xi1>, vector<16xf32>
        %max3A_617 = arith.maximumf %select_n3A_573, %select_n3A_616 : vector<16xf32>
        %sub3A_618 = arith.subf %get3A_90, %max3A_543 : vector<16xf32>
        %exp3A_619 = math.exp %sub3A_618 : vector<16xf32>
        %add3A_620 = arith.addf %exp3A_549, %exp3A_619 : vector<16xf32>
        %add3A_621 = arith.constant 112 : i32
        %add3A_622 = vector.broadcast %add3A_621 : i32 to vector<16xi32>
        %add3A_623 = arith.addi %add3A_622, %iota3A : vector<16xi32>
        %eq3A_624 = vector.broadcast %squeeze3A : i32 to vector<16xi32>
        %eq3A_625 = arith.cmpi eq, %add3A_623, %eq3A_624 : vector<16xi32>
        %jit3A_626 = arith.constant -3.000000e+38 : f32
        %broadcast_in_dim3A_627 = vector.broadcast %jit3A_626 : f32 to vector<16xf32>
        %select_n3A_628 = arith.select %eq3A_625, %get3A_90, %broadcast_in_dim3A_627 : vector<16xi1>, vector<16xf32>
        %max3A_629 = arith.maximumf %select_n3A_581, %select_n3A_628 : vector<16xf32>
        %sub3A_630 = arith.subf %get3A_95, %max3A_543 : vector<16xf32>
        %exp3A_631 = math.exp %sub3A_630 : vector<16xf32>
        %add3A_632 = arith.addf %add3A_584, %exp3A_631 : vector<16xf32>
        %add3A_633 = arith.constant 128 : i32
        %add3A_634 = vector.broadcast %add3A_633 : i32 to vector<16xi32>
        %add3A_635 = arith.addi %add3A_634, %iota3A : vector<16xi32>
        %eq3A_636 = vector.broadcast %squeeze3A : i32 to vector<16xi32>
        %eq3A_637 = arith.cmpi eq, %add3A_635, %eq3A_636 : vector<16xi32>
        %jit3A_638 = arith.constant -3.000000e+38 : f32
        %broadcast_in_dim3A_639 = vector.broadcast %jit3A_638 : f32 to vector<16xf32>
        %select_n3A_640 = arith.select %eq3A_637, %get3A_95, %broadcast_in_dim3A_639 : vector<16xi1>, vector<16xf32>
        %max3A_641 = arith.maximumf %max3A_593, %select_n3A_640 : vector<16xf32>
        %sub3A_642 = arith.subf %get3A_100, %max3A_543 : vector<16xf32>
        %exp3A_643 = math.exp %sub3A_642 : vector<16xf32>
        %add3A_644 = arith.addf %add3A_596, %exp3A_643 : vector<16xf32>
        %add3A_645 = arith.constant 144 : i32
        %add3A_646 = vector.broadcast %add3A_645 : i32 to vector<16xi32>
        %add3A_647 = arith.addi %add3A_646, %iota3A : vector<16xi32>
        %eq3A_648 = vector.broadcast %squeeze3A : i32 to vector<16xi32>
        %eq3A_649 = arith.cmpi eq, %add3A_647, %eq3A_648 : vector<16xi32>
        %jit3A_650 = arith.constant -3.000000e+38 : f32
        %broadcast_in_dim3A_651 = vector.broadcast %jit3A_650 : f32 to vector<16xf32>
        %select_n3A_652 = arith.select %eq3A_649, %get3A_100, %broadcast_in_dim3A_651 : vector<16xi1>, vector<16xf32>
        %max3A_653 = arith.maximumf %max3A_605, %select_n3A_652 : vector<16xf32>
        %sub3A_654 = arith.subf %get3A_105, %max3A_543 : vector<16xf32>
        %exp3A_655 = math.exp %sub3A_654 : vector<16xf32>
        %add3A_656 = arith.addf %add3A_608, %exp3A_655 : vector<16xf32>
        %add3A_657 = arith.constant 160 : i32
        %add3A_658 = vector.broadcast %add3A_657 : i32 to vector<16xi32>
        %add3A_659 = arith.addi %add3A_658, %iota3A : vector<16xi32>
        %eq3A_660 = vector.broadcast %squeeze3A : i32 to vector<16xi32>
        %eq3A_661 = arith.cmpi eq, %add3A_659, %eq3A_660 : vector<16xi32>
        %jit3A_662 = arith.constant -3.000000e+38 : f32
        %broadcast_in_dim3A_663 = vector.broadcast %jit3A_662 : f32 to vector<16xf32>
        %select_n3A_664 = arith.select %eq3A_661, %get3A_105, %broadcast_in_dim3A_663 : vector<16xi1>, vector<16xf32>
        %max3A_665 = arith.maximumf %max3A_617, %select_n3A_664 : vector<16xf32>
        %sub3A_666 = arith.subf %get3A_110, %max3A_543 : vector<16xf32>
        %exp3A_667 = math.exp %sub3A_666 : vector<16xf32>
        %add3A_668 = arith.addf %add3A_620, %exp3A_667 : vector<16xf32>
        %add3A_669 = arith.constant 176 : i32
        %add3A_670 = vector.broadcast %add3A_669 : i32 to vector<16xi32>
        %add3A_671 = arith.addi %add3A_670, %iota3A : vector<16xi32>
        %eq3A_672 = vector.broadcast %squeeze3A : i32 to vector<16xi32>
        %eq3A_673 = arith.cmpi eq, %add3A_671, %eq3A_672 : vector<16xi32>
        %jit3A_674 = arith.constant -3.000000e+38 : f32
        %broadcast_in_dim3A_675 = vector.broadcast %jit3A_674 : f32 to vector<16xf32>
        %select_n3A_676 = arith.select %eq3A_673, %get3A_110, %broadcast_in_dim3A_675 : vector<16xi1>, vector<16xf32>
        %max3A_677 = arith.maximumf %max3A_629, %select_n3A_676 : vector<16xf32>
        %sub3A_678 = arith.subf %get3A_115, %max3A_543 : vector<16xf32>
        %exp3A_679 = math.exp %sub3A_678 : vector<16xf32>
        %add3A_680 = arith.addf %add3A_632, %exp3A_679 : vector<16xf32>
        %add3A_681 = arith.constant 192 : i32
        %add3A_682 = vector.broadcast %add3A_681 : i32 to vector<16xi32>
        %add3A_683 = arith.addi %add3A_682, %iota3A : vector<16xi32>
        %eq3A_684 = vector.broadcast %squeeze3A : i32 to vector<16xi32>
        %eq3A_685 = arith.cmpi eq, %add3A_683, %eq3A_684 : vector<16xi32>
        %jit3A_686 = arith.constant -3.000000e+38 : f32
        %broadcast_in_dim3A_687 = vector.broadcast %jit3A_686 : f32 to vector<16xf32>
        %select_n3A_688 = arith.select %eq3A_685, %get3A_115, %broadcast_in_dim3A_687 : vector<16xi1>, vector<16xf32>
        %max3A_689 = arith.maximumf %max3A_641, %select_n3A_688 : vector<16xf32>
        %sub3A_690 = arith.subf %get3A_120, %max3A_543 : vector<16xf32>
        %exp3A_691 = math.exp %sub3A_690 : vector<16xf32>
        %add3A_692 = arith.addf %add3A_644, %exp3A_691 : vector<16xf32>
        %add3A_693 = arith.constant 208 : i32
        %add3A_694 = vector.broadcast %add3A_693 : i32 to vector<16xi32>
        %add3A_695 = arith.addi %add3A_694, %iota3A : vector<16xi32>
        %eq3A_696 = vector.broadcast %squeeze3A : i32 to vector<16xi32>
        %eq3A_697 = arith.cmpi eq, %add3A_695, %eq3A_696 : vector<16xi32>
        %jit3A_698 = arith.constant -3.000000e+38 : f32
        %broadcast_in_dim3A_699 = vector.broadcast %jit3A_698 : f32 to vector<16xf32>
        %select_n3A_700 = arith.select %eq3A_697, %get3A_120, %broadcast_in_dim3A_699 : vector<16xi1>, vector<16xf32>
        %max3A_701 = arith.maximumf %max3A_653, %select_n3A_700 : vector<16xf32>
        %sub3A_702 = arith.subf %get3A_125, %max3A_543 : vector<16xf32>
        %exp3A_703 = math.exp %sub3A_702 : vector<16xf32>
        %add3A_704 = arith.addf %add3A_656, %exp3A_703 : vector<16xf32>
        %add3A_705 = arith.constant 224 : i32
        %add3A_706 = vector.broadcast %add3A_705 : i32 to vector<16xi32>
        %add3A_707 = arith.addi %add3A_706, %iota3A : vector<16xi32>
        %eq3A_708 = vector.broadcast %squeeze3A : i32 to vector<16xi32>
        %eq3A_709 = arith.cmpi eq, %add3A_707, %eq3A_708 : vector<16xi32>
        %jit3A_710 = arith.constant -3.000000e+38 : f32
        %broadcast_in_dim3A_711 = vector.broadcast %jit3A_710 : f32 to vector<16xf32>
        %select_n3A_712 = arith.select %eq3A_709, %get3A_125, %broadcast_in_dim3A_711 : vector<16xi1>, vector<16xf32>
        %max3A_713 = arith.maximumf %max3A_665, %select_n3A_712 : vector<16xf32>
        %sub3A_714 = arith.subf %get3A_130, %max3A_543 : vector<16xf32>
        %exp3A_715 = math.exp %sub3A_714 : vector<16xf32>
        %add3A_716 = arith.addf %add3A_668, %exp3A_715 : vector<16xf32>
        %add3A_717 = arith.constant 240 : i32
        %add3A_718 = vector.broadcast %add3A_717 : i32 to vector<16xi32>
        %add3A_719 = arith.addi %add3A_718, %iota3A : vector<16xi32>
        %eq3A_720 = vector.broadcast %squeeze3A : i32 to vector<16xi32>
        %eq3A_721 = arith.cmpi eq, %add3A_719, %eq3A_720 : vector<16xi32>
        %jit3A_722 = arith.constant -3.000000e+38 : f32
        %broadcast_in_dim3A_723 = vector.broadcast %jit3A_722 : f32 to vector<16xf32>
        %select_n3A_724 = arith.select %eq3A_721, %get3A_130, %broadcast_in_dim3A_723 : vector<16xi1>, vector<16xf32>
        %max3A_725 = arith.maximumf %max3A_677, %select_n3A_724 : vector<16xf32>
        %sub3A_726 = arith.subf %get3A_135, %max3A_543 : vector<16xf32>
        %exp3A_727 = math.exp %sub3A_726 : vector<16xf32>
        %add3A_728 = arith.addf %add3A_680, %exp3A_727 : vector<16xf32>
        %add3A_729 = arith.constant 256 : i32
        %add3A_730 = vector.broadcast %add3A_729 : i32 to vector<16xi32>
        %add3A_731 = arith.addi %add3A_730, %iota3A : vector<16xi32>
        %eq3A_732 = vector.broadcast %squeeze3A : i32 to vector<16xi32>
        %eq3A_733 = arith.cmpi eq, %add3A_731, %eq3A_732 : vector<16xi32>
        %jit3A_734 = arith.constant -3.000000e+38 : f32
        %broadcast_in_dim3A_735 = vector.broadcast %jit3A_734 : f32 to vector<16xf32>
        %select_n3A_736 = arith.select %eq3A_733, %get3A_135, %broadcast_in_dim3A_735 : vector<16xi1>, vector<16xf32>
        %max3A_737 = arith.maximumf %max3A_689, %select_n3A_736 : vector<16xf32>
        %sub3A_738 = arith.subf %get3A_140, %max3A_543 : vector<16xf32>
        %exp3A_739 = math.exp %sub3A_738 : vector<16xf32>
        %add3A_740 = arith.addf %add3A_692, %exp3A_739 : vector<16xf32>
        %add3A_741 = arith.constant 272 : i32
        %add3A_742 = vector.broadcast %add3A_741 : i32 to vector<16xi32>
        %add3A_743 = arith.addi %add3A_742, %iota3A : vector<16xi32>
        %eq3A_744 = vector.broadcast %squeeze3A : i32 to vector<16xi32>
        %eq3A_745 = arith.cmpi eq, %add3A_743, %eq3A_744 : vector<16xi32>
        %jit3A_746 = arith.constant -3.000000e+38 : f32
        %broadcast_in_dim3A_747 = vector.broadcast %jit3A_746 : f32 to vector<16xf32>
        %select_n3A_748 = arith.select %eq3A_745, %get3A_140, %broadcast_in_dim3A_747 : vector<16xi1>, vector<16xf32>
        %max3A_749 = arith.maximumf %max3A_701, %select_n3A_748 : vector<16xf32>
        %sub3A_750 = arith.subf %get3A_145, %max3A_543 : vector<16xf32>
        %exp3A_751 = math.exp %sub3A_750 : vector<16xf32>
        %add3A_752 = arith.addf %add3A_704, %exp3A_751 : vector<16xf32>
        %add3A_753 = arith.constant 288 : i32
        %add3A_754 = vector.broadcast %add3A_753 : i32 to vector<16xi32>
        %add3A_755 = arith.addi %add3A_754, %iota3A : vector<16xi32>
        %eq3A_756 = vector.broadcast %squeeze3A : i32 to vector<16xi32>
        %eq3A_757 = arith.cmpi eq, %add3A_755, %eq3A_756 : vector<16xi32>
        %jit3A_758 = arith.constant -3.000000e+38 : f32
        %broadcast_in_dim3A_759 = vector.broadcast %jit3A_758 : f32 to vector<16xf32>
        %select_n3A_760 = arith.select %eq3A_757, %get3A_145, %broadcast_in_dim3A_759 : vector<16xi1>, vector<16xf32>
        %max3A_761 = arith.maximumf %max3A_713, %select_n3A_760 : vector<16xf32>
        %sub3A_762 = arith.subf %get3A_150, %max3A_543 : vector<16xf32>
        %exp3A_763 = math.exp %sub3A_762 : vector<16xf32>
        %add3A_764 = arith.addf %add3A_716, %exp3A_763 : vector<16xf32>
        %add3A_765 = arith.constant 304 : i32
        %add3A_766 = vector.broadcast %add3A_765 : i32 to vector<16xi32>
        %add3A_767 = arith.addi %add3A_766, %iota3A : vector<16xi32>
        %eq3A_768 = vector.broadcast %squeeze3A : i32 to vector<16xi32>
        %eq3A_769 = arith.cmpi eq, %add3A_767, %eq3A_768 : vector<16xi32>
        %jit3A_770 = arith.constant -3.000000e+38 : f32
        %broadcast_in_dim3A_771 = vector.broadcast %jit3A_770 : f32 to vector<16xf32>
        %select_n3A_772 = arith.select %eq3A_769, %get3A_150, %broadcast_in_dim3A_771 : vector<16xi1>, vector<16xf32>
        %max3A_773 = arith.maximumf %max3A_725, %select_n3A_772 : vector<16xf32>
        %sub3A_774 = arith.subf %get3A_155, %max3A_543 : vector<16xf32>
        %exp3A_775 = math.exp %sub3A_774 : vector<16xf32>
        %add3A_776 = arith.addf %add3A_728, %exp3A_775 : vector<16xf32>
        %add3A_777 = arith.constant 320 : i32
        %add3A_778 = vector.broadcast %add3A_777 : i32 to vector<16xi32>
        %add3A_779 = arith.addi %add3A_778, %iota3A : vector<16xi32>
        %eq3A_780 = vector.broadcast %squeeze3A : i32 to vector<16xi32>
        %eq3A_781 = arith.cmpi eq, %add3A_779, %eq3A_780 : vector<16xi32>
        %jit3A_782 = arith.constant -3.000000e+38 : f32
        %broadcast_in_dim3A_783 = vector.broadcast %jit3A_782 : f32 to vector<16xf32>
        %select_n3A_784 = arith.select %eq3A_781, %get3A_155, %broadcast_in_dim3A_783 : vector<16xi1>, vector<16xf32>
        %max3A_785 = arith.maximumf %max3A_737, %select_n3A_784 : vector<16xf32>
        %sub3A_786 = arith.subf %get3A_160, %max3A_543 : vector<16xf32>
        %exp3A_787 = math.exp %sub3A_786 : vector<16xf32>
        %add3A_788 = arith.addf %add3A_740, %exp3A_787 : vector<16xf32>
        %add3A_789 = arith.constant 336 : i32
        %add3A_790 = vector.broadcast %add3A_789 : i32 to vector<16xi32>
        %add3A_791 = arith.addi %add3A_790, %iota3A : vector<16xi32>
        %eq3A_792 = vector.broadcast %squeeze3A : i32 to vector<16xi32>
        %eq3A_793 = arith.cmpi eq, %add3A_791, %eq3A_792 : vector<16xi32>
        %jit3A_794 = arith.constant -3.000000e+38 : f32
        %broadcast_in_dim3A_795 = vector.broadcast %jit3A_794 : f32 to vector<16xf32>
        %select_n3A_796 = arith.select %eq3A_793, %get3A_160, %broadcast_in_dim3A_795 : vector<16xi1>, vector<16xf32>
        %max3A_797 = arith.maximumf %max3A_749, %select_n3A_796 : vector<16xf32>
        %sub3A_798 = arith.subf %get3A_165, %max3A_543 : vector<16xf32>
        %exp3A_799 = math.exp %sub3A_798 : vector<16xf32>
        %add3A_800 = arith.addf %add3A_752, %exp3A_799 : vector<16xf32>
        %add3A_801 = arith.constant 352 : i32
        %add3A_802 = vector.broadcast %add3A_801 : i32 to vector<16xi32>
        %add3A_803 = arith.addi %add3A_802, %iota3A : vector<16xi32>
        %eq3A_804 = vector.broadcast %squeeze3A : i32 to vector<16xi32>
        %eq3A_805 = arith.cmpi eq, %add3A_803, %eq3A_804 : vector<16xi32>
        %jit3A_806 = arith.constant -3.000000e+38 : f32
        %broadcast_in_dim3A_807 = vector.broadcast %jit3A_806 : f32 to vector<16xf32>
        %select_n3A_808 = arith.select %eq3A_805, %get3A_165, %broadcast_in_dim3A_807 : vector<16xi1>, vector<16xf32>
        %max3A_809 = arith.maximumf %max3A_761, %select_n3A_808 : vector<16xf32>
        %sub3A_810 = arith.subf %get3A_170, %max3A_543 : vector<16xf32>
        %exp3A_811 = math.exp %sub3A_810 : vector<16xf32>
        %add3A_812 = arith.addf %add3A_764, %exp3A_811 : vector<16xf32>
        %add3A_813 = arith.constant 368 : i32
        %add3A_814 = vector.broadcast %add3A_813 : i32 to vector<16xi32>
        %add3A_815 = arith.addi %add3A_814, %iota3A : vector<16xi32>
        %eq3A_816 = vector.broadcast %squeeze3A : i32 to vector<16xi32>
        %eq3A_817 = arith.cmpi eq, %add3A_815, %eq3A_816 : vector<16xi32>
        %jit3A_818 = arith.constant -3.000000e+38 : f32
        %broadcast_in_dim3A_819 = vector.broadcast %jit3A_818 : f32 to vector<16xf32>
        %select_n3A_820 = arith.select %eq3A_817, %get3A_170, %broadcast_in_dim3A_819 : vector<16xi1>, vector<16xf32>
        %max3A_821 = arith.maximumf %max3A_773, %select_n3A_820 : vector<16xf32>
        %sub3A_822 = arith.subf %get3A_175, %max3A_543 : vector<16xf32>
        %exp3A_823 = math.exp %sub3A_822 : vector<16xf32>
        %add3A_824 = arith.addf %add3A_776, %exp3A_823 : vector<16xf32>
        %add3A_825 = arith.constant 384 : i32
        %add3A_826 = vector.broadcast %add3A_825 : i32 to vector<16xi32>
        %add3A_827 = arith.addi %add3A_826, %iota3A : vector<16xi32>
        %eq3A_828 = vector.broadcast %squeeze3A : i32 to vector<16xi32>
        %eq3A_829 = arith.cmpi eq, %add3A_827, %eq3A_828 : vector<16xi32>
        %jit3A_830 = arith.constant -3.000000e+38 : f32
        %broadcast_in_dim3A_831 = vector.broadcast %jit3A_830 : f32 to vector<16xf32>
        %select_n3A_832 = arith.select %eq3A_829, %get3A_175, %broadcast_in_dim3A_831 : vector<16xi1>, vector<16xf32>
        %max3A_833 = arith.maximumf %max3A_785, %select_n3A_832 : vector<16xf32>
        %sub3A_834 = arith.subf %get3A_180, %max3A_543 : vector<16xf32>
        %exp3A_835 = math.exp %sub3A_834 : vector<16xf32>
        %add3A_836 = arith.addf %add3A_788, %exp3A_835 : vector<16xf32>
        %add3A_837 = arith.constant 400 : i32
        %add3A_838 = vector.broadcast %add3A_837 : i32 to vector<16xi32>
        %add3A_839 = arith.addi %add3A_838, %iota3A : vector<16xi32>
        %eq3A_840 = vector.broadcast %squeeze3A : i32 to vector<16xi32>
        %eq3A_841 = arith.cmpi eq, %add3A_839, %eq3A_840 : vector<16xi32>
        %jit3A_842 = arith.constant -3.000000e+38 : f32
        %broadcast_in_dim3A_843 = vector.broadcast %jit3A_842 : f32 to vector<16xf32>
        %select_n3A_844 = arith.select %eq3A_841, %get3A_180, %broadcast_in_dim3A_843 : vector<16xi1>, vector<16xf32>
        %max3A_845 = arith.maximumf %max3A_797, %select_n3A_844 : vector<16xf32>
        %sub3A_846 = arith.subf %get3A_185, %max3A_543 : vector<16xf32>
        %exp3A_847 = math.exp %sub3A_846 : vector<16xf32>
        %add3A_848 = arith.addf %add3A_800, %exp3A_847 : vector<16xf32>
        %add3A_849 = arith.constant 416 : i32
        %add3A_850 = vector.broadcast %add3A_849 : i32 to vector<16xi32>
        %add3A_851 = arith.addi %add3A_850, %iota3A : vector<16xi32>
        %eq3A_852 = vector.broadcast %squeeze3A : i32 to vector<16xi32>
        %eq3A_853 = arith.cmpi eq, %add3A_851, %eq3A_852 : vector<16xi32>
        %jit3A_854 = arith.constant -3.000000e+38 : f32
        %broadcast_in_dim3A_855 = vector.broadcast %jit3A_854 : f32 to vector<16xf32>
        %select_n3A_856 = arith.select %eq3A_853, %get3A_185, %broadcast_in_dim3A_855 : vector<16xi1>, vector<16xf32>
        %max3A_857 = arith.maximumf %max3A_809, %select_n3A_856 : vector<16xf32>
        %sub3A_858 = arith.subf %get3A_190, %max3A_543 : vector<16xf32>
        %exp3A_859 = math.exp %sub3A_858 : vector<16xf32>
        %add3A_860 = arith.addf %add3A_812, %exp3A_859 : vector<16xf32>
        %add3A_861 = arith.constant 432 : i32
        %add3A_862 = vector.broadcast %add3A_861 : i32 to vector<16xi32>
        %add3A_863 = arith.addi %add3A_862, %iota3A : vector<16xi32>
        %eq3A_864 = vector.broadcast %squeeze3A : i32 to vector<16xi32>
        %eq3A_865 = arith.cmpi eq, %add3A_863, %eq3A_864 : vector<16xi32>
        %jit3A_866 = arith.constant -3.000000e+38 : f32
        %broadcast_in_dim3A_867 = vector.broadcast %jit3A_866 : f32 to vector<16xf32>
        %select_n3A_868 = arith.select %eq3A_865, %get3A_190, %broadcast_in_dim3A_867 : vector<16xi1>, vector<16xf32>
        %max3A_869 = arith.maximumf %max3A_821, %select_n3A_868 : vector<16xf32>
        %sub3A_870 = arith.subf %get3A_195, %max3A_543 : vector<16xf32>
        %exp3A_871 = math.exp %sub3A_870 : vector<16xf32>
        %add3A_872 = arith.addf %add3A_824, %exp3A_871 : vector<16xf32>
        %add3A_873 = arith.constant 448 : i32
        %add3A_874 = vector.broadcast %add3A_873 : i32 to vector<16xi32>
        %add3A_875 = arith.addi %add3A_874, %iota3A : vector<16xi32>
        %eq3A_876 = vector.broadcast %squeeze3A : i32 to vector<16xi32>
        %eq3A_877 = arith.cmpi eq, %add3A_875, %eq3A_876 : vector<16xi32>
        %jit3A_878 = arith.constant -3.000000e+38 : f32
        %broadcast_in_dim3A_879 = vector.broadcast %jit3A_878 : f32 to vector<16xf32>
        %select_n3A_880 = arith.select %eq3A_877, %get3A_195, %broadcast_in_dim3A_879 : vector<16xi1>, vector<16xf32>
        %max3A_881 = arith.maximumf %max3A_833, %select_n3A_880 : vector<16xf32>
        %sub3A_882 = arith.subf %get3A_200, %max3A_543 : vector<16xf32>
        %exp3A_883 = math.exp %sub3A_882 : vector<16xf32>
        %add3A_884 = arith.addf %add3A_836, %exp3A_883 : vector<16xf32>
        %add3A_885 = arith.constant 464 : i32
        %add3A_886 = vector.broadcast %add3A_885 : i32 to vector<16xi32>
        %add3A_887 = arith.addi %add3A_886, %iota3A : vector<16xi32>
        %eq3A_888 = vector.broadcast %squeeze3A : i32 to vector<16xi32>
        %eq3A_889 = arith.cmpi eq, %add3A_887, %eq3A_888 : vector<16xi32>
        %jit3A_890 = arith.constant -3.000000e+38 : f32
        %broadcast_in_dim3A_891 = vector.broadcast %jit3A_890 : f32 to vector<16xf32>
        %select_n3A_892 = arith.select %eq3A_889, %get3A_200, %broadcast_in_dim3A_891 : vector<16xi1>, vector<16xf32>
        %max3A_893 = arith.maximumf %max3A_845, %select_n3A_892 : vector<16xf32>
        %sub3A_894 = arith.subf %get3A_205, %max3A_543 : vector<16xf32>
        %exp3A_895 = math.exp %sub3A_894 : vector<16xf32>
        %add3A_896 = arith.addf %add3A_848, %exp3A_895 : vector<16xf32>
        %add3A_897 = arith.constant 480 : i32
        %add3A_898 = vector.broadcast %add3A_897 : i32 to vector<16xi32>
        %add3A_899 = arith.addi %add3A_898, %iota3A : vector<16xi32>
        %eq3A_900 = vector.broadcast %squeeze3A : i32 to vector<16xi32>
        %eq3A_901 = arith.cmpi eq, %add3A_899, %eq3A_900 : vector<16xi32>
        %jit3A_902 = arith.constant -3.000000e+38 : f32
        %broadcast_in_dim3A_903 = vector.broadcast %jit3A_902 : f32 to vector<16xf32>
        %select_n3A_904 = arith.select %eq3A_901, %get3A_205, %broadcast_in_dim3A_903 : vector<16xi1>, vector<16xf32>
        %max3A_905 = arith.maximumf %max3A_857, %select_n3A_904 : vector<16xf32>
        %sub3A_906 = arith.subf %get3A_210, %max3A_543 : vector<16xf32>
        %exp3A_907 = math.exp %sub3A_906 : vector<16xf32>
        %add3A_908 = arith.addf %add3A_860, %exp3A_907 : vector<16xf32>
        %add3A_909 = arith.constant 496 : i32
        %add3A_910 = vector.broadcast %add3A_909 : i32 to vector<16xi32>
        %add3A_911 = arith.addi %add3A_910, %iota3A : vector<16xi32>
        %eq3A_912 = vector.broadcast %squeeze3A : i32 to vector<16xi32>
        %eq3A_913 = arith.cmpi eq, %add3A_911, %eq3A_912 : vector<16xi32>
        %jit3A_914 = arith.constant -3.000000e+38 : f32
        %broadcast_in_dim3A_915 = vector.broadcast %jit3A_914 : f32 to vector<16xf32>
        %select_n3A_916 = arith.select %eq3A_913, %get3A_210, %broadcast_in_dim3A_915 : vector<16xi1>, vector<16xf32>
        %max3A_917 = arith.maximumf %max3A_869, %select_n3A_916 : vector<16xf32>
        %sub3A_918 = arith.subf %get3A_215, %max3A_543 : vector<16xf32>
        %exp3A_919 = math.exp %sub3A_918 : vector<16xf32>
        %add3A_920 = arith.addf %add3A_872, %exp3A_919 : vector<16xf32>
        %add3A_921 = arith.constant 512 : i32
        %add3A_922 = vector.broadcast %add3A_921 : i32 to vector<16xi32>
        %add3A_923 = arith.addi %add3A_922, %iota3A : vector<16xi32>
        %eq3A_924 = vector.broadcast %squeeze3A : i32 to vector<16xi32>
        %eq3A_925 = arith.cmpi eq, %add3A_923, %eq3A_924 : vector<16xi32>
        %jit3A_926 = arith.constant -3.000000e+38 : f32
        %broadcast_in_dim3A_927 = vector.broadcast %jit3A_926 : f32 to vector<16xf32>
        %select_n3A_928 = arith.select %eq3A_925, %get3A_215, %broadcast_in_dim3A_927 : vector<16xi1>, vector<16xf32>
        %max3A_929 = arith.maximumf %max3A_881, %select_n3A_928 : vector<16xf32>
        %sub3A_930 = arith.subf %get3A_220, %max3A_543 : vector<16xf32>
        %exp3A_931 = math.exp %sub3A_930 : vector<16xf32>
        %add3A_932 = arith.addf %add3A_884, %exp3A_931 : vector<16xf32>
        %add3A_933 = arith.constant 528 : i32
        %add3A_934 = vector.broadcast %add3A_933 : i32 to vector<16xi32>
        %add3A_935 = arith.addi %add3A_934, %iota3A : vector<16xi32>
        %eq3A_936 = vector.broadcast %squeeze3A : i32 to vector<16xi32>
        %eq3A_937 = arith.cmpi eq, %add3A_935, %eq3A_936 : vector<16xi32>
        %jit3A_938 = arith.constant -3.000000e+38 : f32
        %broadcast_in_dim3A_939 = vector.broadcast %jit3A_938 : f32 to vector<16xf32>
        %select_n3A_940 = arith.select %eq3A_937, %get3A_220, %broadcast_in_dim3A_939 : vector<16xi1>, vector<16xf32>
        %max3A_941 = arith.maximumf %max3A_893, %select_n3A_940 : vector<16xf32>
        %sub3A_942 = arith.subf %get3A_225, %max3A_543 : vector<16xf32>
        %exp3A_943 = math.exp %sub3A_942 : vector<16xf32>
        %add3A_944 = arith.addf %add3A_896, %exp3A_943 : vector<16xf32>
        %add3A_945 = arith.constant 544 : i32
        %add3A_946 = vector.broadcast %add3A_945 : i32 to vector<16xi32>
        %add3A_947 = arith.addi %add3A_946, %iota3A : vector<16xi32>
        %eq3A_948 = vector.broadcast %squeeze3A : i32 to vector<16xi32>
        %eq3A_949 = arith.cmpi eq, %add3A_947, %eq3A_948 : vector<16xi32>
        %jit3A_950 = arith.constant -3.000000e+38 : f32
        %broadcast_in_dim3A_951 = vector.broadcast %jit3A_950 : f32 to vector<16xf32>
        %select_n3A_952 = arith.select %eq3A_949, %get3A_225, %broadcast_in_dim3A_951 : vector<16xi1>, vector<16xf32>
        %max3A_953 = arith.maximumf %max3A_905, %select_n3A_952 : vector<16xf32>
        %sub3A_954 = arith.subf %get3A_230, %max3A_543 : vector<16xf32>
        %exp3A_955 = math.exp %sub3A_954 : vector<16xf32>
        %add3A_956 = arith.addf %add3A_908, %exp3A_955 : vector<16xf32>
        %add3A_957 = arith.constant 560 : i32
        %add3A_958 = vector.broadcast %add3A_957 : i32 to vector<16xi32>
        %add3A_959 = arith.addi %add3A_958, %iota3A : vector<16xi32>
        %eq3A_960 = vector.broadcast %squeeze3A : i32 to vector<16xi32>
        %eq3A_961 = arith.cmpi eq, %add3A_959, %eq3A_960 : vector<16xi32>
        %jit3A_962 = arith.constant -3.000000e+38 : f32
        %broadcast_in_dim3A_963 = vector.broadcast %jit3A_962 : f32 to vector<16xf32>
        %select_n3A_964 = arith.select %eq3A_961, %get3A_230, %broadcast_in_dim3A_963 : vector<16xi1>, vector<16xf32>
        %max3A_965 = arith.maximumf %max3A_917, %select_n3A_964 : vector<16xf32>
        %sub3A_966 = arith.subf %get3A_235, %max3A_543 : vector<16xf32>
        %exp3A_967 = math.exp %sub3A_966 : vector<16xf32>
        %add3A_968 = arith.addf %add3A_920, %exp3A_967 : vector<16xf32>
        %add3A_969 = arith.constant 576 : i32
        %add3A_970 = vector.broadcast %add3A_969 : i32 to vector<16xi32>
        %add3A_971 = arith.addi %add3A_970, %iota3A : vector<16xi32>
        %eq3A_972 = vector.broadcast %squeeze3A : i32 to vector<16xi32>
        %eq3A_973 = arith.cmpi eq, %add3A_971, %eq3A_972 : vector<16xi32>
        %jit3A_974 = arith.constant -3.000000e+38 : f32
        %broadcast_in_dim3A_975 = vector.broadcast %jit3A_974 : f32 to vector<16xf32>
        %select_n3A_976 = arith.select %eq3A_973, %get3A_235, %broadcast_in_dim3A_975 : vector<16xi1>, vector<16xf32>
        %max3A_977 = arith.maximumf %max3A_929, %select_n3A_976 : vector<16xf32>
        %sub3A_978 = arith.subf %get3A_240, %max3A_543 : vector<16xf32>
        %exp3A_979 = math.exp %sub3A_978 : vector<16xf32>
        %add3A_980 = arith.addf %add3A_932, %exp3A_979 : vector<16xf32>
        %add3A_981 = arith.constant 592 : i32
        %add3A_982 = vector.broadcast %add3A_981 : i32 to vector<16xi32>
        %add3A_983 = arith.addi %add3A_982, %iota3A : vector<16xi32>
        %eq3A_984 = vector.broadcast %squeeze3A : i32 to vector<16xi32>
        %eq3A_985 = arith.cmpi eq, %add3A_983, %eq3A_984 : vector<16xi32>
        %jit3A_986 = arith.constant -3.000000e+38 : f32
        %broadcast_in_dim3A_987 = vector.broadcast %jit3A_986 : f32 to vector<16xf32>
        %select_n3A_988 = arith.select %eq3A_985, %get3A_240, %broadcast_in_dim3A_987 : vector<16xi1>, vector<16xf32>
        %max3A_989 = arith.maximumf %max3A_941, %select_n3A_988 : vector<16xf32>
        %sub3A_990 = arith.subf %get3A_245, %max3A_543 : vector<16xf32>
        %exp3A_991 = math.exp %sub3A_990 : vector<16xf32>
        %add3A_992 = arith.addf %add3A_944, %exp3A_991 : vector<16xf32>
        %add3A_993 = arith.constant 608 : i32
        %add3A_994 = vector.broadcast %add3A_993 : i32 to vector<16xi32>
        %add3A_995 = arith.addi %add3A_994, %iota3A : vector<16xi32>
        %eq3A_996 = vector.broadcast %squeeze3A : i32 to vector<16xi32>
        %eq3A_997 = arith.cmpi eq, %add3A_995, %eq3A_996 : vector<16xi32>
        %jit3A_998 = arith.constant -3.000000e+38 : f32
        %broadcast_in_dim3A_999 = vector.broadcast %jit3A_998 : f32 to vector<16xf32>
        %select_n3A_1000 = arith.select %eq3A_997, %get3A_245, %broadcast_in_dim3A_999 : vector<16xi1>, vector<16xf32>
        %max3A_1001 = arith.maximumf %max3A_953, %select_n3A_1000 : vector<16xf32>
        %sub3A_1002 = arith.subf %get3A_250, %max3A_543 : vector<16xf32>
        %exp3A_1003 = math.exp %sub3A_1002 : vector<16xf32>
        %add3A_1004 = arith.addf %add3A_956, %exp3A_1003 : vector<16xf32>
        %add3A_1005 = arith.constant 624 : i32
        %add3A_1006 = vector.broadcast %add3A_1005 : i32 to vector<16xi32>
        %add3A_1007 = arith.addi %add3A_1006, %iota3A : vector<16xi32>
        %eq3A_1008 = vector.broadcast %squeeze3A : i32 to vector<16xi32>
        %eq3A_1009 = arith.cmpi eq, %add3A_1007, %eq3A_1008 : vector<16xi32>
        %jit3A_1010 = arith.constant -3.000000e+38 : f32
        %broadcast_in_dim3A_1011 = vector.broadcast %jit3A_1010 : f32 to vector<16xf32>
        %select_n3A_1012 = arith.select %eq3A_1009, %get3A_250, %broadcast_in_dim3A_1011 : vector<16xi1>, vector<16xf32>
        %max3A_1013 = arith.maximumf %max3A_965, %select_n3A_1012 : vector<16xf32>
        %sub3A_1014 = arith.subf %get3A_255, %max3A_543 : vector<16xf32>
        %exp3A_1015 = math.exp %sub3A_1014 : vector<16xf32>
        %add3A_1016 = arith.addf %add3A_968, %exp3A_1015 : vector<16xf32>
        %add3A_1017 = arith.constant 640 : i32
        %add3A_1018 = vector.broadcast %add3A_1017 : i32 to vector<16xi32>
        %add3A_1019 = arith.addi %add3A_1018, %iota3A : vector<16xi32>
        %eq3A_1020 = vector.broadcast %squeeze3A : i32 to vector<16xi32>
        %eq3A_1021 = arith.cmpi eq, %add3A_1019, %eq3A_1020 : vector<16xi32>
        %jit3A_1022 = arith.constant -3.000000e+38 : f32
        %broadcast_in_dim3A_1023 = vector.broadcast %jit3A_1022 : f32 to vector<16xf32>
        %select_n3A_1024 = arith.select %eq3A_1021, %get3A_255, %broadcast_in_dim3A_1023 : vector<16xi1>, vector<16xf32>
        %max3A_1025 = arith.maximumf %max3A_977, %select_n3A_1024 : vector<16xf32>
        %sub3A_1026 = arith.subf %get3A_260, %max3A_543 : vector<16xf32>
        %exp3A_1027 = math.exp %sub3A_1026 : vector<16xf32>
        %add3A_1028 = arith.addf %add3A_980, %exp3A_1027 : vector<16xf32>
        %add3A_1029 = arith.constant 656 : i32
        %add3A_1030 = vector.broadcast %add3A_1029 : i32 to vector<16xi32>
        %add3A_1031 = arith.addi %add3A_1030, %iota3A : vector<16xi32>
        %eq3A_1032 = vector.broadcast %squeeze3A : i32 to vector<16xi32>
        %eq3A_1033 = arith.cmpi eq, %add3A_1031, %eq3A_1032 : vector<16xi32>
        %jit3A_1034 = arith.constant -3.000000e+38 : f32
        %broadcast_in_dim3A_1035 = vector.broadcast %jit3A_1034 : f32 to vector<16xf32>
        %select_n3A_1036 = arith.select %eq3A_1033, %get3A_260, %broadcast_in_dim3A_1035 : vector<16xi1>, vector<16xf32>
        %max3A_1037 = arith.maximumf %max3A_989, %select_n3A_1036 : vector<16xf32>
        %sub3A_1038 = arith.subf %get3A_265, %max3A_543 : vector<16xf32>
        %exp3A_1039 = math.exp %sub3A_1038 : vector<16xf32>
        %add3A_1040 = arith.addf %add3A_992, %exp3A_1039 : vector<16xf32>
        %add3A_1041 = arith.constant 672 : i32
        %add3A_1042 = vector.broadcast %add3A_1041 : i32 to vector<16xi32>
        %add3A_1043 = arith.addi %add3A_1042, %iota3A : vector<16xi32>
        %eq3A_1044 = vector.broadcast %squeeze3A : i32 to vector<16xi32>
        %eq3A_1045 = arith.cmpi eq, %add3A_1043, %eq3A_1044 : vector<16xi32>
        %jit3A_1046 = arith.constant -3.000000e+38 : f32
        %broadcast_in_dim3A_1047 = vector.broadcast %jit3A_1046 : f32 to vector<16xf32>
        %select_n3A_1048 = arith.select %eq3A_1045, %get3A_265, %broadcast_in_dim3A_1047 : vector<16xi1>, vector<16xf32>
        %max3A_1049 = arith.maximumf %max3A_1001, %select_n3A_1048 : vector<16xf32>
        %sub3A_1050 = arith.subf %get3A_270, %max3A_543 : vector<16xf32>
        %exp3A_1051 = math.exp %sub3A_1050 : vector<16xf32>
        %add3A_1052 = arith.addf %add3A_1004, %exp3A_1051 : vector<16xf32>
        %add3A_1053 = arith.constant 688 : i32
        %add3A_1054 = vector.broadcast %add3A_1053 : i32 to vector<16xi32>
        %add3A_1055 = arith.addi %add3A_1054, %iota3A : vector<16xi32>
        %eq3A_1056 = vector.broadcast %squeeze3A : i32 to vector<16xi32>
        %eq3A_1057 = arith.cmpi eq, %add3A_1055, %eq3A_1056 : vector<16xi32>
        %jit3A_1058 = arith.constant -3.000000e+38 : f32
        %broadcast_in_dim3A_1059 = vector.broadcast %jit3A_1058 : f32 to vector<16xf32>
        %select_n3A_1060 = arith.select %eq3A_1057, %get3A_270, %broadcast_in_dim3A_1059 : vector<16xi1>, vector<16xf32>
        %max3A_1061 = arith.maximumf %max3A_1013, %select_n3A_1060 : vector<16xf32>
        %sub3A_1062 = arith.subf %get3A_275, %max3A_543 : vector<16xf32>
        %exp3A_1063 = math.exp %sub3A_1062 : vector<16xf32>
        %add3A_1064 = arith.addf %add3A_1016, %exp3A_1063 : vector<16xf32>
        %add3A_1065 = arith.constant 704 : i32
        %add3A_1066 = vector.broadcast %add3A_1065 : i32 to vector<16xi32>
        %add3A_1067 = arith.addi %add3A_1066, %iota3A : vector<16xi32>
        %eq3A_1068 = vector.broadcast %squeeze3A : i32 to vector<16xi32>
        %eq3A_1069 = arith.cmpi eq, %add3A_1067, %eq3A_1068 : vector<16xi32>
        %jit3A_1070 = arith.constant -3.000000e+38 : f32
        %broadcast_in_dim3A_1071 = vector.broadcast %jit3A_1070 : f32 to vector<16xf32>
        %select_n3A_1072 = arith.select %eq3A_1069, %get3A_275, %broadcast_in_dim3A_1071 : vector<16xi1>, vector<16xf32>
        %max3A_1073 = arith.maximumf %max3A_1025, %select_n3A_1072 : vector<16xf32>
        %sub3A_1074 = arith.subf %get3A_280, %max3A_543 : vector<16xf32>
        %exp3A_1075 = math.exp %sub3A_1074 : vector<16xf32>
        %add3A_1076 = arith.addf %add3A_1028, %exp3A_1075 : vector<16xf32>
        %add3A_1077 = arith.constant 720 : i32
        %add3A_1078 = vector.broadcast %add3A_1077 : i32 to vector<16xi32>
        %add3A_1079 = arith.addi %add3A_1078, %iota3A : vector<16xi32>
        %eq3A_1080 = vector.broadcast %squeeze3A : i32 to vector<16xi32>
        %eq3A_1081 = arith.cmpi eq, %add3A_1079, %eq3A_1080 : vector<16xi32>
        %jit3A_1082 = arith.constant -3.000000e+38 : f32
        %broadcast_in_dim3A_1083 = vector.broadcast %jit3A_1082 : f32 to vector<16xf32>
        %select_n3A_1084 = arith.select %eq3A_1081, %get3A_280, %broadcast_in_dim3A_1083 : vector<16xi1>, vector<16xf32>
        %max3A_1085 = arith.maximumf %max3A_1037, %select_n3A_1084 : vector<16xf32>
        %sub3A_1086 = arith.subf %get3A_285, %max3A_543 : vector<16xf32>
        %exp3A_1087 = math.exp %sub3A_1086 : vector<16xf32>
        %add3A_1088 = arith.addf %add3A_1040, %exp3A_1087 : vector<16xf32>
        %add3A_1089 = arith.constant 736 : i32
        %add3A_1090 = vector.broadcast %add3A_1089 : i32 to vector<16xi32>
        %add3A_1091 = arith.addi %add3A_1090, %iota3A : vector<16xi32>
        %eq3A_1092 = vector.broadcast %squeeze3A : i32 to vector<16xi32>
        %eq3A_1093 = arith.cmpi eq, %add3A_1091, %eq3A_1092 : vector<16xi32>
        %jit3A_1094 = arith.constant -3.000000e+38 : f32
        %broadcast_in_dim3A_1095 = vector.broadcast %jit3A_1094 : f32 to vector<16xf32>
        %select_n3A_1096 = arith.select %eq3A_1093, %get3A_285, %broadcast_in_dim3A_1095 : vector<16xi1>, vector<16xf32>
        %max3A_1097 = arith.maximumf %max3A_1049, %select_n3A_1096 : vector<16xf32>
        %sub3A_1098 = arith.subf %get3A_290, %max3A_543 : vector<16xf32>
        %exp3A_1099 = math.exp %sub3A_1098 : vector<16xf32>
        %add3A_1100 = arith.addf %add3A_1052, %exp3A_1099 : vector<16xf32>
        %add3A_1101 = arith.constant 752 : i32
        %add3A_1102 = vector.broadcast %add3A_1101 : i32 to vector<16xi32>
        %add3A_1103 = arith.addi %add3A_1102, %iota3A : vector<16xi32>
        %eq3A_1104 = vector.broadcast %squeeze3A : i32 to vector<16xi32>
        %eq3A_1105 = arith.cmpi eq, %add3A_1103, %eq3A_1104 : vector<16xi32>
        %jit3A_1106 = arith.constant -3.000000e+38 : f32
        %broadcast_in_dim3A_1107 = vector.broadcast %jit3A_1106 : f32 to vector<16xf32>
        %select_n3A_1108 = arith.select %eq3A_1105, %get3A_290, %broadcast_in_dim3A_1107 : vector<16xi1>, vector<16xf32>
        %max3A_1109 = arith.maximumf %max3A_1061, %select_n3A_1108 : vector<16xf32>
        %sub3A_1110 = arith.subf %get3A_295, %max3A_543 : vector<16xf32>
        %exp3A_1111 = math.exp %sub3A_1110 : vector<16xf32>
        %add3A_1112 = arith.addf %add3A_1064, %exp3A_1111 : vector<16xf32>
        %add3A_1113 = arith.constant 768 : i32
        %add3A_1114 = vector.broadcast %add3A_1113 : i32 to vector<16xi32>
        %add3A_1115 = arith.addi %add3A_1114, %iota3A : vector<16xi32>
        %eq3A_1116 = vector.broadcast %squeeze3A : i32 to vector<16xi32>
        %eq3A_1117 = arith.cmpi eq, %add3A_1115, %eq3A_1116 : vector<16xi32>
        %jit3A_1118 = arith.constant -3.000000e+38 : f32
        %broadcast_in_dim3A_1119 = vector.broadcast %jit3A_1118 : f32 to vector<16xf32>
        %select_n3A_1120 = arith.select %eq3A_1117, %get3A_295, %broadcast_in_dim3A_1119 : vector<16xi1>, vector<16xf32>
        %max3A_1121 = arith.maximumf %max3A_1073, %select_n3A_1120 : vector<16xf32>
        %sub3A_1122 = arith.subf %get3A_300, %max3A_543 : vector<16xf32>
        %exp3A_1123 = math.exp %sub3A_1122 : vector<16xf32>
        %add3A_1124 = arith.addf %add3A_1076, %exp3A_1123 : vector<16xf32>
        %add3A_1125 = arith.constant 784 : i32
        %add3A_1126 = vector.broadcast %add3A_1125 : i32 to vector<16xi32>
        %add3A_1127 = arith.addi %add3A_1126, %iota3A : vector<16xi32>
        %eq3A_1128 = vector.broadcast %squeeze3A : i32 to vector<16xi32>
        %eq3A_1129 = arith.cmpi eq, %add3A_1127, %eq3A_1128 : vector<16xi32>
        %jit3A_1130 = arith.constant -3.000000e+38 : f32
        %broadcast_in_dim3A_1131 = vector.broadcast %jit3A_1130 : f32 to vector<16xf32>
        %select_n3A_1132 = arith.select %eq3A_1129, %get3A_300, %broadcast_in_dim3A_1131 : vector<16xi1>, vector<16xf32>
        %max3A_1133 = arith.maximumf %max3A_1085, %select_n3A_1132 : vector<16xf32>
        %sub3A_1134 = arith.subf %get3A_305, %max3A_543 : vector<16xf32>
        %exp3A_1135 = math.exp %sub3A_1134 : vector<16xf32>
        %add3A_1136 = arith.addf %add3A_1088, %exp3A_1135 : vector<16xf32>
        %add3A_1137 = arith.constant 800 : i32
        %add3A_1138 = vector.broadcast %add3A_1137 : i32 to vector<16xi32>
        %add3A_1139 = arith.addi %add3A_1138, %iota3A : vector<16xi32>
        %eq3A_1140 = vector.broadcast %squeeze3A : i32 to vector<16xi32>
        %eq3A_1141 = arith.cmpi eq, %add3A_1139, %eq3A_1140 : vector<16xi32>
        %jit3A_1142 = arith.constant -3.000000e+38 : f32
        %broadcast_in_dim3A_1143 = vector.broadcast %jit3A_1142 : f32 to vector<16xf32>
        %select_n3A_1144 = arith.select %eq3A_1141, %get3A_305, %broadcast_in_dim3A_1143 : vector<16xi1>, vector<16xf32>
        %max3A_1145 = arith.maximumf %max3A_1097, %select_n3A_1144 : vector<16xf32>
        %sub3A_1146 = arith.subf %get3A_310, %max3A_543 : vector<16xf32>
        %exp3A_1147 = math.exp %sub3A_1146 : vector<16xf32>
        %add3A_1148 = arith.addf %add3A_1100, %exp3A_1147 : vector<16xf32>
        %add3A_1149 = arith.constant 816 : i32
        %add3A_1150 = vector.broadcast %add3A_1149 : i32 to vector<16xi32>
        %add3A_1151 = arith.addi %add3A_1150, %iota3A : vector<16xi32>
        %eq3A_1152 = vector.broadcast %squeeze3A : i32 to vector<16xi32>
        %eq3A_1153 = arith.cmpi eq, %add3A_1151, %eq3A_1152 : vector<16xi32>
        %jit3A_1154 = arith.constant -3.000000e+38 : f32
        %broadcast_in_dim3A_1155 = vector.broadcast %jit3A_1154 : f32 to vector<16xf32>
        %select_n3A_1156 = arith.select %eq3A_1153, %get3A_310, %broadcast_in_dim3A_1155 : vector<16xi1>, vector<16xf32>
        %max3A_1157 = arith.maximumf %max3A_1109, %select_n3A_1156 : vector<16xf32>
        %sub3A_1158 = arith.subf %get3A_315, %max3A_543 : vector<16xf32>
        %exp3A_1159 = math.exp %sub3A_1158 : vector<16xf32>
        %add3A_1160 = arith.addf %add3A_1112, %exp3A_1159 : vector<16xf32>
        %add3A_1161 = arith.constant 832 : i32
        %add3A_1162 = vector.broadcast %add3A_1161 : i32 to vector<16xi32>
        %add3A_1163 = arith.addi %add3A_1162, %iota3A : vector<16xi32>
        %eq3A_1164 = vector.broadcast %squeeze3A : i32 to vector<16xi32>
        %eq3A_1165 = arith.cmpi eq, %add3A_1163, %eq3A_1164 : vector<16xi32>
        %jit3A_1166 = arith.constant -3.000000e+38 : f32
        %broadcast_in_dim3A_1167 = vector.broadcast %jit3A_1166 : f32 to vector<16xf32>
        %select_n3A_1168 = arith.select %eq3A_1165, %get3A_315, %broadcast_in_dim3A_1167 : vector<16xi1>, vector<16xf32>
        %max3A_1169 = arith.maximumf %max3A_1121, %select_n3A_1168 : vector<16xf32>
        %sub3A_1170 = arith.subf %get3A_320, %max3A_543 : vector<16xf32>
        %exp3A_1171 = math.exp %sub3A_1170 : vector<16xf32>
        %add3A_1172 = arith.addf %add3A_1124, %exp3A_1171 : vector<16xf32>
        %add3A_1173 = arith.constant 848 : i32
        %add3A_1174 = vector.broadcast %add3A_1173 : i32 to vector<16xi32>
        %add3A_1175 = arith.addi %add3A_1174, %iota3A : vector<16xi32>
        %eq3A_1176 = vector.broadcast %squeeze3A : i32 to vector<16xi32>
        %eq3A_1177 = arith.cmpi eq, %add3A_1175, %eq3A_1176 : vector<16xi32>
        %jit3A_1178 = arith.constant -3.000000e+38 : f32
        %broadcast_in_dim3A_1179 = vector.broadcast %jit3A_1178 : f32 to vector<16xf32>
        %select_n3A_1180 = arith.select %eq3A_1177, %get3A_320, %broadcast_in_dim3A_1179 : vector<16xi1>, vector<16xf32>
        %max3A_1181 = arith.maximumf %max3A_1133, %select_n3A_1180 : vector<16xf32>
        %sub3A_1182 = arith.subf %get3A_325, %max3A_543 : vector<16xf32>
        %exp3A_1183 = math.exp %sub3A_1182 : vector<16xf32>
        %add3A_1184 = arith.addf %add3A_1136, %exp3A_1183 : vector<16xf32>
        %add3A_1185 = arith.constant 864 : i32
        %add3A_1186 = vector.broadcast %add3A_1185 : i32 to vector<16xi32>
        %add3A_1187 = arith.addi %add3A_1186, %iota3A : vector<16xi32>
        %eq3A_1188 = vector.broadcast %squeeze3A : i32 to vector<16xi32>
        %eq3A_1189 = arith.cmpi eq, %add3A_1187, %eq3A_1188 : vector<16xi32>
        %jit3A_1190 = arith.constant -3.000000e+38 : f32
        %broadcast_in_dim3A_1191 = vector.broadcast %jit3A_1190 : f32 to vector<16xf32>
        %select_n3A_1192 = arith.select %eq3A_1189, %get3A_325, %broadcast_in_dim3A_1191 : vector<16xi1>, vector<16xf32>
        %max3A_1193 = arith.maximumf %max3A_1145, %select_n3A_1192 : vector<16xf32>
        %sub3A_1194 = arith.subf %get3A_330, %max3A_543 : vector<16xf32>
        %exp3A_1195 = math.exp %sub3A_1194 : vector<16xf32>
        %add3A_1196 = arith.addf %add3A_1148, %exp3A_1195 : vector<16xf32>
        %add3A_1197 = arith.constant 880 : i32
        %add3A_1198 = vector.broadcast %add3A_1197 : i32 to vector<16xi32>
        %add3A_1199 = arith.addi %add3A_1198, %iota3A : vector<16xi32>
        %eq3A_1200 = vector.broadcast %squeeze3A : i32 to vector<16xi32>
        %eq3A_1201 = arith.cmpi eq, %add3A_1199, %eq3A_1200 : vector<16xi32>
        %jit3A_1202 = arith.constant -3.000000e+38 : f32
        %broadcast_in_dim3A_1203 = vector.broadcast %jit3A_1202 : f32 to vector<16xf32>
        %select_n3A_1204 = arith.select %eq3A_1201, %get3A_330, %broadcast_in_dim3A_1203 : vector<16xi1>, vector<16xf32>
        %max3A_1205 = arith.maximumf %max3A_1157, %select_n3A_1204 : vector<16xf32>
        %sub3A_1206 = arith.subf %get3A_335, %max3A_543 : vector<16xf32>
        %exp3A_1207 = math.exp %sub3A_1206 : vector<16xf32>
        %add3A_1208 = arith.addf %add3A_1160, %exp3A_1207 : vector<16xf32>
        %add3A_1209 = arith.constant 896 : i32
        %add3A_1210 = vector.broadcast %add3A_1209 : i32 to vector<16xi32>
        %add3A_1211 = arith.addi %add3A_1210, %iota3A : vector<16xi32>
        %eq3A_1212 = vector.broadcast %squeeze3A : i32 to vector<16xi32>
        %eq3A_1213 = arith.cmpi eq, %add3A_1211, %eq3A_1212 : vector<16xi32>
        %jit3A_1214 = arith.constant -3.000000e+38 : f32
        %broadcast_in_dim3A_1215 = vector.broadcast %jit3A_1214 : f32 to vector<16xf32>
        %select_n3A_1216 = arith.select %eq3A_1213, %get3A_335, %broadcast_in_dim3A_1215 : vector<16xi1>, vector<16xf32>
        %max3A_1217 = arith.maximumf %max3A_1169, %select_n3A_1216 : vector<16xf32>
        %sub3A_1218 = arith.subf %get3A_340, %max3A_543 : vector<16xf32>
        %exp3A_1219 = math.exp %sub3A_1218 : vector<16xf32>
        %add3A_1220 = arith.addf %add3A_1172, %exp3A_1219 : vector<16xf32>
        %add3A_1221 = arith.constant 912 : i32
        %add3A_1222 = vector.broadcast %add3A_1221 : i32 to vector<16xi32>
        %add3A_1223 = arith.addi %add3A_1222, %iota3A : vector<16xi32>
        %eq3A_1224 = vector.broadcast %squeeze3A : i32 to vector<16xi32>
        %eq3A_1225 = arith.cmpi eq, %add3A_1223, %eq3A_1224 : vector<16xi32>
        %jit3A_1226 = arith.constant -3.000000e+38 : f32
        %broadcast_in_dim3A_1227 = vector.broadcast %jit3A_1226 : f32 to vector<16xf32>
        %select_n3A_1228 = arith.select %eq3A_1225, %get3A_340, %broadcast_in_dim3A_1227 : vector<16xi1>, vector<16xf32>
        %max3A_1229 = arith.maximumf %max3A_1181, %select_n3A_1228 : vector<16xf32>
        %sub3A_1230 = arith.subf %get3A_345, %max3A_543 : vector<16xf32>
        %exp3A_1231 = math.exp %sub3A_1230 : vector<16xf32>
        %add3A_1232 = arith.addf %add3A_1184, %exp3A_1231 : vector<16xf32>
        %add3A_1233 = arith.constant 928 : i32
        %add3A_1234 = vector.broadcast %add3A_1233 : i32 to vector<16xi32>
        %add3A_1235 = arith.addi %add3A_1234, %iota3A : vector<16xi32>
        %eq3A_1236 = vector.broadcast %squeeze3A : i32 to vector<16xi32>
        %eq3A_1237 = arith.cmpi eq, %add3A_1235, %eq3A_1236 : vector<16xi32>
        %jit3A_1238 = arith.constant -3.000000e+38 : f32
        %broadcast_in_dim3A_1239 = vector.broadcast %jit3A_1238 : f32 to vector<16xf32>
        %select_n3A_1240 = arith.select %eq3A_1237, %get3A_345, %broadcast_in_dim3A_1239 : vector<16xi1>, vector<16xf32>
        %max3A_1241 = arith.maximumf %max3A_1193, %select_n3A_1240 : vector<16xf32>
        %sub3A_1242 = arith.subf %get3A_350, %max3A_543 : vector<16xf32>
        %exp3A_1243 = math.exp %sub3A_1242 : vector<16xf32>
        %add3A_1244 = arith.addf %add3A_1196, %exp3A_1243 : vector<16xf32>
        %add3A_1245 = arith.constant 944 : i32
        %add3A_1246 = vector.broadcast %add3A_1245 : i32 to vector<16xi32>
        %add3A_1247 = arith.addi %add3A_1246, %iota3A : vector<16xi32>
        %eq3A_1248 = vector.broadcast %squeeze3A : i32 to vector<16xi32>
        %eq3A_1249 = arith.cmpi eq, %add3A_1247, %eq3A_1248 : vector<16xi32>
        %jit3A_1250 = arith.constant -3.000000e+38 : f32
        %broadcast_in_dim3A_1251 = vector.broadcast %jit3A_1250 : f32 to vector<16xf32>
        %select_n3A_1252 = arith.select %eq3A_1249, %get3A_350, %broadcast_in_dim3A_1251 : vector<16xi1>, vector<16xf32>
        %max3A_1253 = arith.maximumf %max3A_1205, %select_n3A_1252 : vector<16xf32>
        %sub3A_1254 = arith.subf %get3A_355, %max3A_543 : vector<16xf32>
        %exp3A_1255 = math.exp %sub3A_1254 : vector<16xf32>
        %add3A_1256 = arith.addf %add3A_1208, %exp3A_1255 : vector<16xf32>
        %add3A_1257 = arith.constant 960 : i32
        %add3A_1258 = vector.broadcast %add3A_1257 : i32 to vector<16xi32>
        %add3A_1259 = arith.addi %add3A_1258, %iota3A : vector<16xi32>
        %eq3A_1260 = vector.broadcast %squeeze3A : i32 to vector<16xi32>
        %eq3A_1261 = arith.cmpi eq, %add3A_1259, %eq3A_1260 : vector<16xi32>
        %jit3A_1262 = arith.constant -3.000000e+38 : f32
        %broadcast_in_dim3A_1263 = vector.broadcast %jit3A_1262 : f32 to vector<16xf32>
        %select_n3A_1264 = arith.select %eq3A_1261, %get3A_355, %broadcast_in_dim3A_1263 : vector<16xi1>, vector<16xf32>
        %max3A_1265 = arith.maximumf %max3A_1217, %select_n3A_1264 : vector<16xf32>
        %sub3A_1266 = arith.subf %get3A_360, %max3A_543 : vector<16xf32>
        %exp3A_1267 = math.exp %sub3A_1266 : vector<16xf32>
        %add3A_1268 = arith.addf %add3A_1220, %exp3A_1267 : vector<16xf32>
        %add3A_1269 = arith.constant 976 : i32
        %add3A_1270 = vector.broadcast %add3A_1269 : i32 to vector<16xi32>
        %add3A_1271 = arith.addi %add3A_1270, %iota3A : vector<16xi32>
        %eq3A_1272 = vector.broadcast %squeeze3A : i32 to vector<16xi32>
        %eq3A_1273 = arith.cmpi eq, %add3A_1271, %eq3A_1272 : vector<16xi32>
        %jit3A_1274 = arith.constant -3.000000e+38 : f32
        %broadcast_in_dim3A_1275 = vector.broadcast %jit3A_1274 : f32 to vector<16xf32>
        %select_n3A_1276 = arith.select %eq3A_1273, %get3A_360, %broadcast_in_dim3A_1275 : vector<16xi1>, vector<16xf32>
        %max3A_1277 = arith.maximumf %max3A_1229, %select_n3A_1276 : vector<16xf32>
        %add3A_1278 = arith.addf %add3A_1256, %add3A_1268 : vector<16xf32>
        %add3A_1279 = arith.addf %add3A_1232, %add3A_1244 : vector<16xf32>
        %add3A_1280 = arith.addf %add3A_1278, %add3A_1279 : vector<16xf32>
        %max3A_1281 = arith.maximumf %max3A_1265, %max3A_1277 : vector<16xf32>
        %max3A_1282 = arith.maximumf %max3A_1241, %max3A_1253 : vector<16xf32>
        %max3A_1283 = arith.maximumf %max3A_1281, %max3A_1282 : vector<16xf32>
        %sub3A_1284 = arith.subf %get3A_365, %max3A_543 : vector<16xf32>
        %exp3A_1285 = math.exp %sub3A_1284 : vector<16xf32>
        %jit3A_1286 = arith.constant 0.000000e+00 : f32
        %broadcast_in_dim3A_1287 = vector.broadcast %jit3A_1286 : f32 to vector<16xf32>
        %select_n3A_1288 = arith.select %ge3A_367, %exp3A_1285, %broadcast_in_dim3A_1287 : vector<16xi1>, vector<16xf32>
        %add3A_1289 = arith.addf %add3A_1280, %select_n3A_1288 : vector<16xf32>
        %add3A_1290 = arith.constant 984 : i32
        %add3A_1291 = vector.broadcast %add3A_1290 : i32 to vector<16xi32>
        %add3A_1292 = arith.addi %add3A_1291, %iota3A : vector<16xi32>
        %eq3A_1293 = vector.broadcast %squeeze3A : i32 to vector<16xi32>
        %eq3A_1294 = arith.cmpi eq, %add3A_1292, %eq3A_1293 : vector<16xi32>
        %and3A_1295 = arith.andi %ge3A_367, %eq3A_1294 : vector<16xi1>
        %jit3A_1296 = arith.constant -3.000000e+38 : f32
        %broadcast_in_dim3A_1297 = vector.broadcast %jit3A_1296 : f32 to vector<16xf32>
        %select_n3A_1298 = arith.select %and3A_1295, %get3A_365, %broadcast_in_dim3A_1297 : vector<16xi1>, vector<16xf32>
        %max3A_1299 = arith.maximumf %max3A_1283, %select_n3A_1298 : vector<16xf32>
        %iota3A_1300 = tpu.iota {dimensions = array<i32: 0>} : vector<16xi32>
        %add3A_1301 = arith.constant 8 : i32
        %add3A_1302 = vector.broadcast %add3A_1301 : i32 to vector<16xi32>
        %add3A_1303 = arith.addi %iota3A_1300, %add3A_1302 : vector<16xi32>
        %jit3A_1304 = arith.constant 16 : i32
        %eq3A_1305 = arith.constant 0 : i32
        %eq3A_1306 = arith.cmpi eq, %jit3A_1304, %eq3A_1305 : i32
        %jit3A_1307 = arith.constant 1 : i32
        %select_n3A_1308 = arith.select %eq3A_1306, %jit3A_1307, %jit3A_1304 : i32
        %rem3A_1309 = vector.broadcast %select_n3A_1308 : i32 to vector<16xi32>
        %rem3A_1310 = arith.remsi %add3A_1303, %rem3A_1309 : vector<16xi32>
        %ne3A_1311 = arith.constant 0 : i32
        %ne3A_1312 = vector.broadcast %ne3A_1311 : i32 to vector<16xi32>
        %ne3A_1313 = arith.cmpi ne, %rem3A_1310, %ne3A_1312 : vector<16xi32>
        %lt3A_1314 = arith.constant 0 : i32
        %lt3A_1315 = vector.broadcast %lt3A_1314 : i32 to vector<16xi32>
        %lt3A_1316 = arith.cmpi slt, %rem3A_1310, %lt3A_1315 : vector<16xi32>
        %lt3A_1317 = arith.constant 0 : i32
        %lt3A_1318 = arith.cmpi slt, %select_n3A_1308, %lt3A_1317 : i32
        %ne3A_1319 = vector.broadcast %lt3A_1318 : i1 to vector<16xi1>
        %ne3A_1320 = vector.broadcast %ne3A_1319 : vector<16xi1> to vector<16xi1>
        %ne3A_1321 = arith.xori %lt3A_1316, %ne3A_1320 : vector<16xi1>
        %and3A_1322 = arith.andi %ne3A_1321, %ne3A_1313 : vector<16xi1>
        %add3A_1323 = vector.broadcast %select_n3A_1308 : i32 to vector<16xi32>
        %add3A_1324 = arith.addi %rem3A_1310, %add3A_1323 : vector<16xi32>
        %select_n3A_1325 = arith.select %and3A_1322, %add3A_1324, %rem3A_1310 : vector<16xi1>, vector<16xi32>
        %broadcast_in_dim3A_1326 = vector.shape_cast %select_n3A_1325 : vector<16xi32> to vector<16x1xi32>
        %gather3A_1327 = vector.shape_cast %broadcast_in_dim3A_1326 : vector<16x1xi32> to vector<16xi32>
        %gather3A_1328 = tpu.dynamic_gather %add3A_1289[%gather3A_1327] in [0] : vector<16xf32>, vector<16xi32> -> vector<16xf32>
        %add3A_1329 = arith.addf %add3A_1289, %gather3A_1328 : vector<16xf32>
        %iota3A_1330 = tpu.iota {dimensions = array<i32: 0>} : vector<16xi32>
        %add3A_1331 = arith.constant 4 : i32
        %add3A_1332 = vector.broadcast %add3A_1331 : i32 to vector<16xi32>
        %add3A_1333 = arith.addi %iota3A_1330, %add3A_1332 : vector<16xi32>
        %jit3A_1334 = arith.constant 16 : i32
        %eq3A_1335 = arith.constant 0 : i32
        %eq3A_1336 = arith.cmpi eq, %jit3A_1334, %eq3A_1335 : i32
        %jit3A_1337 = arith.constant 1 : i32
        %select_n3A_1338 = arith.select %eq3A_1336, %jit3A_1337, %jit3A_1334 : i32
        %rem3A_1339 = vector.broadcast %select_n3A_1338 : i32 to vector<16xi32>
        %rem3A_1340 = arith.remsi %add3A_1333, %rem3A_1339 : vector<16xi32>
        %ne3A_1341 = arith.constant 0 : i32
        %ne3A_1342 = vector.broadcast %ne3A_1341 : i32 to vector<16xi32>
        %ne3A_1343 = arith.cmpi ne, %rem3A_1340, %ne3A_1342 : vector<16xi32>
        %lt3A_1344 = arith.constant 0 : i32
        %lt3A_1345 = vector.broadcast %lt3A_1344 : i32 to vector<16xi32>
        %lt3A_1346 = arith.cmpi slt, %rem3A_1340, %lt3A_1345 : vector<16xi32>
        %lt3A_1347 = arith.constant 0 : i32
        %lt3A_1348 = arith.cmpi slt, %select_n3A_1338, %lt3A_1347 : i32
        %ne3A_1349 = vector.broadcast %lt3A_1348 : i1 to vector<16xi1>
        %ne3A_1350 = vector.broadcast %ne3A_1349 : vector<16xi1> to vector<16xi1>
        %ne3A_1351 = arith.xori %lt3A_1346, %ne3A_1350 : vector<16xi1>
        %and3A_1352 = arith.andi %ne3A_1351, %ne3A_1343 : vector<16xi1>
        %add3A_1353 = vector.broadcast %select_n3A_1338 : i32 to vector<16xi32>
        %add3A_1354 = arith.addi %rem3A_1340, %add3A_1353 : vector<16xi32>
        %select_n3A_1355 = arith.select %and3A_1352, %add3A_1354, %rem3A_1340 : vector<16xi1>, vector<16xi32>
        %broadcast_in_dim3A_1356 = vector.shape_cast %select_n3A_1355 : vector<16xi32> to vector<16x1xi32>
        %gather3A_1357 = vector.shape_cast %broadcast_in_dim3A_1356 : vector<16x1xi32> to vector<16xi32>
        %gather3A_1358 = tpu.dynamic_gather %add3A_1329[%gather3A_1357] in [0] : vector<16xf32>, vector<16xi32> -> vector<16xf32>
        %add3A_1359 = arith.addf %add3A_1329, %gather3A_1358 : vector<16xf32>
        %iota3A_1360 = tpu.iota {dimensions = array<i32: 0>} : vector<16xi32>
        %add3A_1361 = arith.constant 2 : i32
        %add3A_1362 = vector.broadcast %add3A_1361 : i32 to vector<16xi32>
        %add3A_1363 = arith.addi %iota3A_1360, %add3A_1362 : vector<16xi32>
        %jit3A_1364 = arith.constant 16 : i32
        %eq3A_1365 = arith.constant 0 : i32
        %eq3A_1366 = arith.cmpi eq, %jit3A_1364, %eq3A_1365 : i32
        %jit3A_1367 = arith.constant 1 : i32
        %select_n3A_1368 = arith.select %eq3A_1366, %jit3A_1367, %jit3A_1364 : i32
        %rem3A_1369 = vector.broadcast %select_n3A_1368 : i32 to vector<16xi32>
        %rem3A_1370 = arith.remsi %add3A_1363, %rem3A_1369 : vector<16xi32>
        %ne3A_1371 = arith.constant 0 : i32
        %ne3A_1372 = vector.broadcast %ne3A_1371 : i32 to vector<16xi32>
        %ne3A_1373 = arith.cmpi ne, %rem3A_1370, %ne3A_1372 : vector<16xi32>
        %lt3A_1374 = arith.constant 0 : i32
        %lt3A_1375 = vector.broadcast %lt3A_1374 : i32 to vector<16xi32>
        %lt3A_1376 = arith.cmpi slt, %rem3A_1370, %lt3A_1375 : vector<16xi32>
        %lt3A_1377 = arith.constant 0 : i32
        %lt3A_1378 = arith.cmpi slt, %select_n3A_1368, %lt3A_1377 : i32
        %ne3A_1379 = vector.broadcast %lt3A_1378 : i1 to vector<16xi1>
        %ne3A_1380 = vector.broadcast %ne3A_1379 : vector<16xi1> to vector<16xi1>
        %ne3A_1381 = arith.xori %lt3A_1376, %ne3A_1380 : vector<16xi1>
        %and3A_1382 = arith.andi %ne3A_1381, %ne3A_1373 : vector<16xi1>
        %add3A_1383 = vector.broadcast %select_n3A_1368 : i32 to vector<16xi32>
        %add3A_1384 = arith.addi %rem3A_1370, %add3A_1383 : vector<16xi32>
        %select_n3A_1385 = arith.select %and3A_1382, %add3A_1384, %rem3A_1370 : vector<16xi1>, vector<16xi32>
        %broadcast_in_dim3A_1386 = vector.shape_cast %select_n3A_1385 : vector<16xi32> to vector<16x1xi32>
        %gather3A_1387 = vector.shape_cast %broadcast_in_dim3A_1386 : vector<16x1xi32> to vector<16xi32>
        %gather3A_1388 = tpu.dynamic_gather %add3A_1359[%gather3A_1387] in [0] : vector<16xf32>, vector<16xi32> -> vector<16xf32>
        %add3A_1389 = arith.addf %add3A_1359, %gather3A_1388 : vector<16xf32>
        %iota3A_1390 = tpu.iota {dimensions = array<i32: 0>} : vector<16xi32>
        %add3A_1391 = arith.constant 1 : i32
        %add3A_1392 = vector.broadcast %add3A_1391 : i32 to vector<16xi32>
        %add3A_1393 = arith.addi %iota3A_1390, %add3A_1392 : vector<16xi32>
        %jit3A_1394 = arith.constant 16 : i32
        %eq3A_1395 = arith.constant 0 : i32
        %eq3A_1396 = arith.cmpi eq, %jit3A_1394, %eq3A_1395 : i32
        %jit3A_1397 = arith.constant 1 : i32
        %select_n3A_1398 = arith.select %eq3A_1396, %jit3A_1397, %jit3A_1394 : i32
        %rem3A_1399 = vector.broadcast %select_n3A_1398 : i32 to vector<16xi32>
        %rem3A_1400 = arith.remsi %add3A_1393, %rem3A_1399 : vector<16xi32>
        %ne3A_1401 = arith.constant 0 : i32
        %ne3A_1402 = vector.broadcast %ne3A_1401 : i32 to vector<16xi32>
        %ne3A_1403 = arith.cmpi ne, %rem3A_1400, %ne3A_1402 : vector<16xi32>
        %lt3A_1404 = arith.constant 0 : i32
        %lt3A_1405 = vector.broadcast %lt3A_1404 : i32 to vector<16xi32>
        %lt3A_1406 = arith.cmpi slt, %rem3A_1400, %lt3A_1405 : vector<16xi32>
        %lt3A_1407 = arith.constant 0 : i32
        %lt3A_1408 = arith.cmpi slt, %select_n3A_1398, %lt3A_1407 : i32
        %ne3A_1409 = vector.broadcast %lt3A_1408 : i1 to vector<16xi1>
        %ne3A_1410 = vector.broadcast %ne3A_1409 : vector<16xi1> to vector<16xi1>
        %ne3A_1411 = arith.xori %lt3A_1406, %ne3A_1410 : vector<16xi1>
        %and3A_1412 = arith.andi %ne3A_1411, %ne3A_1403 : vector<16xi1>
        %add3A_1413 = vector.broadcast %select_n3A_1398 : i32 to vector<16xi32>
        %add3A_1414 = arith.addi %rem3A_1400, %add3A_1413 : vector<16xi32>
        %select_n3A_1415 = arith.select %and3A_1412, %add3A_1414, %rem3A_1400 : vector<16xi1>, vector<16xi32>
        %broadcast_in_dim3A_1416 = vector.shape_cast %select_n3A_1415 : vector<16xi32> to vector<16x1xi32>
        %gather3A_1417 = vector.shape_cast %broadcast_in_dim3A_1416 : vector<16x1xi32> to vector<16xi32>
        %gather3A_1418 = tpu.dynamic_gather %add3A_1389[%gather3A_1417] in [0] : vector<16xf32>, vector<16xi32> -> vector<16xf32>
        %add3A_1419 = arith.addf %add3A_1389, %gather3A_1418 : vector<16xf32>
        %iota3A_1420 = tpu.iota {dimensions = array<i32: 0>} : vector<16xi32>
        %add3A_1421 = arith.constant 8 : i32
        %add3A_1422 = vector.broadcast %add3A_1421 : i32 to vector<16xi32>
        %add3A_1423 = arith.addi %iota3A_1420, %add3A_1422 : vector<16xi32>
        %jit3A_1424 = arith.constant 16 : i32
        %eq3A_1425 = arith.constant 0 : i32
        %eq3A_1426 = arith.cmpi eq, %jit3A_1424, %eq3A_1425 : i32
        %jit3A_1427 = arith.constant 1 : i32
        %select_n3A_1428 = arith.select %eq3A_1426, %jit3A_1427, %jit3A_1424 : i32
        %rem3A_1429 = vector.broadcast %select_n3A_1428 : i32 to vector<16xi32>
        %rem3A_1430 = arith.remsi %add3A_1423, %rem3A_1429 : vector<16xi32>
        %ne3A_1431 = arith.constant 0 : i32
        %ne3A_1432 = vector.broadcast %ne3A_1431 : i32 to vector<16xi32>
        %ne3A_1433 = arith.cmpi ne, %rem3A_1430, %ne3A_1432 : vector<16xi32>
        %lt3A_1434 = arith.constant 0 : i32
        %lt3A_1435 = vector.broadcast %lt3A_1434 : i32 to vector<16xi32>
        %lt3A_1436 = arith.cmpi slt, %rem3A_1430, %lt3A_1435 : vector<16xi32>
        %lt3A_1437 = arith.constant 0 : i32
        %lt3A_1438 = arith.cmpi slt, %select_n3A_1428, %lt3A_1437 : i32
        %ne3A_1439 = vector.broadcast %lt3A_1438 : i1 to vector<16xi1>
        %ne3A_1440 = vector.broadcast %ne3A_1439 : vector<16xi1> to vector<16xi1>
        %ne3A_1441 = arith.xori %lt3A_1436, %ne3A_1440 : vector<16xi1>
        %and3A_1442 = arith.andi %ne3A_1441, %ne3A_1433 : vector<16xi1>
        %add3A_1443 = vector.broadcast %select_n3A_1428 : i32 to vector<16xi32>
        %add3A_1444 = arith.addi %rem3A_1430, %add3A_1443 : vector<16xi32>
        %select_n3A_1445 = arith.select %and3A_1442, %add3A_1444, %rem3A_1430 : vector<16xi1>, vector<16xi32>
        %broadcast_in_dim3A_1446 = vector.shape_cast %select_n3A_1445 : vector<16xi32> to vector<16x1xi32>
        %gather3A_1447 = vector.shape_cast %broadcast_in_dim3A_1446 : vector<16x1xi32> to vector<16xi32>
        %gather3A_1448 = tpu.dynamic_gather %max3A_1299[%gather3A_1447] in [0] : vector<16xf32>, vector<16xi32> -> vector<16xf32>
        %max3A_1449 = arith.maximumf %max3A_1299, %gather3A_1448 : vector<16xf32>
        %iota3A_1450 = tpu.iota {dimensions = array<i32: 0>} : vector<16xi32>
        %add3A_1451 = arith.constant 4 : i32
        %add3A_1452 = vector.broadcast %add3A_1451 : i32 to vector<16xi32>
        %add3A_1453 = arith.addi %iota3A_1450, %add3A_1452 : vector<16xi32>
        %jit3A_1454 = arith.constant 16 : i32
        %eq3A_1455 = arith.constant 0 : i32
        %eq3A_1456 = arith.cmpi eq, %jit3A_1454, %eq3A_1455 : i32
        %jit3A_1457 = arith.constant 1 : i32
        %select_n3A_1458 = arith.select %eq3A_1456, %jit3A_1457, %jit3A_1454 : i32
        %rem3A_1459 = vector.broadcast %select_n3A_1458 : i32 to vector<16xi32>
        %rem3A_1460 = arith.remsi %add3A_1453, %rem3A_1459 : vector<16xi32>
        %ne3A_1461 = arith.constant 0 : i32
        %ne3A_1462 = vector.broadcast %ne3A_1461 : i32 to vector<16xi32>
        %ne3A_1463 = arith.cmpi ne, %rem3A_1460, %ne3A_1462 : vector<16xi32>
        %lt3A_1464 = arith.constant 0 : i32
        %lt3A_1465 = vector.broadcast %lt3A_1464 : i32 to vector<16xi32>
        %lt3A_1466 = arith.cmpi slt, %rem3A_1460, %lt3A_1465 : vector<16xi32>
        %lt3A_1467 = arith.constant 0 : i32
        %lt3A_1468 = arith.cmpi slt, %select_n3A_1458, %lt3A_1467 : i32
        %ne3A_1469 = vector.broadcast %lt3A_1468 : i1 to vector<16xi1>
        %ne3A_1470 = vector.broadcast %ne3A_1469 : vector<16xi1> to vector<16xi1>
        %ne3A_1471 = arith.xori %lt3A_1466, %ne3A_1470 : vector<16xi1>
        %and3A_1472 = arith.andi %ne3A_1471, %ne3A_1463 : vector<16xi1>
        %add3A_1473 = vector.broadcast %select_n3A_1458 : i32 to vector<16xi32>
        %add3A_1474 = arith.addi %rem3A_1460, %add3A_1473 : vector<16xi32>
        %select_n3A_1475 = arith.select %and3A_1472, %add3A_1474, %rem3A_1460 : vector<16xi1>, vector<16xi32>
        %broadcast_in_dim3A_1476 = vector.shape_cast %select_n3A_1475 : vector<16xi32> to vector<16x1xi32>
        %gather3A_1477 = vector.shape_cast %broadcast_in_dim3A_1476 : vector<16x1xi32> to vector<16xi32>
        %gather3A_1478 = tpu.dynamic_gather %max3A_1449[%gather3A_1477] in [0] : vector<16xf32>, vector<16xi32> -> vector<16xf32>
        %max3A_1479 = arith.maximumf %max3A_1449, %gather3A_1478 : vector<16xf32>
        %iota3A_1480 = tpu.iota {dimensions = array<i32: 0>} : vector<16xi32>
        %add3A_1481 = arith.constant 2 : i32
        %add3A_1482 = vector.broadcast %add3A_1481 : i32 to vector<16xi32>
        %add3A_1483 = arith.addi %iota3A_1480, %add3A_1482 : vector<16xi32>
        %jit3A_1484 = arith.constant 16 : i32
        %eq3A_1485 = arith.constant 0 : i32
        %eq3A_1486 = arith.cmpi eq, %jit3A_1484, %eq3A_1485 : i32
        %jit3A_1487 = arith.constant 1 : i32
        %select_n3A_1488 = arith.select %eq3A_1486, %jit3A_1487, %jit3A_1484 : i32
        %rem3A_1489 = vector.broadcast %select_n3A_1488 : i32 to vector<16xi32>
        %rem3A_1490 = arith.remsi %add3A_1483, %rem3A_1489 : vector<16xi32>
        %ne3A_1491 = arith.constant 0 : i32
        %ne3A_1492 = vector.broadcast %ne3A_1491 : i32 to vector<16xi32>
        %ne3A_1493 = arith.cmpi ne, %rem3A_1490, %ne3A_1492 : vector<16xi32>
        %lt3A_1494 = arith.constant 0 : i32
        %lt3A_1495 = vector.broadcast %lt3A_1494 : i32 to vector<16xi32>
        %lt3A_1496 = arith.cmpi slt, %rem3A_1490, %lt3A_1495 : vector<16xi32>
        %lt3A_1497 = arith.constant 0 : i32
        %lt3A_1498 = arith.cmpi slt, %select_n3A_1488, %lt3A_1497 : i32
        %ne3A_1499 = vector.broadcast %lt3A_1498 : i1 to vector<16xi1>
        %ne3A_1500 = vector.broadcast %ne3A_1499 : vector<16xi1> to vector<16xi1>
        %ne3A_1501 = arith.xori %lt3A_1496, %ne3A_1500 : vector<16xi1>
        %and3A_1502 = arith.andi %ne3A_1501, %ne3A_1493 : vector<16xi1>
        %add3A_1503 = vector.broadcast %select_n3A_1488 : i32 to vector<16xi32>
        %add3A_1504 = arith.addi %rem3A_1490, %add3A_1503 : vector<16xi32>
        %select_n3A_1505 = arith.select %and3A_1502, %add3A_1504, %rem3A_1490 : vector<16xi1>, vector<16xi32>
        %broadcast_in_dim3A_1506 = vector.shape_cast %select_n3A_1505 : vector<16xi32> to vector<16x1xi32>
        %gather3A_1507 = vector.shape_cast %broadcast_in_dim3A_1506 : vector<16x1xi32> to vector<16xi32>
        %gather3A_1508 = tpu.dynamic_gather %max3A_1479[%gather3A_1507] in [0] : vector<16xf32>, vector<16xi32> -> vector<16xf32>
        %max3A_1509 = arith.maximumf %max3A_1479, %gather3A_1508 : vector<16xf32>
        %iota3A_1510 = tpu.iota {dimensions = array<i32: 0>} : vector<16xi32>
        %add3A_1511 = arith.constant 1 : i32
        %add3A_1512 = vector.broadcast %add3A_1511 : i32 to vector<16xi32>
        %add3A_1513 = arith.addi %iota3A_1510, %add3A_1512 : vector<16xi32>
        %jit3A_1514 = arith.constant 16 : i32
        %eq3A_1515 = arith.constant 0 : i32
        %eq3A_1516 = arith.cmpi eq, %jit3A_1514, %eq3A_1515 : i32
        %jit3A_1517 = arith.constant 1 : i32
        %select_n3A_1518 = arith.select %eq3A_1516, %jit3A_1517, %jit3A_1514 : i32
        %rem3A_1519 = vector.broadcast %select_n3A_1518 : i32 to vector<16xi32>
        %rem3A_1520 = arith.remsi %add3A_1513, %rem3A_1519 : vector<16xi32>
        %ne3A_1521 = arith.constant 0 : i32
        %ne3A_1522 = vector.broadcast %ne3A_1521 : i32 to vector<16xi32>
        %ne3A_1523 = arith.cmpi ne, %rem3A_1520, %ne3A_1522 : vector<16xi32>
        %lt3A_1524 = arith.constant 0 : i32
        %lt3A_1525 = vector.broadcast %lt3A_1524 : i32 to vector<16xi32>
        %lt3A_1526 = arith.cmpi slt, %rem3A_1520, %lt3A_1525 : vector<16xi32>
        %lt3A_1527 = arith.constant 0 : i32
        %lt3A_1528 = arith.cmpi slt, %select_n3A_1518, %lt3A_1527 : i32
        %ne3A_1529 = vector.broadcast %lt3A_1528 : i1 to vector<16xi1>
        %ne3A_1530 = vector.broadcast %ne3A_1529 : vector<16xi1> to vector<16xi1>
        %ne3A_1531 = arith.xori %lt3A_1526, %ne3A_1530 : vector<16xi1>
        %and3A_1532 = arith.andi %ne3A_1531, %ne3A_1523 : vector<16xi1>
        %add3A_1533 = vector.broadcast %select_n3A_1518 : i32 to vector<16xi32>
        %add3A_1534 = arith.addi %rem3A_1520, %add3A_1533 : vector<16xi32>
        %select_n3A_1535 = arith.select %and3A_1532, %add3A_1534, %rem3A_1520 : vector<16xi1>, vector<16xi32>
        %broadcast_in_dim3A_1536 = vector.shape_cast %select_n3A_1535 : vector<16xi32> to vector<16x1xi32>
        %gather3A_1537 = vector.shape_cast %broadcast_in_dim3A_1536 : vector<16x1xi32> to vector<16xi32>
        %gather3A_1538 = tpu.dynamic_gather %max3A_1509[%gather3A_1537] in [0] : vector<16xf32>, vector<16xi32> -> vector<16xf32>
        %max3A_1539 = arith.maximumf %max3A_1509, %gather3A_1538 : vector<16xf32>
        %div3A = arith.constant 1.000000e+00 : f32
        %div3A_1540 = vector.broadcast %div3A : f32 to vector<16xf32>
        %div3A_1541 = arith.divf %div3A_1540, %add3A_1419 : vector<16xf32>
        %eq3A_1542 = arith.cmpf oeq, %max3A_1539, %max3A_543 : vector<16xf32>
        %jit3A_1543 = arith.constant 1.000000e+00 : f32
        %jit3A_1544 = arith.constant 0.000000e+00 : f32
        %broadcast_in_dim3A_1545 = vector.broadcast %jit3A_1543 : f32 to vector<16xf32>
        %broadcast_in_dim3A_1546 = vector.broadcast %jit3A_1544 : f32 to vector<16xf32>
        %select_n3A_1547 = arith.select %eq3A_1542, %broadcast_in_dim3A_1545, %broadcast_in_dim3A_1546 : vector<16xi1>, vector<16xf32>
        %gt3A = arith.cmpf ogt, %div3A_1541, %get3A_6 : vector<16xf32>
        %le3A = arith.cmpf ole, %div3A_1541, %get3A_9 : vector<16xf32>
        %and3A_1548 = arith.andi %gt3A, %le3A : vector<16xi1>
        %jit3A_1549 = arith.constant 1.000000e+00 : f32
        %jit3A_1550 = arith.constant 0.000000e+00 : f32
        %broadcast_in_dim3A_1551 = vector.broadcast %jit3A_1549 : f32 to vector<16xf32>
        %broadcast_in_dim3A_1552 = vector.broadcast %jit3A_1550 : f32 to vector<16xf32>
        %select_n3A_1553 = arith.select %and3A_1548, %broadcast_in_dim3A_1551, %broadcast_in_dim3A_1552 : vector<16xi1>, vector<16xf32>
        %add3A_1554 = arith.addf %scan3A_43, %select_n3A_1553 : vector<16xf32>
        %jit3A_1555 = arith.constant 0.000000e+00 : f32
        %broadcast_in_dim3A_1556 = vector.broadcast %jit3A_1555 : f32 to vector<16xf32>
        %select_n3A_1557 = arith.select %and3A_1548, %select_n3A_1547, %broadcast_in_dim3A_1556 : vector<16xi1>, vector<16xf32>
        %add3A_1558 = arith.addf %scan3A_44, %select_n3A_1557 : vector<16xf32>
        %jit3A_1559 = arith.constant 0.000000e+00 : f32
        %broadcast_in_dim3A_1560 = vector.broadcast %jit3A_1559 : f32 to vector<16xf32>
        %select_n3A_1561 = arith.select %and3A_1548, %div3A_1541, %broadcast_in_dim3A_1560 : vector<16xi1>, vector<16xf32>
        %add3A_1562 = arith.addf %scan3A_45, %select_n3A_1561 : vector<16xf32>
        scf.yield %add3A_1554, %add3A_1558, %add3A_1562 : vector<16xf32>, vector<16xf32>, vector<16xf32>
      }
      %scan3A_41 = arith.constant 64 : i32
      scf.yield %scan3A_40#0, %scan3A_40#1, %scan3A_40#2 : vector<16xf32>, vector<16xf32>, vector<16xf32>
    }
    %scan3A_15 = arith.constant 2 : i32
    %swap3A = arith.constant 0 : index
    %swap3A_16 = tpu.vector_load %arg9[%swap3A] {strides = array<i32>} : memref<48xf32, #tpu.memory_space<vmem>>, vector<16xf32>,
    %swap3A_17 = vector.shape_cast %swap3A_16 : vector<16xf32> to vector<16xf32>
    %swap3A_18 = vector.shape_cast %scan3A_14#0 : vector<16xf32> to vector<16xf32>
    tpu.vector_store %arg9[%swap3A], %swap3A_18 {strides = array<i32>} : memref<48xf32, #tpu.memory_space<vmem>>, vector<16xf32>,
    %swap3A_19 = arith.constant 16 : index
    %swap3A_20 = tpu.vector_load %arg9[%swap3A_19] {strides = array<i32>} : memref<48xf32, #tpu.memory_space<vmem>>, vector<16xf32>,
    %swap3A_21 = vector.shape_cast %swap3A_20 : vector<16xf32> to vector<16xf32>
    %swap3A_22 = vector.shape_cast %scan3A_14#1 : vector<16xf32> to vector<16xf32>
    tpu.vector_store %arg9[%swap3A_19], %swap3A_22 {strides = array<i32>} : memref<48xf32, #tpu.memory_space<vmem>>, vector<16xf32>,
    %swap3A_23 = arith.constant 32 : index
    %swap3A_24 = tpu.vector_load %arg9[%swap3A_23] {strides = array<i32>} : memref<48xf32, #tpu.memory_space<vmem>>, vector<16xf32>,
    %swap3A_25 = vector.shape_cast %swap3A_24 : vector<16xf32> to vector<16xf32>
    %swap3A_26 = vector.shape_cast %scan3A_14#2 : vector<16xf32> to vector<16xf32>
    tpu.vector_store %arg9[%swap3A_23], %swap3A_26 {strides = array<i32>} : memref<48xf32, #tpu.memory_space<vmem>>, vector<16xf32>,
    "tpu.region"() ({
      %run_scoped3A = tpu.sem_alloc : memref<!tpu.dma_semaphore, #tpu.memory_space<semaphore_mem>>
      %dma_start3A = arith.constant 0 : i32
      %dma_start3A_27 = tpu.memref_slice %arg5[%add3A, %dma_start3A] : memref<32x48xf32, #tpu.memory_space<hbm>> -> memref<1x48xf32, #tpu.memory_space<hbm>>
      %dma_start3A_28 = tpu.memref_squeeze %dma_start3A_27 : memref<1x48xf32, #tpu.memory_space<hbm>> -> memref<48xf32, #tpu.memory_space<hbm>>
      %dma_start3A_29 = arith.constant 0 : i32
      %dma_start3A_30 = tpu.memref_slice %arg5[%add3A, %dma_start3A_29] : memref<32x48xf32, #tpu.memory_space<hbm>> -> memref<1x48xf32, #tpu.memory_space<hbm>>
      %dma_start3A_31 = tpu.memref_squeeze %dma_start3A_30 : memref<1x48xf32, #tpu.memory_space<hbm>> -> memref<48xf32, #tpu.memory_space<hbm>>
      tpu.enqueue_dma source(%arg9 : memref<48xf32, #tpu.memory_space<vmem>>) target(%dma_start3A_31 : memref<48xf32, #tpu.memory_space<hbm>>) target_semaphore(%run_scoped3A : memref<!tpu.dma_semaphore, #tpu.memory_space<semaphore_mem>>)
      %dma_wait3A = arith.constant 0 : i32
      %dma_wait3A_32 = tpu.memref_slice %arg5[%add3A, %dma_wait3A] : memref<32x48xf32, #tpu.memory_space<hbm>> -> memref<1x48xf32, #tpu.memory_space<hbm>>
      %dma_wait3A_33 = tpu.memref_squeeze %dma_wait3A_32 : memref<1x48xf32, #tpu.memory_space<hbm>> -> memref<48xf32, #tpu.memory_space<hbm>>
      %dma_wait3A_34 = arith.constant 0 : i32
      %dma_wait3A_35 = tpu.memref_slice %arg5[%add3A, %dma_wait3A_34] : memref<32x48xf32, #tpu.memory_space<hbm>> -> memref<1x48xf32, #tpu.memory_space<hbm>>
      %dma_wait3A_36 = tpu.memref_squeeze %dma_wait3A_35 : memref<1x48xf32, #tpu.memory_space<hbm>> -> memref<48xf32, #tpu.memory_space<hbm>>
      tpu.wait_dma2 semaphore(%run_scoped3A : memref<!tpu.dma_semaphore, #tpu.memory_space<semaphore_mem>>) src(%arg9 : memref<48xf32, #tpu.memory_space<vmem>>) dst(%dma_wait3A_36 : memref<48xf32, #tpu.memory_space<hbm>>)
      tpu.yield
    }) : () -> ()
    return
  }
}

module attributes {stable_mosaic.version = 14 : i64} {
  func.func @_tc_partial_kernel(%arg0: i32, %arg1: memref<512x1000xf32, #tpu.memory_space<vmem>>, %arg2: memref<512x1000xf32, #tpu.memory_space<vmem>>, %arg3: memref<1x1024x1xi32, #tpu.memory_space<vmem>>, %arg4: memref<1x12xf32, #tpu.memory_space<vmem>>, %arg5: memref<1x11xf32, #tpu.memory_space<vmem>>, %arg6: memref<1x11xf32, #tpu.memory_space<vmem>>, %arg7: memref<1x11xf32, #tpu.memory_space<vmem>>, %arg8: memref<1x11xf32, #tpu.memory_space<vmem>>, %arg9: memref<1x11xf32, #tpu.memory_space<vmem>>, %arg10: memref<1x11xf32, #tpu.memory_space<vmem>>) attributes {dimension_semantics = [#tpu.dimension_semantics<arbitrary>], iteration_bounds = array<i64: 12>, scalar_prefetch = 0 : i64, scratch_operands = 3 : i64, tpu.core_type = #tpu.core_type<tc>, window_params = [{transform_indices = @transform_0, window_bounds = array<i64: 512, 1000>}, {transform_indices = @transform_1, window_bounds = array<i64: 512, 1000>}, {transform_indices = @transform_2, window_bounds = array<i64: 1, 1024, 1>}, {pipeline_mode = #tpu.pipeline_mode<synchronous>, transform_indices = @transform_3, window_bounds = array<i64: 1, 12>}, {pipeline_mode = #tpu.pipeline_mode<synchronous>, transform_indices = @transform_4, window_bounds = array<i64: 1, 11>}, {pipeline_mode = #tpu.pipeline_mode<synchronous>, transform_indices = @transform_5, window_bounds = array<i64: 1, 11>}, {pipeline_mode = #tpu.pipeline_mode<synchronous>, transform_indices = @transform_6, window_bounds = array<i64: 1, 11>}]} {
    %eq3A = arith.constant 0 : i32
    %eq3A_0 = arith.cmpi eq, %arg0, %eq3A : i32
    %convert_element_type3A = arith.extui %eq3A_0 : i1 to i32
    %cond3A = arith.constant 0 : i32
    %cond3A_1 = arith.cmpi ne, %convert_element_type3A, %cond3A : i32
    scf.if %cond3A_1 {
      %broadcast_in_dim3A_125 = arith.constant 0.000000e+00 : f32
      %broadcast_in_dim3A_126 = vector.broadcast %broadcast_in_dim3A_125 : f32 to vector<1x11xf32>
      %swap3A_127 = arith.constant 0 : index
      %swap3A_128 = arith.constant 0 : index
      %swap3A_129 = vector.load %arg8[%swap3A_127, %swap3A_128] : memref<1x11xf32, #tpu.memory_space<vmem>>, vector<1x11xf32>
      tpu.vector_store %arg8[%swap3A_127, %swap3A_128], %broadcast_in_dim3A_126 {strides = array<i32>} : memref<1x11xf32, #tpu.memory_space<vmem>>, vector<1x11xf32>,
      %broadcast_in_dim3A_130 = arith.constant 0.000000e+00 : f32
      %broadcast_in_dim3A_131 = vector.broadcast %broadcast_in_dim3A_130 : f32 to vector<1x11xf32>
      %swap3A_132 = arith.constant 0 : index
      %swap3A_133 = arith.constant 0 : index
      %swap3A_134 = vector.load %arg9[%swap3A_132, %swap3A_133] : memref<1x11xf32, #tpu.memory_space<vmem>>, vector<1x11xf32>
      tpu.vector_store %arg9[%swap3A_132, %swap3A_133], %broadcast_in_dim3A_131 {strides = array<i32>} : memref<1x11xf32, #tpu.memory_space<vmem>>, vector<1x11xf32>,
      %broadcast_in_dim3A_135 = arith.constant 0.000000e+00 : f32
      %broadcast_in_dim3A_136 = vector.broadcast %broadcast_in_dim3A_135 : f32 to vector<1x11xf32>
      %swap3A_137 = arith.constant 0 : index
      %swap3A_138 = arith.constant 0 : index
      %swap3A_139 = vector.load %arg10[%swap3A_137, %swap3A_138] : memref<1x11xf32, #tpu.memory_space<vmem>>, vector<1x11xf32>
      tpu.vector_store %arg10[%swap3A_137, %swap3A_138], %broadcast_in_dim3A_136 {strides = array<i32>} : memref<1x11xf32, #tpu.memory_space<vmem>>, vector<1x11xf32>,
    } else {
    }
    %get3A = arith.constant 0 : index
    %get3A_2 = arith.constant 0 : index
    %get3A_3 = vector.load %arg4[%get3A, %get3A_2] : memref<1x12xf32, #tpu.memory_space<vmem>>, vector<1x11xf32>
    %get3A_4 = arith.constant 0 : index
    %get3A_5 = arith.constant 1 : index
    %get3A_6 = vector.load %arg4[%get3A_4, %get3A_5] : memref<1x12xf32, #tpu.memory_space<vmem>>, vector<1x11xf32>
    %get3A_7 = arith.constant 0 : index
    %get3A_8 = arith.constant 0 : index
    %get3A_9 = arith.constant 0 : index
    %get3A_10 = vector.load %arg3[%get3A_7, %get3A_8, %get3A_9] : memref<1x1024x1xi32, #tpu.memory_space<vmem>>, vector<1x1024x1xi32>
    %get3A_11 = vector.shape_cast %get3A_10 : vector<1x1024x1xi32> to vector<1024x1xi32>
    %get3A_12 = arith.constant 0 : index
    %get3A_13 = arith.constant 0 : index
    %get3A_14 = vector.load %arg1[%get3A_12, %get3A_13] : memref<512x1000xf32, #tpu.memory_space<vmem>>, vector<512x1000xf32>
    %slice3A = vector.extract_strided_slice %get3A_11 {offsets = [0, 0], sizes = [512, 1], strides = [1, 1]} : vector<1024x1xi32> to vector<512x1xi32>
    %reduce_max3A = arith.constant dense<0xFF800000> : vector<512xf32>
    %reduce_max3A_15 = vector.multi_reduction <maximumf>, %get3A_14, %reduce_max3A [1] : vector<512x1000xf32> to vector<512xf32>
    %broadcast_in_dim3A = vector.shape_cast %reduce_max3A_15 : vector<512xf32> to vector<512x1xf32>
    %sub3A = vector.broadcast %broadcast_in_dim3A : vector<512x1xf32> to vector<512x1000xf32>
    %sub3A_16 = arith.subf %get3A_14, %sub3A : vector<512x1000xf32>
    %exp3A = math.exp %sub3A_16 : vector<512x1000xf32>
    %reduce_sum3A = arith.constant dense<0.000000e+00> : vector<512xf32>
    %reduce_sum3A_17 = vector.multi_reduction <add>, %exp3A, %reduce_sum3A [1] : vector<512x1000xf32> to vector<512xf32>
    %broadcast_in_dim3A_18 = vector.shape_cast %reduce_sum3A_17 : vector<512xf32> to vector<512x1xf32>
    %div3A = arith.constant 1.000000e+00 : f32
    %div3A_19 = vector.broadcast %div3A : f32 to vector<512x1xf32>
    %div3A_20 = arith.divf %div3A_19, %broadcast_in_dim3A_18 : vector<512x1xf32>
    %iota3A = tpu.iota {dimensions = array<i32: 1>} : vector<512x1000xi32>
    %eq3A_21 = vector.broadcast %slice3A : vector<512x1xi32> to vector<512x1000xi32>
    %eq3A_22 = arith.cmpi eq, %iota3A, %eq3A_21 : vector<512x1000xi32>
    %jit3A = arith.constant -3.000000e+38 : f32
    %broadcast_in_dim3A_23 = vector.broadcast %jit3A : f32 to vector<512x1000xf32>
    %select_n3A = arith.select %eq3A_22, %get3A_14, %broadcast_in_dim3A_23 : vector<512x1000xi1>, vector<512x1000xf32>
    %reduce_max3A_24 = arith.constant dense<0xFF800000> : vector<512xf32>
    %reduce_max3A_25 = vector.multi_reduction <maximumf>, %select_n3A, %reduce_max3A_24 [1] : vector<512x1000xf32> to vector<512xf32>
    %broadcast_in_dim3A_26 = vector.shape_cast %reduce_max3A_25 : vector<512xf32> to vector<512x1xf32>
    %eq3A_27 = arith.cmpf oeq, %broadcast_in_dim3A_26, %broadcast_in_dim3A : vector<512x1xf32>
    %convert_element_type3A_28 = arith.extui %eq3A_27 : vector<512x1xi1> to vector<512x1xi32>
    %convert_element_type3A_29 = arith.sitofp %convert_element_type3A_28 : vector<512x1xi32> to vector<512x1xf32>
    %gt3A = vector.broadcast %div3A_20 : vector<512x1xf32> to vector<512x11xf32>
    %gt3A_30 = vector.broadcast %get3A_3 : vector<1x11xf32> to vector<512x11xf32>
    %gt3A_31 = arith.cmpf ogt, %gt3A, %gt3A_30 : vector<512x11xf32>
    %le3A = vector.broadcast %div3A_20 : vector<512x1xf32> to vector<512x11xf32>
    %le3A_32 = vector.broadcast %get3A_6 : vector<1x11xf32> to vector<512x11xf32>
    %le3A_33 = arith.cmpf ole, %le3A, %le3A_32 : vector<512x11xf32>
    %and3A = arith.andi %gt3A_31, %le3A_33 : vector<512x11xi1>
    %convert_element_type3A_34 = arith.extui %and3A : vector<512x11xi1> to vector<512x11xi32>
    %convert_element_type3A_35 = arith.sitofp %convert_element_type3A_34 : vector<512x11xi32> to vector<512x11xf32>
    %reduce_sum3A_36 = arith.constant dense<0.000000e+00> : vector<11xf32>
    %reduce_sum3A_37 = vector.multi_reduction <add>, %convert_element_type3A_35, %reduce_sum3A_36 [0] : vector<512x11xf32> to vector<11xf32>
    %broadcast_in_dim3A_38 = vector.shape_cast %reduce_sum3A_37 : vector<11xf32> to vector<1x11xf32>
    %mul3A = vector.broadcast %convert_element_type3A_29 : vector<512x1xf32> to vector<512x11xf32>
    %mul3A_39 = arith.mulf %convert_element_type3A_35, %mul3A : vector<512x11xf32>
    %reduce_sum3A_40 = arith.constant dense<0.000000e+00> : vector<11xf32>
    %reduce_sum3A_41 = vector.multi_reduction <add>, %mul3A_39, %reduce_sum3A_40 [0] : vector<512x11xf32> to vector<11xf32>
    %broadcast_in_dim3A_42 = vector.shape_cast %reduce_sum3A_41 : vector<11xf32> to vector<1x11xf32>
    %mul3A_43 = vector.broadcast %div3A_20 : vector<512x1xf32> to vector<512x11xf32>
    %mul3A_44 = arith.mulf %convert_element_type3A_35, %mul3A_43 : vector<512x11xf32>
    %reduce_sum3A_45 = arith.constant dense<0.000000e+00> : vector<11xf32>
    %reduce_sum3A_46 = vector.multi_reduction <add>, %mul3A_44, %reduce_sum3A_45 [0] : vector<512x11xf32> to vector<11xf32>
    %broadcast_in_dim3A_47 = vector.shape_cast %reduce_sum3A_46 : vector<11xf32> to vector<1x11xf32>
    %get3A_48 = arith.constant 0 : index
    %get3A_49 = arith.constant 0 : index
    %get3A_50 = vector.load %arg2[%get3A_48, %get3A_49] : memref<512x1000xf32, #tpu.memory_space<vmem>>, vector<512x1000xf32>
    %slice3A_51 = vector.extract_strided_slice %get3A_11 {offsets = [512, 0], sizes = [512, 1], strides = [1, 1]} : vector<1024x1xi32> to vector<512x1xi32>
    %reduce_max3A_52 = arith.constant dense<0xFF800000> : vector<512xf32>
    %reduce_max3A_53 = vector.multi_reduction <maximumf>, %get3A_50, %reduce_max3A_52 [1] : vector<512x1000xf32> to vector<512xf32>
    %broadcast_in_dim3A_54 = vector.shape_cast %reduce_max3A_53 : vector<512xf32> to vector<512x1xf32>
    %sub3A_55 = vector.broadcast %broadcast_in_dim3A_54 : vector<512x1xf32> to vector<512x1000xf32>
    %sub3A_56 = arith.subf %get3A_50, %sub3A_55 : vector<512x1000xf32>
    %exp3A_57 = math.exp %sub3A_56 : vector<512x1000xf32>
    %reduce_sum3A_58 = arith.constant dense<0.000000e+00> : vector<512xf32>
    %reduce_sum3A_59 = vector.multi_reduction <add>, %exp3A_57, %reduce_sum3A_58 [1] : vector<512x1000xf32> to vector<512xf32>
    %broadcast_in_dim3A_60 = vector.shape_cast %reduce_sum3A_59 : vector<512xf32> to vector<512x1xf32>
    %div3A_61 = arith.constant 1.000000e+00 : f32
    %div3A_62 = vector.broadcast %div3A_61 : f32 to vector<512x1xf32>
    %div3A_63 = arith.divf %div3A_62, %broadcast_in_dim3A_60 : vector<512x1xf32>
    %iota3A_64 = tpu.iota {dimensions = array<i32: 1>} : vector<512x1000xi32>
    %eq3A_65 = vector.broadcast %slice3A_51 : vector<512x1xi32> to vector<512x1000xi32>
    %eq3A_66 = arith.cmpi eq, %iota3A_64, %eq3A_65 : vector<512x1000xi32>
    %jit3A_67 = arith.constant -3.000000e+38 : f32
    %broadcast_in_dim3A_68 = vector.broadcast %jit3A_67 : f32 to vector<512x1000xf32>
    %select_n3A_69 = arith.select %eq3A_66, %get3A_50, %broadcast_in_dim3A_68 : vector<512x1000xi1>, vector<512x1000xf32>
    %reduce_max3A_70 = arith.constant dense<0xFF800000> : vector<512xf32>
    %reduce_max3A_71 = vector.multi_reduction <maximumf>, %select_n3A_69, %reduce_max3A_70 [1] : vector<512x1000xf32> to vector<512xf32>
    %broadcast_in_dim3A_72 = vector.shape_cast %reduce_max3A_71 : vector<512xf32> to vector<512x1xf32>
    %eq3A_73 = arith.cmpf oeq, %broadcast_in_dim3A_72, %broadcast_in_dim3A_54 : vector<512x1xf32>
    %convert_element_type3A_74 = arith.extui %eq3A_73 : vector<512x1xi1> to vector<512x1xi32>
    %convert_element_type3A_75 = arith.sitofp %convert_element_type3A_74 : vector<512x1xi32> to vector<512x1xf32>
    %gt3A_76 = vector.broadcast %div3A_63 : vector<512x1xf32> to vector<512x11xf32>
    %gt3A_77 = vector.broadcast %get3A_3 : vector<1x11xf32> to vector<512x11xf32>
    %gt3A_78 = arith.cmpf ogt, %gt3A_76, %gt3A_77 : vector<512x11xf32>
    %le3A_79 = vector.broadcast %div3A_63 : vector<512x1xf32> to vector<512x11xf32>
    %le3A_80 = vector.broadcast %get3A_6 : vector<1x11xf32> to vector<512x11xf32>
    %le3A_81 = arith.cmpf ole, %le3A_79, %le3A_80 : vector<512x11xf32>
    %and3A_82 = arith.andi %gt3A_78, %le3A_81 : vector<512x11xi1>
    %convert_element_type3A_83 = arith.extui %and3A_82 : vector<512x11xi1> to vector<512x11xi32>
    %convert_element_type3A_84 = arith.sitofp %convert_element_type3A_83 : vector<512x11xi32> to vector<512x11xf32>
    %reduce_sum3A_85 = arith.constant dense<0.000000e+00> : vector<11xf32>
    %reduce_sum3A_86 = vector.multi_reduction <add>, %convert_element_type3A_84, %reduce_sum3A_85 [0] : vector<512x11xf32> to vector<11xf32>
    %broadcast_in_dim3A_87 = vector.shape_cast %reduce_sum3A_86 : vector<11xf32> to vector<1x11xf32>
    %mul3A_88 = vector.broadcast %convert_element_type3A_75 : vector<512x1xf32> to vector<512x11xf32>
    %mul3A_89 = arith.mulf %convert_element_type3A_84, %mul3A_88 : vector<512x11xf32>
    %reduce_sum3A_90 = arith.constant dense<0.000000e+00> : vector<11xf32>
    %reduce_sum3A_91 = vector.multi_reduction <add>, %mul3A_89, %reduce_sum3A_90 [0] : vector<512x11xf32> to vector<11xf32>
    %broadcast_in_dim3A_92 = vector.shape_cast %reduce_sum3A_91 : vector<11xf32> to vector<1x11xf32>
    %mul3A_93 = vector.broadcast %div3A_63 : vector<512x1xf32> to vector<512x11xf32>
    %mul3A_94 = arith.mulf %convert_element_type3A_84, %mul3A_93 : vector<512x11xf32>
    %reduce_sum3A_95 = arith.constant dense<0.000000e+00> : vector<11xf32>
    %reduce_sum3A_96 = vector.multi_reduction <add>, %mul3A_94, %reduce_sum3A_95 [0] : vector<512x11xf32> to vector<11xf32>
    %broadcast_in_dim3A_97 = vector.shape_cast %reduce_sum3A_96 : vector<11xf32> to vector<1x11xf32>
    %get3A_98 = arith.constant 0 : index
    %get3A_99 = arith.constant 0 : index
    %get3A_100 = vector.load %arg8[%get3A_98, %get3A_99] : memref<1x11xf32, #tpu.memory_space<vmem>>, vector<1x11xf32>
    %add3A = arith.addf %broadcast_in_dim3A_38, %broadcast_in_dim3A_87 : vector<1x11xf32>
    %add3A_101 = arith.addf %get3A_100, %add3A : vector<1x11xf32>
    %swap3A = arith.constant 0 : index
    %swap3A_102 = arith.constant 0 : index
    %swap3A_103 = vector.load %arg8[%swap3A, %swap3A_102] : memref<1x11xf32, #tpu.memory_space<vmem>>, vector<1x11xf32>
    tpu.vector_store %arg8[%swap3A, %swap3A_102], %add3A_101 {strides = array<i32>} : memref<1x11xf32, #tpu.memory_space<vmem>>, vector<1x11xf32>,
    %get3A_104 = arith.constant 0 : index
    %get3A_105 = arith.constant 0 : index
    %get3A_106 = vector.load %arg9[%get3A_104, %get3A_105] : memref<1x11xf32, #tpu.memory_space<vmem>>, vector<1x11xf32>
    %add3A_107 = arith.addf %broadcast_in_dim3A_42, %broadcast_in_dim3A_92 : vector<1x11xf32>
    %add3A_108 = arith.addf %get3A_106, %add3A_107 : vector<1x11xf32>
    %swap3A_109 = arith.constant 0 : index
    %swap3A_110 = arith.constant 0 : index
    %swap3A_111 = vector.load %arg9[%swap3A_109, %swap3A_110] : memref<1x11xf32, #tpu.memory_space<vmem>>, vector<1x11xf32>
    tpu.vector_store %arg9[%swap3A_109, %swap3A_110], %add3A_108 {strides = array<i32>} : memref<1x11xf32, #tpu.memory_space<vmem>>, vector<1x11xf32>,
    %get3A_112 = arith.constant 0 : index
    %get3A_113 = arith.constant 0 : index
    %get3A_114 = vector.load %arg10[%get3A_112, %get3A_113] : memref<1x11xf32, #tpu.memory_space<vmem>>, vector<1x11xf32>
    %add3A_115 = arith.addf %broadcast_in_dim3A_47, %broadcast_in_dim3A_97 : vector<1x11xf32>
    %add3A_116 = arith.addf %get3A_114, %add3A_115 : vector<1x11xf32>
    %swap3A_117 = arith.constant 0 : index
    %swap3A_118 = arith.constant 0 : index
    %swap3A_119 = vector.load %arg10[%swap3A_117, %swap3A_118] : memref<1x11xf32, #tpu.memory_space<vmem>>, vector<1x11xf32>
    tpu.vector_store %arg10[%swap3A_117, %swap3A_118], %add3A_116 {strides = array<i32>} : memref<1x11xf32, #tpu.memory_space<vmem>>, vector<1x11xf32>,
    %eq3A_120 = arith.constant 11 : i32
    %eq3A_121 = arith.cmpi eq, %arg0, %eq3A_120 : i32
    %convert_element_type3A_122 = arith.extui %eq3A_121 : i1 to i32
    %cond3A_123 = arith.constant 0 : i32
    %cond3A_124 = arith.cmpi ne, %convert_element_type3A_122, %cond3A_123 : i32
    scf.if %cond3A_124 {
      %get3A_125 = arith.constant 0 : index
      %get3A_126 = arith.constant 0 : index
      %get3A_127 = vector.load %arg8[%get3A_125, %get3A_126] : memref<1x11xf32, #tpu.memory_space<vmem>>, vector<1x11xf32>
      %swap3A_128 = arith.constant 0 : index
      %swap3A_129 = arith.constant 0 : index
      %swap3A_130 = vector.load %arg5[%swap3A_128, %swap3A_129] : memref<1x11xf32, #tpu.memory_space<vmem>>, vector<1x11xf32>
      tpu.vector_store %arg5[%swap3A_128, %swap3A_129], %get3A_127 {strides = array<i32>} : memref<1x11xf32, #tpu.memory_space<vmem>>, vector<1x11xf32>,
      %get3A_131 = arith.constant 0 : index
      %get3A_132 = arith.constant 0 : index
      %get3A_133 = vector.load %arg9[%get3A_131, %get3A_132] : memref<1x11xf32, #tpu.memory_space<vmem>>, vector<1x11xf32>
      %swap3A_134 = arith.constant 0 : index
      %swap3A_135 = arith.constant 0 : index
      %swap3A_136 = vector.load %arg6[%swap3A_134, %swap3A_135] : memref<1x11xf32, #tpu.memory_space<vmem>>, vector<1x11xf32>
      tpu.vector_store %arg6[%swap3A_134, %swap3A_135], %get3A_133 {strides = array<i32>} : memref<1x11xf32, #tpu.memory_space<vmem>>, vector<1x11xf32>,
      %get3A_137 = arith.constant 0 : index
      %get3A_138 = arith.constant 0 : index
      %get3A_139 = vector.load %arg10[%get3A_137, %get3A_138] : memref<1x11xf32, #tpu.memory_space<vmem>>, vector<1x11xf32>
      %swap3A_140 = arith.constant 0 : index
      %swap3A_141 = arith.constant 0 : index
      %swap3A_142 = vector.load %arg7[%swap3A_140, %swap3A_141] : memref<1x11xf32, #tpu.memory_space<vmem>>, vector<1x11xf32>
      tpu.vector_store %arg7[%swap3A_140, %swap3A_141], %get3A_139 {strides = array<i32>} : memref<1x11xf32, #tpu.memory_space<vmem>>, vector<1x11xf32>,
    } else {
    }
    return
  }
  func.func @transform_0(%arg0: i32) -> (i32, i32) {
    %mul3A = arith.constant 2 : i32
    %mul3A_0 = arith.muli %mul3A, %arg0 : i32
    %c0_i32 = arith.constant 0 : i32
    %c0_i32_1 = arith.constant 0 : i32
    return %mul3A_0, %c0_i32 : i32, i32
  }
  func.func @transform_1(%arg0: i32) -> (i32, i32) {
    %mul3A = arith.constant 2 : i32
    %mul3A_0 = arith.muli %mul3A, %arg0 : i32
    %add3A = arith.constant 1 : i32
    %add3A_1 = arith.addi %mul3A_0, %add3A : i32
    %c0_i32 = arith.constant 0 : i32
    %c0_i32_2 = arith.constant 0 : i32
    return %add3A_1, %c0_i32 : i32, i32
  }
  func.func @transform_2(%arg0: i32) -> (i32, i32, i32) {
    %c0_i32 = arith.constant 0 : i32
    %c0_i32_0 = arith.constant 0 : i32
    %c0_i32_1 = arith.constant 0 : i32
    return %arg0, %c0_i32, %c0_i32_0 : i32, i32, i32
  }
  func.func @transform_3(%arg0: i32) -> (i32, i32) {
    %c0_i32 = arith.constant 0 : i32
    %c0_i32_0 = arith.constant 0 : i32
    %c0_i32_1 = arith.constant 0 : i32
    return %c0_i32, %c0_i32_0 : i32, i32
  }
  func.func @transform_4(%arg0: i32) -> (i32, i32) {
    %c0_i32 = arith.constant 0 : i32
    %c0_i32_0 = arith.constant 0 : i32
    %c0_i32_1 = arith.constant 0 : i32
    return %c0_i32, %c0_i32_0 : i32, i32
  }
  func.func @transform_5(%arg0: i32) -> (i32, i32) {
    %c0_i32 = arith.constant 0 : i32
    %c0_i32_0 = arith.constant 0 : i32
    %c0_i32_1 = arith.constant 0 : i32
    return %c0_i32, %c0_i32_0 : i32, i32
  }
  func.func @transform_6(%arg0: i32) -> (i32, i32) {
    %c0_i32 = arith.constant 0 : i32
    %c0_i32_0 = arith.constant 0 : i32
    %c0_i32_1 = arith.constant 0 : i32
    return %c0_i32, %c0_i32_0 : i32, i32
  }
}

module attributes {stable_mosaic.version = 14 : i64} {
  func.func @_merge_kernel(%arg0: memref<1x11xf32, #tpu.memory_space<vmem>>, %arg1: memref<1x11xf32, #tpu.memory_space<vmem>>, %arg2: memref<1x11xf32, #tpu.memory_space<vmem>>, %arg3: memref<32x48xf32, #tpu.memory_space<vmem>>, %arg4: memref<1x1xf32, #tpu.memory_space<vmem>>, %arg5: memref<1x11xf32, #tpu.memory_space<vmem>>, %arg6: memref<1x11xf32, #tpu.memory_space<vmem>>) attributes {dimension_semantics = [], scalar_prefetch = 0 : i64, scratch_operands = 0 : i64, tpu.core_type = #tpu.core_type<tc>} {
    %get3A = arith.constant 0 : index
    %get3A_0 = arith.constant 0 : index
    %get3A_1 = vector.load %arg3[%get3A, %get3A_0] : memref<32x48xf32, #tpu.memory_space<vmem>>, vector<32x48xf32>
    %reduce_sum3A = arith.constant dense<0.000000e+00> : vector<48xf32>
    %reduce_sum3A_2 = vector.multi_reduction <add>, %get3A_1, %reduce_sum3A [0] : vector<32x48xf32> to vector<48xf32>
    %broadcast_in_dim3A = vector.shape_cast %reduce_sum3A_2 : vector<48xf32> to vector<1x48xf32>
    %get3A_3 = arith.constant 0 : index
    %get3A_4 = arith.constant 0 : index
    %get3A_5 = vector.load %arg0[%get3A_3, %get3A_4] : memref<1x11xf32, #tpu.memory_space<vmem>>, vector<1x11xf32>
    %slice3A = vector.extract_strided_slice %broadcast_in_dim3A {offsets = [0, 0], sizes = [1, 11], strides = [1, 1]} : vector<1x48xf32> to vector<1x11xf32>
    %add3A = arith.addf %get3A_5, %slice3A : vector<1x11xf32>
    %get3A_6 = arith.constant 0 : index
    %get3A_7 = arith.constant 0 : index
    %get3A_8 = vector.load %arg1[%get3A_6, %get3A_7] : memref<1x11xf32, #tpu.memory_space<vmem>>, vector<1x11xf32>
    %slice3A_9 = vector.extract_strided_slice %broadcast_in_dim3A {offsets = [0, 16], sizes = [1, 11], strides = [1, 1]} : vector<1x48xf32> to vector<1x11xf32>
    %add3A_10 = arith.addf %get3A_8, %slice3A_9 : vector<1x11xf32>
    %get3A_11 = arith.constant 0 : index
    %get3A_12 = arith.constant 0 : index
    %get3A_13 = vector.load %arg2[%get3A_11, %get3A_12] : memref<1x11xf32, #tpu.memory_space<vmem>>, vector<1x11xf32>
    %slice3A_14 = vector.extract_strided_slice %broadcast_in_dim3A {offsets = [0, 32], sizes = [1, 11], strides = [1, 1]} : vector<1x48xf32> to vector<1x11xf32>
    %add3A_15 = arith.addf %get3A_13, %slice3A_14 : vector<1x11xf32>
    %div3A = arith.constant 1.638400e+04 : f32
    %div3A_16 = vector.broadcast %div3A : f32 to vector<1x11xf32>
    %div3A_17 = arith.divf %add3A, %div3A_16 : vector<1x11xf32>
    %max3A = arith.constant 1.000000e+00 : f32
    %max3A_18 = vector.broadcast %max3A : f32 to vector<1x11xf32>
    %max3A_19 = arith.maximumf %add3A, %max3A_18 : vector<1x11xf32>
    %div3A_20 = arith.divf %add3A_10, %max3A_19 : vector<1x11xf32>
    %div3A_21 = arith.divf %add3A_15, %max3A_19 : vector<1x11xf32>
    %gt3A = arith.constant 0.000000e+00 : f32
    %gt3A_22 = vector.broadcast %gt3A : f32 to vector<1x11xf32>
    %gt3A_23 = arith.cmpf ogt, %add3A, %gt3A_22 : vector<1x11xf32>
    %sub3A = arith.subf %div3A_21, %div3A_20 : vector<1x11xf32>
    %abs3A = math.absf %sub3A : vector<1x11xf32>
    %mul3A = arith.mulf %abs3A, %div3A_17 : vector<1x11xf32>
    %jit3A = arith.constant 0.000000e+00 : f32
    %broadcast_in_dim3A_24 = vector.broadcast %jit3A : f32 to vector<1x11xf32>
    %select_n3A = arith.select %gt3A_23, %mul3A, %broadcast_in_dim3A_24 : vector<1x11xi1>, vector<1x11xf32>
    %reduce_sum3A_25 = arith.constant dense<0.000000e+00> : vector<1xf32>
    %reduce_sum3A_26 = vector.multi_reduction <add>, %select_n3A, %reduce_sum3A_25 [1] : vector<1x11xf32> to vector<1xf32>
    %broadcast_in_dim3A_27 = vector.shape_cast %reduce_sum3A_26 : vector<1xf32> to vector<1x1xf32>
    %swap3A = arith.constant 0 : index
    %swap3A_28 = arith.constant 0 : index
    %swap3A_29 = vector.load %arg4[%swap3A, %swap3A_28] : memref<1x1xf32, #tpu.memory_space<vmem>>, vector<1x1xf32>
    tpu.vector_store %arg4[%swap3A, %swap3A_28], %broadcast_in_dim3A_27 {strides = array<i32>} : memref<1x1xf32, #tpu.memory_space<vmem>>, vector<1x1xf32>,
    %jit3A_30 = arith.constant 0.000000e+00 : f32
    %broadcast_in_dim3A_31 = vector.broadcast %jit3A_30 : f32 to vector<1x11xf32>
    %select_n3A_32 = arith.select %gt3A_23, %div3A_20, %broadcast_in_dim3A_31 : vector<1x11xi1>, vector<1x11xf32>
    %swap3A_33 = arith.constant 0 : index
    %swap3A_34 = arith.constant 0 : index
    %swap3A_35 = vector.load %arg5[%swap3A_33, %swap3A_34] : memref<1x11xf32, #tpu.memory_space<vmem>>, vector<1x11xf32>
    tpu.vector_store %arg5[%swap3A_33, %swap3A_34], %select_n3A_32 {strides = array<i32>} : memref<1x11xf32, #tpu.memory_space<vmem>>, vector<1x11xf32>,
    %jit3A_36 = arith.constant 0.000000e+00 : f32
    %broadcast_in_dim3A_37 = vector.broadcast %jit3A_36 : f32 to vector<1x11xf32>
    %select_n3A_38 = arith.select %gt3A_23, %div3A_21, %broadcast_in_dim3A_37 : vector<1x11xi1>, vector<1x11xf32>
    %swap3A_39 = arith.constant 0 : index
    %swap3A_40 = arith.constant 0 : index
    %swap3A_41 = vector.load %arg6[%swap3A_39, %swap3A_40] : memref<1x11xf32, #tpu.memory_space<vmem>>, vector<1x11xf32>
    tpu.vector_store %arg6[%swap3A_39, %swap3A_40], %select_n3A_38 {strides = array<i32>} : memref<1x11xf32, #tpu.memory_space<vmem>>, vector<1x11xf32>,
    return
  }
}

</mosaic_0001>

<sc_bundles>
// kernel: kernel.5.cloned.1.call-start
scs
__scs_entry_jumppad:
0x0: {  	(pc) =	sbr.rel $0x88, $3  }
0x1: {  	(tag) =	ssettag $0x0;
	lr =	simm.s32 $0x1  }
0x2: {  	[smem:$0x3F9F] =	sst lr;
	_ =	strace $0xD0000000  }
0x3: {  	_ = 	snop  }
0x4: {  	_ = 	snop  }
0x5: {  	_ = 	snop  }
0x6: {  	_ = 	snop  }
0x7: {  	_ = 	snop  }
__scs_overlays_trampoline_lowered:
0x8: {  	[smem:$0x3FAE] =	sst s0  }
0x9: {  	[smem:$0x3FAF] =	sst s1  }
0xa: {  	[smem:$0x3FB0] =	sst s2  }
0xb: {  	[smem:$0x3FB1] =	sst s3  }
0xc: {  	[smem:$0x3FB2] =	sst s4  }
0xd: {  	[smem:$0x3FB3] =	sst s5  }
0xe: {  	[smem:$0x3FB4] =	sst s6  }
0xf: {  	[smem:$0x3FB5] =	sst s7  }
0x10: {  	[smem:$0x3FB6] =	sst s8  }
0x11: {  	[smem:$0x3FB7] =	sst s9;
	s0 =	simm.s32 @!p0 $0x0  }
0x12: {  	s1 =	sld [smem:$0x3F9D];
	s0 =	simm.s32 @p0 $0x1  }
0x13: {  	[smem:$0x3FB8] =	sst s0;
	s0 =	simm.s32 @!p1 $0x0  }
0x14: {  	s2 =	sld [smem:$0x3F9C];
	s0 =	simm.s32 @p1 $0x1  }
0x15: {  	[smem:$0x3FB9] =	sst s0;
	s0 =	simm.s32 @!p2 $0x0  }
0x16: {  	s3 =	sld [smem:$0x3FDB];
	s0 =	simm.s32 @p2 $0x1  }
0x17: {  	s4 =	simm.s32 $0x1BF5;
	[smem:$0x3FBB] =	sst s0  }
0x18: {  	s0 =	sld [smem:$0x3F9E];
	_ =	swait.ge [sflag:s4], $0x0  }
0x19: {  	s7 =	sld [smem:$0x3F9F]  }
0x1a: {  	s8 =	sadd.s32 $0xFFFFE003, lr  }
0x1b: {  	s9 =	sadd.s32 $0xFFFFFEF7, lr;
	s5 =	simm.s32 $0xFFFFFFFF;
	p2 =	slt.u32 s8, $0xFFFFF086  }
0x1c: {  	p1 =	slt.u32 s9, $0xF7A;
	s5 =	simm.s32 @!p2 $0x0  }
0x1d: {  	s5 =	simm.s32 @p1 $0x1;
	p0 =	seq.s32 s7, s2  }
0x1e: {  	s7 =	smul.u32 @!p0 $0xF7A, s2;
	p2 =	seq.s32 @!p0 s5, $0x0  }
0x1f: {  	s9 =	smul.u32 $0xF7A, s1;
	s8 =	simm.s32 @!p0 $0x1BF5;
	p2 =	por !p2, p0  }
0x20: {  	[sflag:s8] =	ssyncset.s32 @!p0 $0xFFFFF086;
	s6 =	sadd.s32 @!p0 s3, s7;
	s7 =	simm.s32 @!p0 $0x108  }
0x21: {  	s3 =	sadd.s32 s3, s9;
	s6 =	sadd.s32 @!p0 $0x88, s6;
	s7 =	simm.s32 @p2 $0x1082  }
0x22: {  	[simem:s7], [sflag:s8] =	dma.local @!p0 [hbm:s6], $0xF7A  }
0x23: {  	s9 =	sor.u32 $0xD0000000, s2;
	s6 =	simm.s32 $0x108;
	_ =	swait.ge @!p0 [sflag:s8], $0x0  }
0x24: {  	s3 =	sadd.s32 $0x88, s3;
	s6 =	simm.s32 @!p1 $0x1082;
	[sflag:s4] =	ssyncset.s32 $0xFFFFF086  }
0x25: {  	[simem:s6], [sflag:s4] =	dma.local [hbm:s3], $0xF7A  }
0x26: {  	[smem:$0x3F9F] =	sst s1;
	(tag) =	ssettag s2;
	_ =	strace s9  }
0x27: {  	s1 =	sld [smem:$0x3FAF]  }
0x28: {  	s2 =	sld [smem:$0x3FB0]  }
0x29: {  	s4 =	sld [smem:$0x3FB2]  }
0x2a: {  	p0 =	seq.s32 s5, $0x0;
	s5 =	sld [smem:$0x3FB3]  }
0x2b: {  	s6 =	sld [smem:$0x3FB4]  }
0x2c: {  	s7 =	sld [smem:$0x3FB5]  }
0x2d: {  	s3 =	simm.s32 $0x108;
	s8 =	sld [smem:$0x3FB6]  }
0x2e: {  	s3 =	simm.s32 @!p0 $0x1082;
	s9 =	sld [smem:$0x3FB7]  }
0x2f: {  	lr =	sadd.s32 s0, s3;
	s0 =	sld [smem:$0x3FAE]  }
0x30: {  	s3 =	sld [smem:$0x3FB1]  }
0x31: {  	[smem:$0x3FBA] =	sst s10  }
0x32: {  	s10 =	sld [smem:$0x3FB8];
	_ =	sdelay $0x3  }
0x33: {  	p0 =	seq.s32 s10, $0x1;
	s10 =	sld [smem:$0x3FBA];
	_ =	sdelay $0x3  }
0x34: {  	[smem:$0x3FBA] =	sst s10  }
0x35: {  	s10 =	sld [smem:$0x3FB9];
	_ =	sdelay $0x3  }
0x36: {  	p1 =	seq.s32 s10, $0x1;
	s10 =	sld [smem:$0x3FBA];
	_ =	sdelay $0x3  }
0x37: {  	[smem:$0x3FBA] =	sst s10  }
0x38: {  	s10 =	sld [smem:$0x3FBB]  }
0x39: {  	_ = 	snop;
	(pc) =	sbr.ind lr, $3  }
0x3a: {  	_ = 	snop  }
0x3b: {  	_ = 	snop  }
0x3c: {  	p2 =	seq.s32 s10, $0x1;
	s10 =	sld [smem:$0x3FBA]  }
0x3d: {  	_ =	shalt  }
0x3e: {  	_ =	shalt  }
0x3f: {  	_ =	shalt  }
0x40: {  	_ =	shalt  }
0x41: {  	_ =	shalt  }
0x42: {  	_ =	shalt  }
0x43: {  	_ =	shalt  }
0x44: {  	_ =	shalt  }
0x45: {  	_ =	shalt  }
0x46: {  	_ =	shalt  }
0x47: {  	_ =	shalt  }
0x48: {  	_ =	shalt  }
0x49: {  	_ =	shalt  }
0x4a: {  	_ =	shalt  }
0x4b: {  	_ =	shalt  }
0x4c: {  	_ =	shalt  }
0x4d: {  	_ =	shalt  }
0x4e: {  	_ =	shalt  }
0x4f: {  	_ =	shalt  }
0x50: {  	_ =	shalt  }
0x51: {  	_ =	shalt  }
0x52: {  	_ =	shalt  }
0x53: {  	_ =	shalt  }
0x54: {  	_ =	shalt  }
0x55: {  	_ =	shalt  }
0x56: {  	_ =	shalt  }
0x57: {  	_ =	shalt  }
0x58: {  	_ =	shalt  }
0x59: {  	_ =	shalt  }
0x5a: {  	_ =	shalt  }
0x5b: {  	_ =	shalt  }
0x5c: {  	_ =	shalt  }
0x5d: {  	_ =	shalt  }
0x5e: {  	_ =	shalt  }
0x5f: {  	_ =	shalt  }
0x60: {  	_ =	shalt  }
0x61: {  	_ =	shalt  }
0x62: {  	_ =	shalt  }
0x63: {  	_ =	shalt  }
0x64: {  	_ =	shalt  }
0x65: {  	_ =	shalt  }
0x66: {  	_ =	shalt  }
0x67: {  	_ =	shalt  }
0x68: {  	_ =	shalt  }
0x69: {  	_ =	shalt  }
0x6a: {  	_ =	shalt  }
0x6b: {  	_ =	shalt  }
0x6c: {  	_ =	shalt  }
0x6d: {  	_ =	shalt  }
0x6e: {  	_ =	shalt  }
0x6f: {  	_ =	shalt  }
0x70: {  	_ =	shalt  }
0x71: {  	_ =	shalt  }
0x72: {  	_ =	shalt  }
0x73: {  	_ =	shalt  }
0x74: {  	_ =	shalt  }
0x75: {  	_ =	shalt  }
0x76: {  	_ =	shalt  }
0x77: {  	_ =	shalt  }
0x78: {  	_ =	shalt  }
0x79: {  	_ =	shalt  }
0x7a: {  	_ =	shalt  }
0x7b: {  	_ =	shalt  }
0x7c: {  	_ =	shalt  }
0x7d: {  	_ =	shalt  }
0x7e: {  	_ =	shalt  }
0x7f: {  	_ =	shalt  }
0x80: {  	_ =	shalt  }
0x81: {  	_ =	shalt  }
0x82: {  	_ =	shalt  }
0x83: {  	_ =	shalt  }
0x84: {  	_ =	shalt  }
0x85: {  	_ =	shalt  }
0x86: {  	_ =	shalt  }
0x87: {  	_ =	shalt  }
.Lfunc_end0:
.L_simem_size_0:
called_computation_lowered:
.L_overlay_start_0:
0x88: {  	s2 =	sld [smem:$0x3FD9]  }
0x89: {  	s3 =	sld [smem:$0x3FFE];
	_ =	sdelay $0x1  }
0x8a: {  	s1 =	srdreg.scid  }
0x8b: {  	s0 =	sand.u32 $0x1, s1  }
0x8c: {  	s14 =	sshll.u32 s0, $0xA;
	s2 =	sadd.s32 s3, s2  }
0x8d: {  	s2 =	sadd.s32 s2, s14  }
0x8e: {  	[smem:$0x3FC6] =	sst s2  }
0x8f: {  	_ = 	snop  }
0x90: {  	s2 =	sld [smem:$0x3FD0];
	_ =	sdelay $0x2  }
0x91: {  	s4 =	simm.s32 $0xA;
	s5 =	simm.s32 $0x10;
	s15 =	sld [smem:$0x3FC8]  }
0x92: {  	[smem:s5], [sflag:s4] =	dma.local [hbm:s2], $0x1  }
0x93: {  	_ =	swait.eq [sflag:s4], $0x1  }
0x94: {  	[sflag:s4] =	ssyncset.done $0x0  }
0x95: {  	[sflag:s4] =	ssyncadd.s32 $0xFFFFFFFF  }
0x96: {  	s16 =	sld [smem:$0x12];
	(tm) =	ssettm $0x1  }
0x97: {  	s17 =	sld [smem:$0x3FFB];
	_ =	sdelay $0x3  }
0x98: {  	_ =	strace s17  }
0x99: {  	s4 =	sld [smem:$0x3FFC];
	_ =	sdelay $0x3  }
0x9a: {  	_ =	strace s4  }
0x9b: {  	s4 =	sld [smem:$0x3FFD];
	_ =	sdelay $0x3  }
0x9c: {  	_ =	strace s4  }
0x9d: {  	_ =	strace $0x8FFFFFFF  }
0x9e: {  	s18 =	sld [smem:$0x3FDB];
	_ =	sdelay $0x1  }
0x9f: {  	s19 =	simm.s32 $_scs_section_size  }
0xa0: {  	s6 =	simm.s32 $_size__tile_overlayer_lowered;
	s7 =	simm.s32 $_tile_overlayer_lowered  }
0xa1: {  	s22 =	simm.s32 $0x1BFF;
	s21 =	sshll.u32 s7, $0x1;
	s4 =	sadd.s32 s19, s18  }
0xa2: {  	s8 =	simm.s32 $0x0;
	s20 =	sshll.u32 s6, $0x1;
	s6 =	sadd.s32 s21, s4  }
0xa3: {  	[timem:s8], [sflag:s22] =	dma.local [hbm:s6], s20  }
0xa4: {  	_ =	swait.ge [sflag:s22], s20  }
0xa5: {  	s5 =	ssub.s32 $0x0, s20;
	[sflag:s22] =	ssyncset.done $0x0  }
0xa6: {  	[sflag:s22] =	ssyncadd.s32 s5;
	_ =	sdelay $0x1  }
0xa7: {  	s23 =	simm.s32 $0x1B8B  }
0xa8: {  	_ =	swait.ge [sflag:s23], $0x1  }
0xa9: {  	[sflag:s23] =	ssyncset.done $0x0  }
0xaa: {  	s25 =	simm.s32 $0x1B8E;
	s24 =	sld [smem:$0x3FFE];
	[sflag:s23] =	ssyncadd.s32 $0xFFFFFFFF  }
0xab: {  	s26 =	simm.s32 $execute0_lowered;
	[smem:$0x3FD2] =	sst s25  }
0xac: {  	s6 =	sshll.u32 s26, $0x1;
	_ =	strace $0x80000046;
	[dreg:$0x1] =	wrdreg $0xFFFFFFFF  }
0xad: {  	s28 =	simm.s32 $_size_execute0_lowered;
	s4 =	sadd.s32 s4, s6;
	[dreg:$0x0] =	wrdreg $0x0  }
0xae: {  	s6 =	sshll.u32 s28, $0x1;
	[dreg:$0x2] =	wrdreg s4  }
0xaf: {  	[dreg:$0x3] =	wrdreg s6  }
0xb0: {  	[dreg:$0x4] =	wrdreg $0xC0  }
0xb1: {  	_ =	task [dreg:s8], $0x5FFFF  }
0xb2: {  	[dreg:$0x1] =	wrdreg $0xFFFFFFFF  }
0xb3: {  	[dreg:$0x0] =	wrdreg $0x60  }
0xb4: {  	[dreg:$0x2] =	wrdreg s24  }
0xb5: {  	[dreg:$0x3] =	wrdreg s15  }
0xb6: {  	[dreg:$0x4] =	wrdreg s16  }
0xb7: {  	[dreg:$0x5] =	wrdreg $0x9  }
0xb8: {  	_ =	task.clear_ibuf [dreg:s8], $0x6FFFF;
	_ =	strace $0x90000046  }
0xb9: {  	s29 =	simm.s32 $0x9;
	_ =	strace $0x80000048  }
0xba: {  	_ =	swait.ge [sflag:s29], $0x1  }
0xbb: {  	[sflag:s29] =	ssyncadd.s32 $0xFFFFFFFF  }
0xbc: {  	_ =	strace $0x90000048  }
0xbd: {  	_ =	sfence  }
0xbe: {  	s30 =	sld [smem:$0x0];
	_ =	sdelay $0x2  }
0xbf: {  	s31 =	sshll.u32 s1, $0xD;
	s1 =	sshrl.u32 s1, $0x2  }
0xc0: {  	s3 =	sand.u32 $0x4000, s31;
	s1 =	sadd.s32 s1, s30  }
0xc1: {  	s0 =	sor.u32 s3, s0;
	s1 =	sshll.u32 s1, $0x11  }
0xc2: {  	s0 =	sor.u32 s1, s0  }
0xc3: {  	s0 =	sadd.s32 $0x8F2B, s0  }
0xc4: {  	[sflag:s0] =	ssyncadd.remote.s32 $0x1  }
0xc5: {  	_ =	sfence.sel $0xFFFF  }
0xc6: {  	[dreg:$0x0] =	wrdreg $0xFFFFFFFF;
	(pc) =	sbr.abs _section_cstart, $3  }
0xc7: {  	[dreg:$0x1] =	wrdreg $0xFFFFFFFF  }
0xc8: {  	_ =	task.clear_ibuf [dreg:s8], $0x2FFFF;
	_ =	strace $0x9FFFFFFF  }
0xc9: {  	(tm) =	ssettm $0x7FFFFFFF  }
tec
execute0_lowered:
.L_overlay_start_1:
0x0: {  	(tag) =	ssettag $0x1  }
0x1: {  	v0 =	vimm.s32 $0xFEDCBA98  }
0x2: {  	v1 =	vimm.s32 $0x76543210;
	v0 =	vunpack.c.l.s4.s8 v0  }
0x3: {  	v1 =	vunpack.c.l.s4.s8 v1  }
0x4: {  	v0 =	vunpack.c.0.s8.s32 v0  }
0x5: {  	v1 =	vunpack.c.0.s8.s32 v1  }
0x6: {  	v23 =	vlaneseq.u32;
	v0 =	vand.u32 $0xF, v0  }
0x7: {  	v1 =	vcombine.low v0, v1;
	v0 =	vor.u32 $0x40, v23  }
0x8: {  	[tilespmem:$0x1FC60] =	vst v0;
	v0 =	vor.u32 $0x50, v23  }
0x9: {  	[tilespmem:$0x1FC70] =	vst v0;
	v0 =	vor.u32 $0x60, v23  }
0xa: {  	[tilespmem:$0x1FC80] =	vst v0;
	v0 =	vor.u32 $0x70, v23  }
0xb: {  	[tilespmem:$0x1FC90] =	vst v0;
	v0 =	vor.u32 $0x80, v23  }
0xc: {  	[tilespmem:$0x1FCA0] =	vst v0;
	v0 =	vor.u32 $0x90, v23  }
0xd: {  	[tilespmem:$0x1FCB0] =	vst v0;
	v0 =	vor.u32 $0xA0, v23  }
0xe: {  	[tilespmem:$0x1FCC0] =	vst v0;
	v0 =	vor.u32 $0xB0, v23  }
0xf: {  	[tilespmem:$0x1FCD0] =	vst v0;
	v0 =	vor.u32 $0xC0, v23  }
0x10: {  	[tilespmem:$0x1FCE0] =	vst v0;
	v0 =	vor.u32 $0xD0, v23  }
0x11: {  	[tilespmem:$0x1FCF0] =	vst v0;
	v0 =	vor.u32 $0xE0, v23  }
0x12: {  	[tilespmem:$0x1FD00] =	vst v0;
	v0 =	vor.u32 $0xF0, v23  }
0x13: {  	[tilespmem:$0x1FD10] =	vst v0;
	v0 =	vor.u32 $0x100, v23  }
0x14: {  	[tilespmem:$0x1FD20] =	vst v0;
	v0 =	vor.u32 $0x110, v23  }
0x15: {  	[tilespmem:$0x1FD30] =	vst v0;
	v0 =	vor.u32 $0x120, v23  }
0x16: {  	[tilespmem:$0x1FD40] =	vst v0;
	v0 =	vor.u32 $0x130, v23  }
0x17: {  	[tilespmem:$0x1FD50] =	vst v0;
	v0 =	vor.u32 $0x140, v23  }
0x18: {  	[tilespmem:$0x1FD60] =	vst v0;
	v0 =	vor.u32 $0x150, v23  }
0x19: {  	[tilespmem:$0x1FD70] =	vst v0;
	v0 =	vor.u32 $0x160, v23  }
0x1a: {  	[tilespmem:$0x1FD80] =	vst v0;
	v0 =	vor.u32 $0x170, v23  }
0x1b: {  	[tilespmem:$0x1FD90] =	vst v0;
	v0 =	vor.u32 $0x180, v23  }
0x1c: {  	[tilespmem:$0x1FDA0] =	vst v0;
	v0 =	vor.u32 $0x190, v23  }
0x1d: {  	[tilespmem:$0x1FDB0] =	vst v0;
	v0 =	vor.u32 $0x1A0, v23  }
0x1e: {  	[tilespmem:$0x1FDC0] =	vst v0;
	v0 =	vor.u32 $0x1B0, v23  }
0x1f: {  	[tilespmem:$0x1FDD0] =	vst v0;
	v0 =	vor.u32 $0x1C0, v23  }
0x20: {  	[tilespmem:$0x1FDE0] =	vst v0;
	v0 =	vor.u32 $0x1D0, v23  }
0x21: {  	[tilespmem:$0x1FDF0] =	vst v0;
	v0 =	vor.u32 $0x1E0, v23  }
0x22: {  	v2 =	vimm.s32 $0x3210FEDC;
	v3 =	vimm.s32 $0xBA987654;
	[tilespmem:$0x1FE00] =	vst v0;
	v0 =	vor.u32 $0x1F0, v23  }
0x23: {  	v4 =	vimm.s32 $0x10FEDCBA;
	v5 =	vimm.s32 $0x98765432;
	[tilespmem:$0x1FE10] =	vst v0;
	v0 =	vor.u32 $0x200, v23  }
0x24: {  	v6 =	vimm.s32 $0xFEDCBA9;
	v7 =	vimm.s32 $0x87654321;
	[tilespmem:$0x1FE20] =	vst v0;
	v0 =	vor.u32 $0x210, v23  }
0x25: {  	v2 =	vunpack.c.l.s4.s8 v2;
	v3 =	vunpack.c.l.s4.s8 v3;
	[tilespmem:$0x1FE30] =	vst v0;
	v0 =	vor.u32 $0x220, v23  }
0x26: {  	v4 =	vunpack.c.l.s4.s8 v4;
	v5 =	vunpack.c.l.s4.s8 v5;
	[tilespmem:$0x1FE40] =	vst v0;
	v0 =	vor.u32 $0x230, v23  }
0x27: {  	v6 =	vunpack.c.l.s4.s8 v6;
	v7 =	vunpack.c.l.s4.s8 v7;
	[tilespmem:$0x1FE50] =	vst v0;
	v0 =	vor.u32 $0x240, v23  }
0x28: {  	v2 =	vunpack.c.0.s8.s32 v2;
	v3 =	vunpack.c.0.s8.s32 v3;
	[tilespmem:$0x1FE60] =	vst v0;
	v0 =	vor.u32 $0x250, v23  }
0x29: {  	s6 =	rddreg [dreg:$0x0];
	v4 =	vunpack.c.0.s8.s32 v4;
	v5 =	vunpack.c.0.s8.s32 v5;
	[tilespmem:$0x1FE70] =	vst v0;
	v0 =	vor.u32 $0x260, v23  }
0x2a: {  	s0 =	rddreg [dreg:$0x1];
	v6 =	vunpack.c.0.s8.s32 v6;
	v7 =	vunpack.c.0.s8.s32 v7;
	[tilespmem:$0x1FE80] =	vst v0;
	v0 =	vor.u32 $0x270, v23  }
0x2b: {  	s2 =	rddreg [dreg:$0x2];
	s4 =	simm.s32 $0x0;
	v2 =	vcombine.low v3, v2;
	v3 =	vcombine.low v5, v4;
	[tilespmem:$0x1FE90] =	vst v0;
	v0 =	vor.u32 $0x280, v23  }
0x2c: {  	[smem:$0x7FF] =	sst s4;
	v4 =	vcombine.low v7, v6;
	[tilespmem:$0x1FEA0] =	vst v0;
	v0 =	vor.u32 $0x290, v23  }
0x2d: {  	s1 =	rddreg [dreg:$0x3];
	v3 =	vand.u32 $0xF, v3;
	_ =	strace $0x80000047;
	[tilespmem:$0x1FEB0] =	vst v0  }
0x2e: {  	v18 =	vand.u32 $0xF, v4;
	[tilespmem:$0x1FF80] =	vst v3  }
0x2f: {  	v2 =	vand.u32 $0xF, v2;
	[tilespmem:$0x1FF90] =	vst v18  }
0x30: {  	[tilespmem:$0x1FFA0] =	vst v2  }
0x31: {  	v59 =	vor.u32 $0x30, v23;
	[tilespmem:$0x1FFB0] =	vst v1  }
0x32: {  	v58 =	vor.u32 $0x20, v23;
	[tilespmem:$0x1FFC0] =	vst v59  }
0x33: {  	v0 =	vor.u32 $0x2A0, v23;
	[tilespmem:$0x1FFD0] =	vst v58  }
0x34: {  	[tilespmem:$0x1FEC0] =	vst v0;
	v0 =	vor.u32 $0x2B0, v23  }
0x35: {  	[tilespmem:$0x1FED0] =	vst v0;
	v0 =	vor.u32 $0x2C0, v23  }
0x36: {  	[tilespmem:$0x1FEE0] =	vst v0;
	v0 =	vor.u32 $0x2D0, v23  }
0x37: {  	[tilespmem:$0x1FEF0] =	vst v0;
	v0 =	vor.u32 $0x2E0, v23  }
0x38: {  	[tilespmem:$0x1FF00] =	vst v0;
	v0 =	vor.u32 $0x2F0, v23  }
0x39: {  	[tilespmem:$0x1FF10] =	vst v0;
	v0 =	vor.u32 $0x300, v23  }
0x3a: {  	[tilespmem:$0x1FF20] =	vst v0;
	v0 =	vor.u32 $0x310, v23  }
0x3b: {  	s5 =	srdreg.scid;
	[tilespmem:$0x1FF30] =	vst v0;
	v0 =	vor.u32 $0x320, v23  }
0x3c: {  	s3 =	stileid.u32;
	s11 =	simm.s32 $0xFB00;
	s5 =	sand.u32 $0x1, s5;
	[tilespmem:$0x1FF40] =	vst v0;
	v0 =	vor.u32 $0x330, v23  }
0x3d: {  	s7 =	sshll.u32 s3, $0x8;
	s8 =	sshll.u32 s5, $0x7;
	s31 =	ssub.s32 $0x2, s5;
	[tilespmem:$0x1FF50] =	vst v0;
	v0 =	vor.u32 $0x340, v23  }
0x3e: {  	s12 =	simm.s32 $0x0;
	s7 =	sor.u32 s8, s7;
	s10 =	sshrl.u32 s31, $0x1;
	[tilespmem:$0x1FF60] =	vst v0;
	v0 =	vor.u32 $0x350, v23  }
0x3f: {  	vm2 =	vmmov $0xff;
	v32 =	vor.u32 $0x10, v23;
	s5 =	sadd.s32 $0x200E00, s6;
	s9 =	sshrl.u32 s7, $0x3;
	s8 =	ssub.s32 s31, s10;
	[tilespmem:$0x1FF70] =	vst v0;
	v0 =	vimm.s32 $0x0  }
0x40: {  	s10 =	simm.s32 $0x1;
	s9 =	sadd.s32 s9, s6;
	s6 =	sor.u32 $0x3000, s7;
	[tilespmem:$0x1FFE0] =	vst v32;
	v0 =	vsel vm2, $0xFFFFFFFF, v0  }
0x41: {  	s8 =	smax.u32 s8, $0x1;
	s7 =	sadd.s32 $0x3F4E00, s9;
	s9 =	simm.s32 $0xFA80;
	[tilespmem:$0x1FFF0] =	vst v0  }
.LBB2_1:
0x42: {  	[tilespmem:s9], [sflag:$0x1] =	stream.linear.gather [hbm4b:s2+s4], $0x80, $0x38;
	[tilespmem:$0xFB80] =	vst v63  }
0x43: {  	_ =	swait.ge [sflag:s10], $0x80  }
0x44: {  	[sflag:s10] =	ssyncset.done $0x0  }
0x45: {  	[sflag:s10] =	ssyncadd.s32 $0xFFFFFF80  }
0x46: {  	v0 =	vld [tilespmem:$0xFA80];
	_ =	sdelay $0x4  }
0x47: {  	[tilespmem:$0x1FC40] =	vst v0;
	v0 =	vld [tilespmem:$0xFA90];
	_ =	sdelay $0x4  }
0x48: {  	p1 =	por $0x1, $0x1;
	v5 =	vimm.f32 $0.0e+00;
	v4 =	vimm.f32 $0.0e+00;
	s13 =	simm.s32 $0x0;
	[tilespmem:$0x1FC50] =	vst v0;
	v0 =	vimm.f32 $0.0e+00  }
.LBB2_2:
0x49: {  	s13 =	sor.u32 s6, s13  }
0x4a: {  	[tilespmem:$0x1F650] =	vst v5;
	s14 =	smul.u32 $0x7D, s13  }
0x4b: {  	[tilespmem:$0x1F190] =	vst v0  }
0x4c: {  	[tilespmem:$0x1F1A0] =	vst v4;
	s15 =	simm.s32 $0x0;
	s14 =	sadd.s32 s5, s14  }
0x4d: {  	[tilespmem:s15], [sflag:$0x1] =	stream.linear.gather [hbm4b:s14+s15], $0xFA00, $0x38;
	[tilespmem:$0xFB80] =	vst v63  }
0x4e: {  	_ =	swait.ge [sflag:s10], $0xFA00  }
0x4f: {  	s13 =	sshrl.u32 s13, $0x3;
	[sflag:s10] =	ssyncset.done $0x0  }
0x50: {  	s29 =	simm.s32 $0xFA00;
	s28 =	sadd.s32 s0, s13;
	[sflag:s10] =	ssyncadd.s32 $0xFFFF0600  }
0x51: {  	[tilespmem:s29], [sflag:$0x1] =	stream.linear.gather [hbm4b:s28+s15], $0x40, $0x38;
	[tilespmem:$0xFB80] =	vst v63  }
0x52: {  	_ =	swait.ge [sflag:s10], $0x40  }
0x53: {  	[sflag:s10] =	ssyncset.done $0x0  }
0x54: {  	s30 =	simm.s32 $0x1F0;
	[sflag:s10] =	ssyncadd.s32 $0xFFFFFFC0  }
0x55: {  	v53 =	vld [tilespmem:s30+$0x1B0]  }
0x56: {  	v54 =	vld [tilespmem:s30+$0x1C0]  }
0x57: {  	v42 =	vld [tilespmem:s30+$0x1D0]  }
0x58: {  	v55 =	vld [tilespmem:s30+$0x170]  }
0x59: {  	v26 =	vld [tilespmem:s30+$0x180]  }
0x5a: {  	v19 =	vld [tilespmem:s30+$0x1A0]  }
0x5b: {  	v61 =	vld [tilespmem:s30+$0x130]  }
0x5c: {  	v56 =	vld [tilespmem:s30+$0x140]  }
0x5d: {  	v63 =	vld [tilespmem:s30+$0x150]  }
0x5e: {  	v30 =	vld [tilespmem:s30+$0xFFFFFE30]  }
0x5f: {  	v31 =	vld [tilespmem:s30+$0xFFFFFE40]  }
0x60: {  	v33 =	vld [tilespmem:s30+$0xFFFFFE70]  }
0x61: {  	v17 =	vld [tilespmem:s30+$0xFFFFFE80]  }
0x62: {  	v16 =	vld [tilespmem:s30+$0xFFFFFE10]  }
0x63: {  	v38 =	vld [tilespmem:s30+$0xFFFFFE20]  }
0x64: {  	v14 =	vld [tilespmem:s30+$0xFFFFFE50]  }
0x65: {  	v34 =	vld [tilespmem:s30+$0xFFFFFE60]  }
0x66: {  	v43 =	vld [tilespmem:s30+$0xF0]  }
0x67: {  	v50 =	vld [tilespmem:s30+$0x100]  }
0x68: {  	v51 =	vld [tilespmem:s30+$0x120]  }
0x69: {  	v46 =	vld [tilespmem:s30+$0xB0]  }
0x6a: {  	v4 =	vld [tilespmem:s30+$0xC0]  }
0x6b: {  	v5 =	vld [tilespmem:s30+$0x70]  }
0x6c: {  	v6 =	vld [tilespmem:s30+$0x80]  }
0x6d: {  	v40 =	vld [tilespmem:s30+$0xA0]  }
0x6e: {  	v7 =	vld [tilespmem:s30+$0x30]  }
0x6f: {  	v28 =	vld [tilespmem:s30+$0x40]  }
0x70: {  	v47 =	vld [tilespmem:s30+$0x50]  }
0x71: {  	v8 =	vld [tilespmem:s30+$0xFFFFFFF0]  }
0x72: {  	v9 =	vld [tilespmem:s30+$0x0]  }
0x73: {  	v37 =	vld [tilespmem:s30+$0xFFFFFFB0]  }
0x74: {  	v12 =	vld [tilespmem:s30+$0xFFFFFFC0]  }
0x75: {  	v27 =	vld [tilespmem:s30+$0xFFFFFEB0]  }
0x76: {  	v29 =	vld [tilespmem:s30+$0xFFFFFEC0]  }
0x77: {  	s15 =	sand.u32 $0xFFF8, s15;
	v13 =	vld [tilespmem:s30+$0xFFFFFEA0]  }
0x78: {  	v45 =	vld [tilespmem:s15+$0x80]  }
0x79: {  	v41 =	vld [tilespmem:s30+$0xFFFFFFD0]  }
0x7a: {  	v10 =	vld [tilespmem:s30+$0xFFFFFF70]  }
0x7b: {  	v11 =	vld [tilespmem:s30+$0xFFFFFF80]  }
0x7c: {  	v44 =	vld [tilespmem:s30+$0xFFFFFFA0]  }
0x7d: {  	v15 =	vld [tilespmem:s30+$0xFFFFFF30]  }
0x7e: {  	v20 =	vld [tilespmem:s30+$0xFFFFFF40]  }
0x7f: {  	v21 =	vld [tilespmem:s30+$0xFFFFFEF0]  }
0x80: {  	v22 =	vld [tilespmem:s30+$0xFFFFFF00]  }
0x81: {  	v36 =	vld [tilespmem:s30+$0xFFFFFF20]  }
0x82: {  	v35 =	vld [tilespmem:s30+$0xFFFFFED0]  }
0x83: {  	v25 =	vld [tilespmem:s30+$0xFFFFFEE0];
	[tilespmem:$0x1F210] =	vst v17  }
0x84: {  	v24 =	vld [tilespmem:s15+$0x100];
	[tilespmem:$0x1F230] =	vst v16;
	v0 =	vmax.f32 v30, v33  }
0x85: {  	v48 =	vld [tilespmem:s30+$0xFFFFFF50];
	[tilespmem:$0x1F250] =	vst v14;
	v14 =	vmax.f32 v16, v14;
	v16 =	vmax.f32 v31, v17;
	v17 =	vmax.f32 v38, v34  }
0x86: {  	v39 =	vld [tilespmem:s30+$0xFFFFFF60];
	v0 =	vmax.f32 v0, v27;
	v14 =	vmax.f32 v14, v45;
	v16 =	vmax.f32 v16, v29  }
0x87: {  	[tilespmem:$0x1F220] =	vst v13;
	v17 =	vmax.f32 v17, v13;
	v13 =	vld [tilespmem:s15+$0x180];
	v0 =	vmax.f32 v0, v21;
	v16 =	vmax.f32 v16, v22  }
0x88: {  	v49 =	vld [tilespmem:s30+$0xFFFFFFE0];
	v14 =	vmax.f32 v14, v35;
	v17 =	vmax.f32 v17, v25;
	v0 =	vmax.f32 v0, v15  }
0x89: {  	v57 =	vld [tilespmem:s30+$0x20];
	v14 =	vmax.f32 v14, v24;
	v17 =	vmax.f32 v17, v36;
	v16 =	vmax.f32 v16, v20  }
0x8a: {  	v60 =	vld [tilespmem:s15+$0x200];
	v14 =	vmax.f32 v14, v48;
	v0 =	vmax.f32 v0, v10;
	v16 =	vmax.f32 v16, v11  }
0x8b: {  	v62 =	vld [tilespmem:s30+$0x60];
	[tilespmem:$0x1F260] =	vst v34;
	v17 =	vmax.f32 v17, v39;
	v0 =	vmax.f32 v0, v37;
	v16 =	vmax.f32 v16, v12  }
0x8c: {  	v52 =	vld [tilespmem:s15+$0x280];
	[tilespmem:$0x1F1B0] =	vst v41;
	v17 =	vmax.f32 v17, v44;
	v14 =	vmax.f32 v14, v13;
	v0 =	vmax.f32 v0, v8  }
0x8d: {  	[tilespmem:$0x1F1E0] =	vst v44;
	v44 =	vld [tilespmem:s30+$0xD0];
	v17 =	vmax.f32 v17, v49;
	v16 =	vmax.f32 v16, v9;
	v14 =	vmax.f32 v14, v41  }
0x8e: {  	[tilespmem:$0x1F200] =	vst v25;
	v41 =	vld [tilespmem:s30+$0xE0];
	v0 =	vmax.f32 v0, v7;
	v16 =	vmax.f32 v16, v28;
	v17 =	vmax.f32 v17, v57  }
0x8f: {  	v25 =	vmovc v48;
	v48 =	vld [tilespmem:s15+$0x300];
	v14 =	vmax.f32 v14, v60;
	v0 =	vmax.f32 v0, v5;
	v16 =	vmax.f32 v16, v6  }
0x90: {  	[tilespmem:$0x1F1C0] =	vst v49;
	v49 =	vld [tilespmem:s30+$0x160];
	v17 =	vmax.f32 v17, v62;
	v14 =	vmax.f32 v14, v47;
	v0 =	vmax.f32 v0, v46  }
0x91: {  	[tilespmem:$0x1F1D0] =	vst v13;
	v13 =	vld [tilespmem:s15+$0x380];
	v17 =	vmax.f32 v17, v40;
	v16 =	vmax.f32 v16, v4;
	v14 =	vmax.f32 v14, v52  }
0x92: {  	v34 =	vmovc v40;
	v40 =	vld [tilespmem:s30+$0x1E0];
	v0 =	vmax.f32 v0, v43;
	v16 =	vmax.f32 v16, v50;
	v14 =	vmax.f32 v14, v44  }
0x93: {  	v0 =	vmax.f32 v0, v61;
	v16 =	vmax.f32 v16, v56;
	v17 =	vmax.f32 v17, v41  }
0x94: {  	[tilespmem:$0x1F290] =	vst v51;
	v14 =	vmax.f32 v14, v48;
	v0 =	vmax.f32 v0, v55;
	v17 =	vmax.f32 v17, v51;
	v51 =	vld [tilespmem:s30+$0x1E8]  }
0x95: {  	v16 =	vmax.f32 v16, v26;
	v14 =	vmax.f32 v14, v63;
	v17 =	vmax.f32 v17, v49  }
0x96: {  	v0 =	vmax.f32 v0, v53;
	v14 =	vmax.f32 v14, v13;
	v17 =	vmax.f32 v17, v19  }
0x97: {  	v16 =	vmax.f32 v16, v54;
	v14 =	vmax.f32 v14, v42;
	v17 =	vmax.f32 v17, v40  }
0x98: {  	v0 =	vmax.f32 v0, v16;
	v14 =	vmax.f32 v14, v17  }
0x99: {  	v0 =	vmax.f32 v14, v0;
	v14 =	vsel vm2, $0xFF61B1E6, v51  }
0x9a: {  	v0 =	vmax.f32 v0, v14  }
0x9b: {  	v14 =	vperm.xlane v0, v1;
	_ =	sdelay $0x1  }
0x9c: {  	v0 =	vmax.f32 v0, v14  }
0x9d: {  	v14 =	vperm.xlane v0, v2;
	_ =	sdelay $0x1  }
0x9e: {  	v0 =	vmax.f32 v0, v14  }
0x9f: {  	v14 =	vperm.xlane v0, v3;
	_ =	sdelay $0x1  }
0xa0: {  	v0 =	vmax.f32 v0, v14  }
0xa1: {  	v14 =	vperm.xlane v0, v18;
	_ =	sdelay $0x1  }
0xa2: {  	v14 =	vmax.f32 v0, v14  }
0xa3: {  	v0 =	vsub.f32 v53, v14  }
0xa4: {  	v16 =	vsub.f32 v54, v14  }
0xa5: {  	v1 =	vld [tilespmem:$0x1FC80];
	v18 =	vsub.f32 v55, v14;
	v17 =	vmul.f32 $1.442695020e+00, v0  }
0xa6: {  	[tilespmem:$0x1F2C0] =	vst v19;
	v19 =	vsub.f32 v26, v14;
	v16 =	vmul.f32 $1.442695020e+00, v16;
	v0 =	vld.msk [tilespmem:s29+$0x0 ss:$0x0], $0xffff  }
0xa7: {  	(erf) = vpow2.f32 v17;
	v17 =	vmul.f32 $1.442695020e+00, v18  }
0xa8: {  	v18 =	vsub.f32 v61, v14;
	(erf) = vpow2.f32 v16;
	v16 =	vmul.f32 $1.442695020e+00, v19  }
0xa9: {  	(erf) = vpow2.f32 v17  }
0xaa: {  	(erf) = vpow2.f32 v16;
	v16 =	vmul.f32 $1.442695020e+00, v18  }
0xab: {  	v2 =	vor.u32 $0x3B0, v23;
	vm0 =	veq.s32 v0, v58;
	vm1 =	veq.s32 v0, v1  }
0xac: {  	v18 =	vnsel vm1, $0xFF61B1E6, v33;
	(erf) = vpow2.f32 v16;
	v16 =	vnsel vm0, $0xFF61B1E6, v30  }
0xad: {  	[tilespmem:$0x1F6C0] =	vst v2;
	v1 =	vmax.f32 v16, v18  }
0xae: {  	[tilespmem:$0x1F2F0] =	vst v1;
	v1 =	vor.u32 $0x3A0, v23  }
0xaf: {  	vm11 =	veq.s32 v0, v2;
	[tilespmem:$0x1F6A0] =	vst v1;
	vm10 =	veq.s32 v0, v1;
	v1 =	vadd.s32 $0x3D8, v23  }
0xb0: {  	v2 =	vor.u32 $0x3D0, v23;
	[tilespmem:$0x1F6B0] =	vst v1;
	vm8 =	veq.s32 v0, v1;
	v1 =	vimm.s32 $0x0  }
0xb1: {  	[tilespmem:$0x1F6F0] =	vst v2;
	v1 =	vsel vm8, $0xFFFFFFFF, v1  }
0xb2: {  	[tilespmem:$0x1F5A0] =	vst v1;
	v1 =	vor.u32 $0x3C0, v23  }
0xb3: {  	[tilespmem:$0x1F6D0] =	vst v1;
	vm7 =	veq.s32 v0, v1;
	v1 =	vor.u32 $0x360, v23  }
0xb4: {  	vm5 =	veq.s32 v0, v2;
	[tilespmem:$0x1F6E0] =	vst v1;
	vm13 =	veq.s32 v0, v1;
	v1 =	vor.u32 $0x370, v23  }
0xb5: {  	v2 =	vor.u32 $0x390, v23;
	[tilespmem:$0x1F700] =	vst v1;
	vm4 =	veq.s32 v0, v1;
	v1 =	vor.u32 $0x380, v23  }
0xb6: {  	vm9 =	veq.s32 v0, v2;
	[tilespmem:$0x1F710] =	vst v1;
	vm6 =	veq.s32 v0, v1;
	v1 =	vimm.s32 $0x0  }
0xb7: {  	v1 =	vsel vm9, $0xFFFFFFFF, v1  }
0xb8: {  	[tilespmem:$0x1F590] =	vst v1;
	v1 =	vld [tilespmem:$0x1FF40];
	_ =	sdelay $0x4  }
0xb9: {  	vm0 =	veq.s32 v0, v1;
	v1 =	vld [tilespmem:$0x1FF50];
	_ =	sdelay $0x4  }
0xba: {  	vm12 =	veq.s32 v0, v1;
	v1 =	vld [tilespmem:$0x1FF60];
	_ =	sdelay $0x4  }
0xbb: {  	vm8 =	veq.s32 v0, v1;
	v1 =	vld [tilespmem:$0x1FF00];
	_ =	sdelay $0x4  }
0xbc: {  	vm1 =	veq.s32 v0, v1;
	v1 =	vld [tilespmem:$0x1FF70];
	_ =	sdelay $0x4  }
0xbd: {  	vm9 =	veq.s32 v0, v1;
	v1 =	vld [tilespmem:$0x1FF10];
	_ =	sdelay $0x4  }
0xbe: {  	vm15 =	veq.s32 v0, v1;
	v1 =	vld [tilespmem:$0x1FF20];
	_ =	sdelay $0x4  }
0xbf: {  	vm14 =	veq.s32 v0, v1;
	v1 =	vnsel vm0, $0xFF61B1E6, v61  }
0xc0: {  	[tilespmem:$0x1F550] =	vst v1;
	v1 =	vld [tilespmem:$0x1FEC0];
	_ =	sdelay $0x4  }
0xc1: {  	vm0 =	veq.s32 v0, v1;
	v1 =	vnsel vm1, $0xFF61B1E6, v43  }
0xc2: {  	[tilespmem:$0x1F520] =	vst v1;
	v1 =	vld [tilespmem:$0x1FED0];
	_ =	sdelay $0x4  }
0xc3: {  	vm1 =	veq.s32 v0, v1;
	v1 =	vnsel vm0, $0xFF61B1E6, v46  }
0xc4: {  	[tilespmem:$0x1F4D0] =	vst v1;
	v1 =	vld [tilespmem:$0x1FE80];
	_ =	sdelay $0x1  }
0xc5: {  	[tilespmem:$0x1F2D0] =	vst v42  }
0xc6: {  	[tilespmem:$0x1F2A0] =	vst v63  }
0xc7: {  	[tilespmem:$0x1F240] =	vst v38  }
0xc8: {  	[tilespmem:$0x1F1F0] =	vst v36;
	vm0 =	veq.s32 v0, v1;
	v1 =	vnsel vm1, $0xFF61B1E6, v4  }
0xc9: {  	[tilespmem:$0x1F4F0] =	vst v1;
	v1 =	vld [tilespmem:$0x1FEE0]  }
0xca: {  	[tilespmem:$0x1F570] =	vst v56  }
0xcb: {  	[tilespmem:$0x1F560] =	vst v55  }
0xcc: {  	[tilespmem:$0x1F580] =	vst v26  }
0xcd: {  	[tilespmem:$0x1F530] =	vst v53  }
0xce: {  	[tilespmem:$0x1F540] =	vst v54;
	vm1 =	veq.s32 v0, v1  }
0xcf: {  	[tilespmem:$0x1F280] =	vst v48;
	v1 =	vnsel vm1, $0xFF61B1E6, v44  }
0xd0: {  	[tilespmem:$0x1F510] =	vst v1;
	v1 =	vld [tilespmem:$0x1FE90]  }
0xd1: {  	[tilespmem:$0x1F2B0] =	vst v13  }
0xd2: {  	[tilespmem:$0x1F270] =	vst v41;
	v17 =	vsub.f32 v56, v14  }
0xd3: {  	[tilespmem:$0x1F2E0] =	vst v40  }
0xd4: {  	[tilespmem:$0x1F300] =	vst v51;
	v17 =	vmul.f32 $1.442695020e+00, v17  }
0xd5: {  	[tilespmem:$0x1F720] =	vst v2;
	vm1 =	veq.s32 v0, v1;
	v1 =	vnsel vm0, $0xFF61B1E6, v5  }
0xd6: {  	(erf) = vpow2.f32 v17;
	[tilespmem:$0x1F490] =	vst v1  }
0xd7: {  	v1 =	vld [tilespmem:$0x1FEA0];
	_ =	sdelay $0x4  }
0xd8: {  	vm0 =	veq.s32 v0, v1;
	v1 =	vnsel vm1, $0xFF61B1E6, v6  }
0xd9: {  	[tilespmem:$0x1F4B0] =	vst v1;
	v1 =	vld [tilespmem:$0x1FE40];
	_ =	sdelay $0x4  }
0xda: {  	vm1 =	veq.s32 v0, v1;
	v1 =	vnsel vm0, $0xFF61B1E6, v52  }
0xdb: {  	[tilespmem:$0x1F4E0] =	vst v1;
	v1 =	vld [tilespmem:$0x1FEB0];
	_ =	sdelay $0x4  }
0xdc: {  	vm0 =	veq.s32 v0, v1;
	v1 =	vnsel vm1, $0xFF61B1E6, v7  }
0xdd: {  	[tilespmem:$0x1F450] =	vst v1;
	v1 =	vld [tilespmem:$0x1FE50];
	_ =	sdelay $0x4  }
0xde: {  	vm1 =	veq.s32 v0, v1  }
0xdf: {  	v1 =	vnsel vm1, $0xFF61B1E6, v28  }
0xe0: {  	[tilespmem:$0x1F460] =	vst v1;
	v1 =	vld [tilespmem:$0x1FE60];
	_ =	sdelay $0x4  }
0xe1: {  	vm1 =	veq.s32 v0, v1;
	v1 =	vnsel vm0, $0xFF61B1E6, v34  }
0xe2: {  	[tilespmem:$0x1F500] =	vst v1;
	v1 =	vld [tilespmem:$0x1FE00];
	_ =	sdelay $0x3  }
0xe3: {  	v38 =	vmov v47  }
0xe4: {  	vm0 =	veq.s32 v0, v1;
	v1 =	vnsel vm1, $0xFF61B1E6, v38  }
0xe5: {  	[tilespmem:$0x1F4A0] =	vst v1;
	v1 =	vld [tilespmem:$0x1FE70];
	_ =	sdelay $0x4  }
0xe6: {  	vm1 =	veq.s32 v0, v1  }
0xe7: {  	v1 =	vnsel vm1, $0xFF61B1E6, v62  }
0xe8: {  	[tilespmem:$0x1F4C0] =	vst v1;
	v1 =	vld [tilespmem:$0x1FE10];
	_ =	sdelay $0x4  }
0xe9: {  	vm1 =	veq.s32 v0, v1;
	v1 =	vnsel vm0, $0xFF61B1E6, v8  }
0xea: {  	[tilespmem:$0x1F410] =	vst v1;
	v1 =	vld [tilespmem:$0x1FE20];
	_ =	sdelay $0x4  }
0xeb: {  	vm0 =	veq.s32 v0, v1;
	v1 =	vnsel vm1, $0xFF61B1E6, v9  }
0xec: {  	[tilespmem:$0x1F440] =	vst v1;
	v1 =	vld [tilespmem:$0x1FE30];
	_ =	sdelay $0x4  }
0xed: {  	vm1 =	veq.s32 v0, v1;
	v1 =	vnsel vm0, $0xFF61B1E6, v60  }
0xee: {  	[tilespmem:$0x1F470] =	vst v1;
	v1 =	vld [tilespmem:$0x1FDC0];
	_ =	sdelay $0x4  }
0xef: {  	vm0 =	veq.s32 v0, v1;
	v1 =	vnsel vm1, $0xFF61B1E6, v57  }
0xf0: {  	[tilespmem:$0x1F480] =	vst v1;
	v1 =	vld [tilespmem:$0x1FDD0];
	_ =	sdelay $0x4  }
0xf1: {  	vm1 =	veq.s32 v0, v1;
	v1 =	vnsel vm0, $0xFF61B1E6, v37  }
0xf2: {  	[tilespmem:$0x1F3D0] =	vst v1;
	v1 =	vld [tilespmem:$0x1FD80];
	_ =	sdelay $0x4  }
0xf3: {  	vm0 =	veq.s32 v0, v1;
	v1 =	vnsel vm1, $0xFF61B1E6, v12  }
0xf4: {  	[tilespmem:$0x1F3F0] =	vst v1;
	v1 =	vld [tilespmem:$0x1FDE0];
	_ =	sdelay $0x4  }
0xf5: {  	v40 =	vld [tilespmem:$0x1F1B0];
	vm1 =	veq.s32 v0, v1;
	v1 =	vnsel vm0, $0xFF61B1E6, v10  }
0xf6: {  	[tilespmem:$0x1F3A0] =	vst v1;
	v1 =	vld [tilespmem:$0x1FDF0];
	_ =	sdelay $0x4  }
0xf7: {  	v51 =	vld [tilespmem:$0x1F1C0];
	vm0 =	veq.s32 v0, v1;
	v1 =	vnsel vm1, $0xFF61B1E6, v40  }
0xf8: {  	[tilespmem:$0x1F420] =	vst v1;
	v1 =	vld [tilespmem:$0x1FD90];
	_ =	sdelay $0x4  }
0xf9: {  	vm1 =	veq.s32 v0, v1;
	v1 =	vnsel vm0, $0xFF61B1E6, v51  }
0xfa: {  	[tilespmem:$0x1F430] =	vst v1;
	v1 =	vld [tilespmem:$0x1FDA0];
	_ =	sdelay $0x4  }
0xfb: {  	v47 =	vmov v52;
	v52 =	vld [tilespmem:$0x1F1D0];
	vm0 =	veq.s32 v0, v1;
	v1 =	vnsel vm1, $0xFF61B1E6, v11  }
0xfc: {  	[tilespmem:$0x1F3B0] =	vst v1;
	v1 =	vld [tilespmem:$0x1FD40];
	_ =	sdelay $0x4  }
0xfd: {  	vm1 =	veq.s32 v0, v1;
	v1 =	vnsel vm0, $0xFF61B1E6, v52  }
0xfe: {  	[tilespmem:$0x1F3E0] =	vst v1;
	v1 =	vld [tilespmem:$0x1FDB0];
	_ =	sdelay $0x4  }
0xff: {  	v54 =	vld [tilespmem:$0x1F1E0];
	vm0 =	veq.s32 v0, v1;
	v1 =	vnsel vm1, $0xFF61B1E6, v15  }
0x100: {  	[tilespmem:$0x1F360] =	vst v1;
	v1 =	vld [tilespmem:$0x1FD50];
	_ =	sdelay $0x4  }
0x101: {  	vm1 =	veq.s32 v0, v1;
	v1 =	vnsel vm0, $0xFF61B1E6, v54  }
0x102: {  	[tilespmem:$0x1F400] =	vst v1;
	v1 =	vld [tilespmem:$0x1FD60];
	_ =	sdelay $0x4  }
0x103: {  	vm0 =	veq.s32 v0, v1;
	v1 =	vnsel vm1, $0xFF61B1E6, v20  }
0x104: {  	[tilespmem:$0x1F370] =	vst v1;
	v1 =	vld [tilespmem:$0x1FD70];
	_ =	sdelay $0x4  }
0x105: {  	vm1 =	veq.s32 v0, v1;
	v1 =	vnsel vm0, $0xFF61B1E6, v25  }
0x106: {  	[tilespmem:$0x1F390] =	vst v1;
	v1 =	vld [tilespmem:$0x1FD00];
	_ =	sdelay $0x4  }
0x107: {  	vm0 =	veq.s32 v0, v1;
	v1 =	vnsel vm1, $0xFF61B1E6, v39  }
0x108: {  	[tilespmem:$0x1F3C0] =	vst v1;
	v1 =	vld [tilespmem:$0x1FD10];
	_ =	sdelay $0x4  }
0x109: {  	vm1 =	veq.s32 v0, v1;
	v1 =	vnsel vm0, $0xFF61B1E6, v21  }
0x10a: {  	[tilespmem:$0x1F310] =	vst v1;
	v1 =	vld [tilespmem:$0x1FD20];
	_ =	sdelay $0x4  }
0x10b: {  	vm0 =	veq.s32 v0, v1;
	v1 =	vnsel vm1, $0xFF61B1E6, v22  }
0x10c: {  	[tilespmem:$0x1F320] =	vst v1;
	v1 =	vld [tilespmem:$0x1FD30];
	_ =	sdelay $0x4  }
0x10d: {  	v26 =	vld [tilespmem:$0x1F1F0];
	vm1 =	veq.s32 v0, v1;
	v1 =	vnsel vm0, $0xFF61B1E6, v24  }
0x10e: {  	[tilespmem:$0x1F350] =	vst v1;
	v1 =	vld [tilespmem:$0x1FCC0];
	_ =	sdelay $0x4  }
0x10f: {  	vm0 =	veq.s32 v0, v1;
	v1 =	vnsel vm1, $0xFF61B1E6, v26  }
0x110: {  	[tilespmem:$0x1F380] =	vst v1;
	v1 =	vld [tilespmem:$0x1FCD0];
	_ =	sdelay $0x4  }
0x111: {  	vm1 =	veq.s32 v0, v1;
	v1 =	vld [tilespmem:$0x1FCE0];
	_ =	sdelay $0x4  }
0x112: {  	v53 =	vnsel vm0, $0xFF61B1E6, v27;
	vm0 =	veq.s32 v0, v1  }
0x113: {  	v1 =	vnsel vm0, $0xFF61B1E6, v35  }
0x114: {  	[tilespmem:$0x1F330] =	vst v1;
	v1 =	vld [tilespmem:$0x1FCF0]  }
0x115: {  	v61 =	vmov v38;
	v38 =	vmov v25;
	v25 =	vmov v24;
	v24 =	vld [tilespmem:$0x1F200];
	_ =	sdelay $0x3  }
0x116: {  	vm0 =	veq.s32 v0, v1  }
0x117: {  	v1 =	vnsel vm0, $0xFF61B1E6, v24  }
0x118: {  	[tilespmem:$0x1F340] =	vst v1;
	v1 =	vld [tilespmem:$0x1FC90];
	_ =	sdelay $0x4  }
0x119: {  	vm0 =	veq.s32 v0, v1;
	v1 =	vld [tilespmem:$0x1FCA0];
	_ =	sdelay $0x3  }
0x11a: {  	v19 =	vld [tilespmem:$0x1F210];
	v56 =	vnsel vm1, $0xFF61B1E6, v29;
	vm1 =	veq.s32 v0, v59  }
0x11b: {  	v42 =	vnsel vm1, $0xFF61B1E6, v31;
	vm1 =	veq.s32 v0, v1;
	v1 =	vld [tilespmem:$0x1FCB0];
	_ =	sdelay $0x3  }
0x11c: {  	v18 =	vld [tilespmem:$0x1F230]  }
0x11d: {  	v48 =	vmov v34;
	v34 =	vnsel vm0, $0xFF61B1E6, v19;
	vm0 =	veq.s32 v0, v1;
	v1 =	vld [tilespmem:$0x1FC60];
	_ =	sdelay $0x1  }
0x11e: {  	v16 =	vsub.f32 v43, v14;
	v36 =	vld [tilespmem:$0x1F220]  }
0x11f: {  	v13 =	vld [tilespmem:$0x1F240]  }
0x120: {  	v2 =	vmul.f32 $1.442695020e+00, v16;
	v16 =	vld [tilespmem:$0x1F250];
	v58 =	vnsel vm1, $0xFF61B1E6, v45;
	vm1 =	veq.s32 v0, v23  }
0x121: {  	v41 =	vnsel vm1, $0xFF61B1E6, v18;
	vm1 =	veq.s32 v0, v1;
	v1 =	vld [tilespmem:$0x1FC70]  }
0x122: {  	v17 =	vld [tilespmem:$0x1FF30]  }
0x123: {  	v55 =	vld [tilespmem:$0x1FEF0];
	_ =	sdelay $0x1  }
0x124: {  	v3 =	vsub.f32 v46, v14;
	v59 =	vnsel vm0, $0xFF61B1E6, v36;
	vm0 =	veq.s32 v0, v32  }
0x125: {  	v43 =	vnsel vm0, $0xFF61B1E6, v13;
	vm0 =	veq.s32 v0, v1;
	v1 =	vsub.f32 v50, v14  }
0x126: {  	vm3 =	veq.s32 v0, v17;
	v23 =	vnsel vm1, $0xFF61B1E6, v16;
	vm1 =	vmmov vm2  }
0x127: {  	vm2 =	veq.s32 v0, v55;
	v0 =	vsub.f32 v4, v14;
	v1 =	vmul.f32 $1.442695020e+00, v1  }
0x128: {  	(erf) = vpow2.f32 v2;
	v2 =	vmul.f32 $1.442695020e+00, v3;
	v3 =	vsub.f32 v5, v14  }
0x129: {  	v0 =	vmul.f32 $1.442695020e+00, v0;
	(erf) = vpow2.f32 v1;
	v1 =	vsub.f32 v6, v14  }
0x12a: {  	v63 =	vmovc v49;
	(erf) = vpow2.f32 v2;
	v2 =	vmul.f32 $1.442695020e+00, v3;
	v3 =	vsub.f32 v7, v14  }
0x12b: {  	v49 =	vmovc v44;
	v44 =	vmovc v50;
	(erf) = vpow2.f32 v0;
	v0 =	vmul.f32 $1.442695020e+00, v1;
	v1 =	vsub.f32 v28, v14  }
0x12c: {  	v5 =	vsub.f32 v12, v14;
	v55 =	vpop (erf);
	(erf) = vpow2.f32 v2;
	v2 =	vmul.f32 $1.442695020e+00, v3  }
0x12d: {  	v50 =	vpop (erf);
	v3 =	vsub.f32 v8, v14;
	(erf) = vpow2.f32 v0;
	v0 =	vmul.f32 $1.442695020e+00, v1  }
0x12e: {  	v5 =	vmul.f32 $1.442695020e+00, v5;
	v1 =	vsub.f32 v9, v14  }
0x12f: {  	v46 =	vpop (erf);
	(erf) = vpow2.f32 v2;
	v2 =	vmul.f32 $1.442695020e+00, v3;
	v3 =	vsub.f32 v37, v14  }
0x130: {  	v6 =	vsub.f32 v10, v14;
	v28 =	vpop (erf);
	(erf) = vpow2.f32 v0;
	v4 =	vmul.f32 $1.442695020e+00, v1  }
0x131: {  	v7 =	vsub.f32 v11, v14;
	(erf) = vpow2.f32 v2;
	v3 =	vmul.f32 $1.442695020e+00, v3;
	v0 =	vpop (erf)  }
0x132: {  	v6 =	vmul.f32 $1.442695020e+00, v6;
	v8 =	vsub.f32 v20, v14;
	(erf) = vpow2.f32 v4;
	v1 =	vpop (erf)  }
0x133: {  	v7 =	vmul.f32 $1.442695020e+00, v7;
	(erf) = vpow2.f32 v3;
	v3 =	vsub.f32 v15, v14;
	v2 =	vpop (erf)  }
0x134: {  	v9 =	vsub.f32 v21, v14;
	v11 =	vmul.f32 $1.442695020e+00, v8;
	(erf) = vpow2.f32 v5;
	v4 =	vpop (erf)  }
0x135: {  	v10 =	vsub.f32 v22, v14;
	v3 =	vmul.f32 $1.442695020e+00, v3;
	v5 =	vpop (erf);
	(erf) = vpow2.f32 v6  }
0x136: {  	v9 =	vmul.f32 $1.442695020e+00, v9;
	v6 =	vpop (erf);
	(erf) = vpow2.f32 v7  }
0x137: {  	v22 =	vsub.f32 v33, v14;
	v7 =	vpop (erf);
	(erf) = vpow2.f32 v3;
	v3 =	vsub.f32 v27, v14  }
0x138: {  	v12 =	vmul.f32 $1.442695020e+00, v10;
	v8 =	vpop (erf);
	(erf) = vpow2.f32 v11;
	v11 =	vsub.f32 v29, v14  }
0x139: {  	v15 =	vsub.f32 v30, v14;
	v10 =	vpop (erf);
	(erf) = vpow2.f32 v9;
	v20 =	vmul.f32 $1.442695020e+00, v3  }
0x13a: {  	v9 =	vpop (erf);
	(erf) = vpow2.f32 v12;
	v12 =	vsub.f32 v31, v14;
	v21 =	vmul.f32 $1.442695020e+00, v11  }
0x13b: {  	v32 =	vld [tilespmem:$0x1F260];
	v3 =	vpop (erf);
	(erf) = vpow2.f32 v20;
	v20 =	vmul.f32 $1.442695020e+00, v15  }
0x13c: {  	v11 =	vpop (erf);
	(erf) = vpow2.f32 v21;
	v12 =	vmul.f32 $1.442695020e+00, v12;
	v21 =	vsub.f32 v19, v14  }
0x13d: {  	v27 =	vmul.f32 $1.442695020e+00, v22;
	v15 =	vpop (erf);
	(erf) = vpow2.f32 v20;
	v20 =	vsub.f32 v18, v14  }
0x13e: {  	v22 =	vpop (erf);
	(erf) = vpow2.f32 v12;
	v12 =	vsub.f32 v13, v14;
	v21 =	vmul.f32 $1.442695020e+00, v21  }
0x13f: {  	v29 =	vpop (erf);
	(erf) = vpow2.f32 v27;
	v20 =	vmul.f32 $1.442695020e+00, v20;
	v27 =	vsub.f32 v16, v14  }
0x140: {  	v13 =	vpop (erf);
	(erf) = vpow2.f32 v21;
	v12 =	vmul.f32 $1.442695020e+00, v12;
	v21 =	vsub.f32 v32, v14  }
0x141: {  	v33 =	vpop (erf);
	(erf) = vpow2.f32 v20;
	v20 =	vmul.f32 $1.442695020e+00, v27;
	v27 =	vsub.f32 v45, v14  }
0x142: {  	v37 =	vpop (erf);
	(erf) = vpow2.f32 v12;
	v12 =	vmul.f32 $1.442695020e+00, v21;
	v21 =	vsub.f32 v36, v14  }
0x143: {  	v36 =	vpop (erf);
	(erf) = vpow2.f32 v20;
	v20 =	vmul.f32 $1.442695020e+00, v27;
	v27 =	vsub.f32 v35, v14  }
0x144: {  	v30 =	vpop (erf);
	(erf) = vpow2.f32 v12;
	v12 =	vmul.f32 $1.442695020e+00, v21;
	v21 =	vsub.f32 v24, v14  }
0x145: {  	v35 =	vpop (erf);
	(erf) = vpow2.f32 v20;
	v20 =	vmul.f32 $1.442695020e+00, v27;
	v27 =	vsub.f32 v25, v14  }
0x146: {  	v31 =	vpop (erf);
	(erf) = vpow2.f32 v12;
	v12 =	vmul.f32 $1.442695020e+00, v21;
	v21 =	vsub.f32 v26, v14  }
0x147: {  	v45 =	vpop (erf);
	(erf) = vpow2.f32 v20;
	v20 =	vmul.f32 $1.442695020e+00, v27;
	v27 =	vsub.f32 v38, v14  }
0x148: {  	v38 =	vpop (erf);
	(erf) = vpow2.f32 v12;
	v12 =	vmul.f32 $1.442695020e+00, v21;
	v21 =	vsub.f32 v39, v14  }
0x149: {  	v39 =	vpop (erf);
	(erf) = vpow2.f32 v20;
	v20 =	vmul.f32 $1.442695020e+00, v27;
	v27 =	vsub.f32 v52, v14  }
0x14a: {  	v17 =	vnsel vm0, $0xFF61B1E6, v32;
	v52 =	vpop (erf);
	(erf) = vpow2.f32 v12  }
0x14b: {  	v12 =	vmul.f32 $1.442695020e+00, v21;
	(erf) = vpow2.f32 v20;
	v20 =	vsub.f32 v54, v14  }
0x14c: {  	v16 =	vmax.f32 v41, v23;
	v23 =	vsub.f32 v40, v14;
	v18 =	vpop (erf);
	v21 =	vmul.f32 $1.442695020e+00, v27  }
0x14d: {  	v24 =	vmax.f32 v43, v17;
	v27 =	vpop (erf);
	(erf) = vpow2.f32 v12;
	v17 =	vmul.f32 $1.442695020e+00, v20  }
0x14e: {  	v32 =	vpop (erf);
	(erf) = vpow2.f32 v21;
	v21 =	vmul.f32 $1.442695020e+00, v23;
	v23 =	vsub.f32 v51, v14  }
0x14f: {  	v20 =	vpop (erf);
	v18 =	vadd.f32 v32, v18;
	(erf) = vpow2.f32 v17;
	v17 =	vadd.f32 v39, v45  }
0x150: {  	v20 =	vadd.f32 v20, v27;
	v26 =	vpop (erf);
	(erf) = vpow2.f32 v21;
	v21 =	vsub.f32 v60, v14  }
0x151: {  	v18 =	vadd.f32 v18, v26;
	v26 =	vsub.f32 v57, v14  }
0x152: {  	v19 =	vmax.f32 v42, v34;
	v27 =	vadd.f32 v52, v38;
	v23 =	vmul.f32 $1.442695020e+00, v23;
	v34 =	vpop (erf)  }
0x153: {  	v17 =	vadd.f32 v17, v35;
	v20 =	vadd.f32 v20, v34;
	v21 =	vmul.f32 $1.442695020e+00, v21  }
0x154: {  	(erf) = vpow2.f32 v23;
	v23 =	vadd.f32 v27, v31;
	v27 =	vsub.f32 v61, v14;
	v31 =	vpop (erf)  }
0x155: {  	v17 =	vadd.f32 v17, v36;
	(erf) = vpow2.f32 v21;
	v21 =	vmul.f32 $1.442695020e+00, v26;
	v26 =	vpop (erf)  }
0x156: {  	v27 =	vmul.f32 $1.442695020e+00, v27;
	v20 =	vadd.f32 v20, v26;
	v26 =	vsub.f32 v62, v14  }
0x157: {  	v23 =	vadd.f32 v23, v30;
	(erf) = vpow2.f32 v21;
	v21 =	vsub.f32 v47, v14  }
0x158: {  	v18 =	vadd.f32 v18, v31;
	v17 =	vadd.f32 v17, v33;
	v33 =	vld [tilespmem:$0x1F270];
	v26 =	vmul.f32 $1.442695020e+00, v26  }
0x159: {  	v31 =	vpop (erf);
	v23 =	vadd.f32 v23, v37;
	v37 =	vld [tilespmem:$0x1F280];
	(erf) = vpow2.f32 v27;
	v21 =	vmul.f32 $1.442695020e+00, v21  }
0x15a: {  	v18 =	vadd.f32 v18, v31;
	v27 =	vpop (erf);
	(erf) = vpow2.f32 v26;
	v26 =	vsub.f32 v48, v14  }
0x15b: {  	v20 =	vadd.f32 v20, v27;
	v27 =	vpop (erf);
	(erf) = vpow2.f32 v21;
	v21 =	vsub.f32 v49, v14  }
0x15c: {  	v26 =	vmul.f32 $1.442695020e+00, v26  }
0x15d: {  	v18 =	vadd.f32 v18, v27;
	v27 =	vsub.f32 v33, v14;
	v21 =	vmul.f32 $1.442695020e+00, v21  }
0x15e: {  	v30 =	vpop (erf);
	(erf) = vpow2.f32 v26;
	v26 =	vsub.f32 v37, v14  }
0x15f: {  	v17 =	vadd.f32 v17, v29;
	v29 =	vpop (erf);
	(erf) = vpow2.f32 v21;
	v21 =	vmul.f32 $1.442695020e+00, v27  }
0x160: {  	v23 =	vadd.f32 v23, v13;
	v26 =	vmul.f32 $1.442695020e+00, v26  }
0x161: {  	v20 =	vadd.f32 v20, v30  }
0x162: {  	v15 =	vadd.f32 v17, v15;
	v22 =	vadd.f32 v23, v22;
	v27 =	vpop (erf)  }
0x163: {  	v18 =	vadd.f32 v18, v29;
	v20 =	vadd.f32 v20, v27;
	(erf) = vpow2.f32 v21;
	v21 =	vpop (erf)  }
0x164: {  	v15 =	vadd.f32 v15, v3;
	v3 =	vsub.f32 v63, v14;
	(erf) = vpow2.f32 v26;
	v26 =	vpop (erf)  }
0x165: {  	v18 =	vadd.f32 v18, v21;
	v20 =	vadd.f32 v20, v26;
	v21 =	vpop (erf)  }
0x166: {  	s13 =	simm.s32 $0x5D8;
	v11 =	vadd.f32 v22, v11;
	v22 =	vpop (erf)  }
0x167: {  	v20 =	vadd.f32 v20, v22;
	v22 =	vmul.f32 $1.442695020e+00, v3;
	v3 =	vld [tilespmem:s13+$0x1C0];
	_ =	sdelay $0x4  }
0x168: {  	[tilespmem:$0x1F600] =	vst v3;
	v3 =	vld [tilespmem:s13+$0x1D0]  }
0x169: {  	v35 =	vld [tilespmem:$0x1F290]  }
0x16a: {  	v36 =	vld [tilespmem:$0x1F2A0];
	_ =	sdelay $0x2  }
0x16b: {  	[tilespmem:$0x1F610] =	vst v3;
	v3 =	vld [tilespmem:s13+$0x130]  }
0x16c: {  	v34 =	vld [tilespmem:$0x1F2B0];
	v27 =	vsub.f32 v35, v14  }
0x16d: {  	v17 =	vsub.f32 v36, v14  }
0x16e: {  	v23 =	vmul.f32 $1.442695020e+00, v27;
	v27 =	vld [tilespmem:$0x1F2C0]  }
0x16f: {  	v17 =	vmul.f32 $1.442695020e+00, v17;
	v18 =	vadd.f32 v18, v21;
	v21 =	vld [tilespmem:$0x1F2D0]  }
0x170: {  	(erf) = vpow2.f32 v23;
	[tilespmem:$0x1F5C0] =	vst v3;
	v3 =	vld [tilespmem:s13+$0x140]  }
0x171: {  	v29 =	vld [tilespmem:$0x1F2E0];
	(erf) = vpow2.f32 v17;
	v17 =	vsub.f32 v34, v14;
	_ =	sdelay $0x1  }
0x172: {  	v10 =	vadd.f32 v15, v10;
	v15 =	vmul.f32 $1.442695020e+00, v17;
	v17 =	vsub.f32 v27, v14  }
0x173: {  	v9 =	vadd.f32 v11, v9;
	(erf) = vpow2.f32 v22;
	v11 =	vsub.f32 v21, v14  }
0x174: {  	v22 =	vpop (erf);
	(erf) = vpow2.f32 v15;
	v15 =	vmul.f32 $1.442695020e+00, v17;
	[tilespmem:$0x1F5D0] =	vst v3;
	v3 =	vld [tilespmem:$0x1F2F0]  }
0x175: {  	v17 =	vsub.f32 v29, v14;
	v11 =	vmul.f32 $1.442695020e+00, v11;
	_ =	sdelay $0x1  }
0x176: {  	v7 =	vadd.f32 v10, v7;
	v23 =	vpop (erf);
	(erf) = vpow2.f32 v15;
	v10 =	vmul.f32 $1.442695020e+00, v17  }
0x177: {  	v15 =	vpop (erf);
	(erf) = vpow2.f32 v11  }
0x178: {  	v20 =	vadd.f32 v20, v23;
	v11 =	vpop (erf);
	(erf) = vpow2.f32 v10;
	v10 =	vmax.f32 v3, v53;
	v3 =	vld [tilespmem:s13+$0x150]  }
0x179: {  	v12 =	vld [tilespmem:$0x1F300];
	v8 =	vadd.f32 v9, v8;
	v18 =	vadd.f32 v18, v22  }
0x17a: {  	v5 =	vadd.f32 v7, v5;
	v11 =	vadd.f32 v20, v11  }
0x17b: {  	v6 =	vadd.f32 v8, v6;
	v9 =	vadd.f32 v18, v15;
	v7 =	vpop (erf)  }
0x17c: {  	v15 =	vpop (erf)  }
0x17d: {  	v7 =	vadd.f32 v9, v7;
	v9 =	vadd.f32 v11, v15;
	[tilespmem:$0x1F5F0] =	vst v3;
	v3 =	vld [tilespmem:$0x1F310]  }
0x17e: {  	v8 =	vsub.f32 v12, v14;
	v11 =	vpop (erf)  }
0x17f: {  	v2 =	vadd.f32 v5, v2;
	v4 =	vadd.f32 v6, v4;
	v6 =	vpop (erf)  }
0x180: {  	v5 =	vmul.f32 $1.442695020e+00, v8;
	v7 =	vadd.f32 v7, v11;
	v6 =	vadd.f32 v9, v6  }
0x181: {  	v0 =	vadd.f32 v2, v0;
	v9 =	vpop (erf)  }
0x182: {  	(erf) = vpow2.f32 v5;
	v5 =	vadd.f32 v7, v9;
	v7 =	vmax.f32 v10, v3;
	v3 =	vld [tilespmem:$0x1F320]  }
0x183: {  	v0 =	vadd.f32 v0, v46;
	v2 =	vpop (erf)  }
0x184: {  	v2 =	vadd.f32 v6, v2;
	v6 =	vpop (erf)  }
0x185: {  	v9 =	vpop (erf)  }
0x186: {  	v17 =	vmax.f32 v19, v56;
	v5 =	vadd.f32 v5, v6;
	v2 =	vadd.f32 v2, v9;
	v6 =	vpop (erf)  }
0x187: {  	v9 =	vadd.f32 v0, v55;
	v0 =	vpop (erf);
	v10 =	vmax.f32 v17, v3;
	v3 =	vld [tilespmem:$0x1F330]  }
0x188: {  	v2 =	vadd.f32 v2, v0;
	v0 =	vld [tilespmem:$0x1F350];
	_ =	sdelay $0x2  }
0x189: {  	v8 =	vmax.f32 v16, v58  }
0x18a: {  	v8 =	vmax.f32 v8, v3  }
0x18b: {  	v5 =	vadd.f32 v5, v6;
	v6 =	vmax.f32 v8, v0;
	v0 =	vld [tilespmem:$0x1F360];
	_ =	sdelay $0x4  }
0x18c: {  	v7 =	vmax.f32 v7, v0;
	v0 =	vld [tilespmem:$0x1F370];
	_ =	sdelay $0x3  }
0x18d: {  	v3 =	vld [tilespmem:$0x1F340]  }
0x18e: {  	v8 =	vmax.f32 v10, v0;
	v0 =	vld [tilespmem:$0x1F380];
	_ =	sdelay $0x2  }
0x18f: {  	v1 =	vadd.f32 v4, v1;
	v4 =	vmax.f32 v24, v59  }
0x190: {  	v4 =	vmax.f32 v4, v3  }
0x191: {  	v4 =	vmax.f32 v4, v0;
	v0 =	vld [tilespmem:s13+$0x120];
	_ =	sdelay $0x4  }
0x192: {  	[tilespmem:$0x1F5E0] =	vst v0;
	v0 =	vld [tilespmem:$0x1F390];
	_ =	sdelay $0x4  }
0x193: {  	v2 =	vadd.f32 v2, v5;
	v5 =	vmax.f32 v6, v0;
	v0 =	vld [tilespmem:$0x1F3A0]  }
0x194: {  	v3 =	vld [tilespmem:$0x1F3E0];
	_ =	sdelay $0x3  }
0x195: {  	v6 =	vmax.f32 v7, v0;
	v0 =	vld [tilespmem:$0x1F3B0]  }
0x196: {  	v5 =	vmax.f32 v5, v3;
	v3 =	vld [tilespmem:$0x1F3F0];
	_ =	sdelay $0x3  }
0x197: {  	v7 =	vmax.f32 v8, v0;
	v0 =	vld [tilespmem:$0x1F3C0]  }
0x198: {  	v7 =	vmax.f32 v7, v3;
	v3 =	vld [tilespmem:$0x1F400];
	_ =	sdelay $0x3  }
0x199: {  	v4 =	vmax.f32 v4, v0;
	v0 =	vld [tilespmem:$0x1F3D0]  }
0x19a: {  	v4 =	vmax.f32 v4, v3;
	v3 =	vld [tilespmem:$0x1F410]  }
0x19b: {  	v1 =	vadd.f32 v1, v28;
	_ =	sdelay $0x1  }
0x19c: {  	v1 =	vadd.f32 v1, v50  }
0x19d: {  	v6 =	vmax.f32 v6, v0  }
0x19e: {  	v1 =	vadd.f32 v1, v9;
	v6 =	vmax.f32 v6, v3;
	v3 =	vld [tilespmem:$0x1F430];
	_ =	sdelay $0x1  }
0x19f: {  	v1 =	vadd.f32 v2, v1;
	v2 =	vpop (erf)  }
0x1a0: {  	v2 =	vsel vm1, $0x0, v2  }
0x1a1: {  	v1 =	vadd.f32 v1, v2;
	v2 =	vld [tilespmem:$0x1F420]  }
0x1a2: {  	v4 =	vmax.f32 v4, v3;
	v3 =	vld [tilespmem:$0x1F440];
	_ =	sdelay $0x4  }
0x1a3: {  	v2 =	vmax.f32 v5, v2;
	v5 =	vmax.f32 v7, v3;
	v3 =	vld [tilespmem:$0x1F450];
	_ =	sdelay $0x4  }
0x1a4: {  	v6 =	vmax.f32 v6, v3;
	v3 =	vld [tilespmem:$0x1F460];
	_ =	sdelay $0x4  }
0x1a5: {  	v5 =	vmax.f32 v5, v3;
	v3 =	vld [tilespmem:$0x1F470];
	_ =	sdelay $0x4  }
0x1a6: {  	v2 =	vmax.f32 v2, v3;
	v3 =	vld [tilespmem:$0x1F480];
	_ =	sdelay $0x4  }
0x1a7: {  	v4 =	vmax.f32 v4, v3;
	v3 =	vld [tilespmem:$0x1F490];
	_ =	sdelay $0x4  }
0x1a8: {  	v6 =	vmax.f32 v6, v3;
	v3 =	vld [tilespmem:$0x1F4A0];
	_ =	sdelay $0x4  }
0x1a9: {  	v2 =	vmax.f32 v2, v3;
	v3 =	vld [tilespmem:$0x1F4B0];
	_ =	sdelay $0x4  }
0x1aa: {  	v5 =	vmax.f32 v5, v3;
	v3 =	vld [tilespmem:$0x1F4C0];
	_ =	sdelay $0x4  }
0x1ab: {  	v4 =	vmax.f32 v4, v3;
	v3 =	vld [tilespmem:$0x1F4D0];
	_ =	sdelay $0x4  }
0x1ac: {  	v6 =	vmax.f32 v6, v3;
	v3 =	vld [tilespmem:$0x1F4E0];
	_ =	sdelay $0x4  }
0x1ad: {  	v2 =	vmax.f32 v2, v3;
	v3 =	vld [tilespmem:$0x1F4F0];
	_ =	sdelay $0x4  }
0x1ae: {  	v5 =	vmax.f32 v5, v3;
	v3 =	vld [tilespmem:$0x1F500];
	_ =	sdelay $0x1  }
0x1af: {  	v42 =	vld [tilespmem:s13+$0xFFFFFE30]  }
0x1b0: {  	v41 =	vld [tilespmem:s13+$0xFFFFFF40]  }
0x1b1: {  	v43 =	vld [tilespmem:s13+$0x0]  }
0x1b2: {  	v4 =	vmax.f32 v4, v3;
	v3 =	vld [tilespmem:$0x1F510]  }
0x1b3: {  	v25 =	vld [tilespmem:s13+$0xFFFFFE40]  }
0x1b4: {  	v54 =	vld [tilespmem:s13+$0x1B0]  }
0x1b5: {  	v51 =	vld [tilespmem:s13+$0xFFFFFFF0]  }
0x1b6: {  	v32 =	vld [tilespmem:s13+$0x1A0]  }
0x1b7: {  	v2 =	vmax.f32 v2, v3;
	v3 =	vld [tilespmem:$0x1F520]  }
0x1b8: {  	v45 =	vld [tilespmem:s13+$0x100]  }
0x1b9: {  	v39 =	vld [tilespmem:s13+$0xA0]  }
0x1ba: {  	v52 =	vld [tilespmem:s13+$0x180]  }
0x1bb: {  	v38 =	vld [tilespmem:s13+$0xFFFFFE20]  }
0x1bc: {  	v6 =	vmax.f32 v6, v3;
	v3 =	vld [tilespmem:$0x1F530]  }
0x1bd: {  	v60 =	vld [tilespmem:s13+$0x70]  }
0x1be: {  	v57 =	vld [tilespmem:s13+$0xFFFFFEF0]  }
0x1bf: {  	v61 =	vld [tilespmem:s13+$0x50]  }
0x1c0: {  	v62 =	vld [tilespmem:s13+$0xFFFFFFB0];
	v8 =	vnsel vm2, $0xFF61B1E6, v33  }
0x1c1: {  	v4 =	vmax.f32 v4, v8;
	v8 =	vnsel vm10, $0xFF61B1E6, v3;
	v3 =	vld [tilespmem:$0x1F540]  }
0x1c2: {  	v47 =	vld [tilespmem:s13+$0xFFFFFF30]  }
0x1c3: {  	v13 =	vld [tilespmem:s13+$0xB0]  }
0x1c4: {  	v48 =	vld [tilespmem:$0x1FFA0]  }
0x1c5: {  	v31 =	vmov v63;
	v63 =	vld [tilespmem:s13+$0x170]  }
0x1c6: {  	v9 =	vnsel vm11, $0xFF61B1E6, v3;
	v3 =	vld [tilespmem:$0x1F550]  }
0x1c7: {  	v49 =	vld [tilespmem:s13+$0x40]  }
0x1c8: {  	v30 =	vld [tilespmem:s13+$0xFFFFFFA0]  }
0x1c9: {  	v58 =	vld [tilespmem:s13+$0xFFFFFE10]  }
0x1ca: {  	v26 =	vld [tilespmem:s13+$0xF0]  }
0x1cb: {  	v10 =	vmax.f32 v6, v3;
	v3 =	vld [tilespmem:$0x1F560]  }
0x1cc: {  	v59 =	vld [tilespmem:s13+$0x30]  }
0x1cd: {  	v24 =	vld [tilespmem:s13+$0xFFFFFEB0]  }
0x1ce: {  	v46 =	vld [tilespmem:s13+$0xFFFFFF00]  }
0x1cf: {  	v28 =	vld [tilespmem:s13+$0x80]  }
0x1d0: {  	s31 =	simm.s32 $0x3E8;
	v11 =	vnsel vm13, $0xFF61B1E6, v3;
	v3 =	vld [tilespmem:$0x1F570]  }
0x1d1: {  	s14 =	sand.u32 $0xFFF8, s31;
	v20 =	vld [tilespmem:$0x1FFB0]  }
0x1d2: {  	v50 =	vld [tilespmem:s14+$0x100]  }
0x1d3: {  	v16 =	vnsel vm5, $0xFF61B1E6, v29;
	v29 =	vld [tilespmem:s14+$0x80]  }
0x1d4: {  	v15 =	vld [tilespmem:s13+$0xFFFFFE80]  }
0x1d5: {  	v17 =	vnsel vm12, $0xFF61B1E6, v3;
	v3 =	vld [tilespmem:$0x1F580]  }
0x1d6: {  	v56 =	vld [tilespmem:s13+$0xFFFFFE50];
	v7 =	vperm.xlane v1, v20  }
0x1d7: {  	v23 =	vld [tilespmem:s13+$0xFFFFFE60]  }
0x1d8: {  	v18 =	vnsel vm6, $0xFF61B1E6, v34;
	v34 =	vld [tilespmem:s13+$0xFFFFFF60];
	v1 =	vadd.f32 v1, v7;
	v7 =	vnsel vm15, $0xFF61B1E6, v44  }
0x1d9: {  	v55 =	vld [tilespmem:s13+$0xFFFFFED0];
	v44 =	vmov v15;
	v15 =	vnsel vm3, $0xFF61B1E6, v35;
	v5 =	vmax.f32 v5, v7  }
0x1da: {  	v53 =	vld [tilespmem:s13+$0xFFFFFE70];
	v4 =	vmax.f32 v4, v15;
	v5 =	vmax.f32 v5, v17;
	v15 =	vnsel vm4, $0xFF61B1E6, v3  }
0x1db: {  	v19 =	vnsel vm9, $0xFF61B1E6, v31;
	v6 =	vnsel vm14, $0xFF61B1E6, v37;
	v5 =	vmax.f32 v5, v15;
	v15 =	vld [tilespmem:$0x1F590]  }
0x1dc: {  	v31 =	vld [tilespmem:$0x1F5F0];
	v7 =	vperm.xlane v1, v48;
	v2 =	vmax.f32 v2, v6;
	v17 =	vnsel vm8, $0xFF61B1E6, v36  }
0x1dd: {  	v33 =	vld [tilespmem:s13+$0xFFFFFFC0];
	v2 =	vmax.f32 v2, v17  }
0x1de: {  	v0 =	vld [tilespmem:s13+$0xC0];
	v1 =	vadd.f32 v1, v7;
	v7 =	vnsel vm7, $0xFF61B1E6, v21;
	v2 =	vmax.f32 v2, v18  }
0x1df: {  	v7 =	vmax.f32 v2, v7;
	v2 =	vld [tilespmem:$0x1F5A0]  }
0x1e0: {  	v3 =	vld [tilespmem:$0x1FF80];
	vm7 =	vnez.u8 v15  }
0x1e1: {  	v35 =	vld [tilespmem:s13+$0xFFFFFFD0];
	v4 =	vmax.f32 v4, v19;
	v15 =	vnsel vm7, $0xFF61B1E6, v27  }
0x1e2: {  	v21 =	vld [tilespmem:s13+$0xFFFFFF70];
	v10 =	vmax.f32 v10, v11;
	v4 =	vmax.f32 v4, v15  }
0x1e3: {  	v6 =	vld [tilespmem:s13+$0xFFFFFEA0];
	v8 =	vmax.f32 v10, v8;
	v5 =	vmax.f32 v5, v9;
	v4 =	vmax.f32 v4, v16  }
0x1e4: {  	v4 =	vmax.f32 v7, v4;
	v7 =	vmax.f32 v8, v5;
	v5 =	vld [tilespmem:$0x1FF90]  }
0x1e5: {  	v10 =	vld [tilespmem:s13+$0xFFFFFEE0];
	vm8 =	vcmask $0x3F20;
	vm9 =	vnez.u8 v2;
	v11 =	vperm.xlane v1, v3  }
0x1e6: {  	vm0 =	vmand vm9, vm8;
	v4 =	vmax.f32 v4, v7;
	v7 =	vld [tilespmem:s13+$0xFFFFFF20]  }
0x1e7: {  	v37 =	vld [tilespmem:s13+$0xFFFFFEC0];
	v9 =	vnsel vm0, $0xFF61B1E6, v12;
	v1 =	vadd.f32 v1, v11  }
0x1e8: {  	v17 =	vld [tilespmem:s13+$0xFFFFFF80];
	v4 =	vmax.f32 v4, v9;
	v9 =	vmax.f32 v38, v23  }
0x1e9: {  	v18 =	vld [tilespmem:s14+$0x200];
	v9 =	vmax.f32 v9, v6;
	v8 =	vperm.xlane v1, v5  }
0x1ea: {  	v2 =	vld [tilespmem:s13+$0xFFFFFF50];
	v9 =	vmax.f32 v9, v10  }
0x1eb: {  	v12 =	vld [tilespmem:s13+$0x20];
	v15 =	vmax.f32 v9, v7;
	v1 =	vadd.f32 v1, v8  }
0x1ec: {  	v27 =	vld [tilespmem:s13+$0xFFFFFFE0];
	v8 =	vperm.xlane v4, v20;
	v15 =	vmax.f32 v15, v34  }
0x1ed: {  	v11 =	vld [tilespmem:$0x1F5C0];
	v15 =	vmax.f32 v15, v30;
	(erf) = vrcp.f32 v1;
	v1 =	vmax.f32 v42, v53  }
0x1ee: {  	[tilespmem:$0x1FAF0] =	vst v6;
	v6 =	vld [tilespmem:s14+$0x280];
	v22 =	vmax.f32 v4, v8;
	v8 =	vmax.f32 v25, v44;
	v1 =	vmax.f32 v1, v24  }
0x1ef: {  	[tilespmem:$0x1FB20] =	vst v24;
	v4 =	vmax.f32 v58, v56;
	v8 =	vmax.f32 v8, v37;
	v24 =	vld [tilespmem:s14+$0x180];
	v1 =	vmax.f32 v1, v57  }
0x1f0: {  	[tilespmem:$0x1FA10] =	vst v10;
	v9 =	vld [tilespmem:s13+$0xE0];
	v4 =	vmax.f32 v4, v29;
	v8 =	vmax.f32 v8, v46;
	v10 =	vmax.f32 v1, v47  }
0x1f1: {  	[tilespmem:$0x1FB10] =	vst v7;
	v7 =	vld [tilespmem:$0x1F5E0];
	v4 =	vmax.f32 v4, v55;
	v8 =	vmax.f32 v8, v41;
	v10 =	vmax.f32 v10, v21  }
0x1f2: {  	[tilespmem:$0x1FA20] =	vst v17;
	v4 =	vmax.f32 v4, v50;
	v16 =	vmax.f32 v8, v17;
	v17 =	vmax.f32 v10, v62;
	v10 =	vld [tilespmem:s13+$0x60]  }
0x1f3: {  	[tilespmem:$0x1FB00] =	vst v29;
	v15 =	vmax.f32 v15, v27;
	v29 =	vld [tilespmem:s13+$0xD0];
	v4 =	vmax.f32 v4, v2  }
0x1f4: {  	v15 =	vmax.f32 v15, v12;
	v1 =	vld [tilespmem:$0x1F610];
	v16 =	vmax.f32 v16, v33;
	v4 =	vmax.f32 v4, v24  }
0x1f5: {  	[tilespmem:$0x1FC30] =	vst v23;
	v8 =	vld [tilespmem:$0x1F5D0];
	v17 =	vmax.f32 v17, v51;
	v23 =	vmax.f32 v16, v43;
	v4 =	vmax.f32 v4, v35  }
0x1f6: {  	[tilespmem:$0x1F900] =	vst v39;
	v23 =	vmax.f32 v23, v49;
	v40 =	vmax.f32 v4, v18;
	v4 =	vmax.f32 v17, v59;
	v17 =	vld [tilespmem:s14+$0x300]  }
0x1f7: {  	[tilespmem:$0x1F910] =	vst v35;
	v35 =	vmax.f32 v4, v60;
	v36 =	vmax.f32 v40, v61;
	v40 =	vmax.f32 v15, v10;
	v15 =	vld [tilespmem:s13+$0x160]  }
0x1f8: {  	[tilespmem:$0x1FB30] =	vst v38;
	v23 =	vmax.f32 v23, v28;
	v38 =	vmax.f32 v40, v39;
	v39 =	vld [tilespmem:s14+$0x380]  }
0x1f9: {  	[tilespmem:$0x1FA30] =	vst v37;
	v23 =	vmax.f32 v23, v0;
	v37 =	vmax.f32 v35, v13;
	v36 =	vmax.f32 v36, v6;
	v40 =	vld [tilespmem:s13+$0x1E0]  }
0x1fa: {  	v23 =	vmax.f32 v23, v45;
	v36 =	vmax.f32 v36, v29;
	v37 =	vmax.f32 v37, v26;
	v35 =	vmovc v13;
	v13 =	vld [tilespmem:$0x1F600]  }
0x1fb: {  	v23 =	vmax.f32 v23, v8;
	v38 =	vmax.f32 v38, v9;
	v37 =	vmax.f32 v37, v11  }
0x1fc: {  	v19 =	vmovc v0;
	v0 =	vld [tilespmem:s13+$0x1E8];
	v23 =	vmax.f32 v23, v52;
	v36 =	vmax.f32 v36, v17;
	v38 =	vmax.f32 v38, v7  }
0x1fd: {  	v37 =	vmax.f32 v37, v63;
	v36 =	vmax.f32 v36, v31;
	v38 =	vmax.f32 v38, v15  }
0x1fe: {  	v37 =	vmax.f32 v37, v54;
	v36 =	vmax.f32 v36, v39;
	v38 =	vmax.f32 v38, v32  }
0x1ff: {  	v23 =	vmax.f32 v23, v13;
	v36 =	vmax.f32 v36, v1;
	v38 =	vmax.f32 v38, v40  }
0x200: {  	v36 =	vmax.f32 v36, v38;
	v23 =	vmax.f32 v37, v23  }
0x201: {  	[tilespmem:$0x1F620] =	vst v0;
	v23 =	vmax.f32 v36, v23;
	v36 =	vsel vm1, $0xFF61B1E6, v0;
	v0 =	vld [tilespmem:$0x1FC40];
	_ =	sdelay $0x2  }
0x202: {  	v37 =	vperm.xlane v22, v48  }
0x203: {  	v4 =	vpop (erf)  }
0x204: {  	v22 =	vmax.f32 v22, v37;
	vm10 =	vgt.f32 v4, v0;
	v0 =	vld [tilespmem:$0x1FC50]  }
0x205: {  	v23 =	vmax.f32 v23, v36;
	v36 =	vperm.xlane v22, v3;
	_ =	sdelay $0x1  }
0x206: {  	v22 =	vmax.f32 v22, v36  }
0x207: {  	v36 =	vperm.xlane v22, v5  }
0x208: {  	vm11 =	vle.f32 v4, v0  }
0x209: {  	v22 =	vmax.f32 v22, v36;
	v0 =	vimm.s32 $0x0;
	vm0 =	vmand vm10, vm11  }
0x20a: {  	vm4 =	veq.f32 v22, v14;
	v0 =	vsel vm0, $0xFFFFFFFF, v0  }
0x20b: {  	vm0 =	vmand vm0, vm4;
	[tilespmem:$0x1F640] =	vst v0;
	v0 =	vimm.f32 $0.0e+00  }
0x20c: {  	v22 =	vsel vm0, $0x3F800000, v0;
	v0 =	vld [tilespmem:$0x1F650];
	_ =	sdelay $0x4  }
0x20d: {  	s14 =	simm.s32 $0xFA01;
	v0 =	vadd.f32 v22, v0  }
0x20e: {  	v36 =	vld.msk [tilespmem:s14+$0x0 ss:$0x0], $0xffff  }
0x20f: {  	v37 =	vperm.xlane v23, v20;
	[tilespmem:$0x1F660] =	vst v0;
	v0 =	vld [tilespmem:$0x1FFD0];
	_ =	sdelay $0x1  }
0x210: {  	v23 =	vmax.f32 v23, v37  }
0x211: {  	v37 =	vperm.xlane v23, v48;
	_ =	sdelay $0x1  }
0x212: {  	v23 =	vmax.f32 v23, v37;
	vm5 =	veq.s32 v36, v0;
	v0 =	vld [tilespmem:$0x1FC80]  }
0x213: {  	v37 =	vperm.xlane v23, v3;
	_ =	sdelay $0x1  }
0x214: {  	v14 =	vmax.f32 v23, v37  }
0x215: {  	v23 =	vperm.xlane v14, v5  }
0x216: {  	vm6 =	veq.s32 v36, v0  }
0x217: {  	v23 =	vmax.f32 v14, v23;
	v14 =	vnsel vm5, $0xFF61B1E6, v42;
	v22 =	vnsel vm6, $0xFF61B1E6, v53  }
0x218: {  	v0 =	vmax.f32 v14, v22  }
0x219: {  	[tilespmem:$0x1F670] =	vst v0;
	v0 =	vld [tilespmem:$0x1FFC0];
	_ =	sdelay $0x4  }
0x21a: {  	vm7 =	veq.s32 v36, v0;
	v0 =	vld [tilespmem:$0x1FC90];
	_ =	sdelay $0x4  }
0x21b: {  	vm8 =	veq.s32 v36, v0;
	v0 =	vlaneseq.u32  }
0x21c: {  	vm9 =	veq.s32 v36, v0;
	v0 =	vld [tilespmem:$0x1FC60];
	_ =	sdelay $0x4  }
0x21d: {  	v3 =	vmovc v53;
	v14 =	vnsel vm7, $0xFF61B1E6, v25;
	v22 =	vnsel vm8, $0xFF61B1E6, v44;
	vm10 =	veq.s32 v36, v0  }
0x21e: {  	v53 =	vmovc v57;
	v57 =	vmovc v58;
	v48 =	vnsel vm9, $0xFF61B1E6, v58;
	v0 =	vmax.f32 v14, v22;
	v58 =	vnsel vm10, $0xFF61B1E6, v56  }
0x21f: {  	[tilespmem:$0x1F680] =	vst v0;
	v0 =	vmax.f32 v48, v58  }
0x220: {  	[tilespmem:$0x1F690] =	vst v0;
	v0 =	vld [tilespmem:$0x1F6A0];
	_ =	sdelay $0x4  }
0x221: {  	vm1 =	veq.s32 v36, v0;
	v0 =	vld [tilespmem:$0x1F6B0];
	_ =	sdelay $0x4  }
0x222: {  	vm11 =	veq.s32 v36, v0;
	v0 =	vimm.s32 $0x0  }
0x223: {  	v0 =	vsel vm11, $0xFFFFFFFF, v0  }
0x224: {  	[tilespmem:$0x1FAB0] =	vst v0;
	v0 =	vld [tilespmem:$0x1F6C0];
	_ =	sdelay $0x4  }
0x225: {  	vm5 =	veq.s32 v36, v0;
	v0 =	vld [tilespmem:$0x1F6D0];
	_ =	sdelay $0x4  }
0x226: {  	vm6 =	veq.s32 v36, v0;
	v0 =	vld [tilespmem:$0x1F6E0];
	_ =	sdelay $0x4  }
0x227: {  	vm7 =	veq.s32 v36, v0;
	v0 =	vld [tilespmem:$0x1F6F0];
	_ =	sdelay $0x4  }
0x228: {  	vm8 =	veq.s32 v36, v0;
	v0 =	vld [tilespmem:$0x1F700];
	_ =	sdelay $0x4  }
0x229: {  	vm9 =	veq.s32 v36, v0;
	v0 =	vld [tilespmem:$0x1F710];
	_ =	sdelay $0x4  }
0x22a: {  	vm10 =	veq.s32 v36, v0;
	v0 =	vld [tilespmem:$0x1F720];
	_ =	sdelay $0x4  }
0x22b: {  	vm11 =	veq.s32 v36, v0;
	v0 =	vld [tilespmem:$0x1FF40];
	_ =	sdelay $0x4  }
0x22c: {  	vm12 =	veq.s32 v36, v0;
	v0 =	vld [tilespmem:$0x1FF50];
	_ =	sdelay $0x4  }
0x22d: {  	vm13 =	veq.s32 v36, v0;
	v0 =	vld [tilespmem:$0x1FF60];
	_ =	sdelay $0x4  }
0x22e: {  	vm14 =	veq.s32 v36, v0;
	v0 =	vld [tilespmem:$0x1FF00];
	_ =	sdelay $0x4  }
0x22f: {  	vm3 =	veq.s32 v36, v0;
	v0 =	vld [tilespmem:$0x1FF70];
	_ =	sdelay $0x3  }
0x230: {  	[tilespmem:$0x1F630] =	vst v4;
	v4 =	vnsel vm6, $0xFF61B1E6, v1  }
0x231: {  	[tilespmem:$0x1F750] =	vst v4;
	v4 =	vnsel vm8, $0xFF61B1E6, v40;
	vm2 =	veq.s32 v36, v0;
	v0 =	vld [tilespmem:$0x1FF10]  }
0x232: {  	[tilespmem:$0x1F760] =	vst v4;
	v4 =	vnsel vm7, $0xFF61B1E6, v63  }
0x233: {  	[tilespmem:$0x1F770] =	vst v4;
	v4 =	vnsel vm9, $0xFF61B1E6, v52  }
0x234: {  	[tilespmem:$0x1F780] =	vst v4;
	v4 =	vnsel vm10, $0xFF61B1E6, v39  }
0x235: {  	[tilespmem:$0x1F790] =	vst v4;
	v4 =	vnsel vm11, $0xFF61B1E6, v32  }
0x236: {  	[tilespmem:$0x1F7A0] =	vst v4;
	v4 =	vld [tilespmem:$0x1FEC0];
	vm4 =	veq.s32 v36, v0;
	v0 =	vnsel vm1, $0xFF61B1E6, v54  }
0x237: {  	[tilespmem:$0x1F730] =	vst v0;
	v0 =	vld [tilespmem:$0x1FF20];
	_ =	sdelay $0x4  }
0x238: {  	vm1 =	veq.s32 v36, v0;
	v0 =	vnsel vm5, $0xFF61B1E6, v13;
	vm5 =	veq.s32 v36, v4;
	v4 =	vld [tilespmem:$0x1FED0];
	_ =	sdelay $0x4  }
0x239: {  	vm6 =	veq.s32 v36, v4;
	v4 =	vld [tilespmem:$0x1FF30];
	_ =	sdelay $0x4  }
0x23a: {  	vm7 =	veq.s32 v36, v4;
	v4 =	vld [tilespmem:$0x1FE80];
	_ =	sdelay $0x4  }
0x23b: {  	vm8 =	veq.s32 v36, v4;
	v4 =	vld [tilespmem:$0x1FEE0];
	_ =	sdelay $0x4  }
0x23c: {  	vm9 =	veq.s32 v36, v4;
	v4 =	vld [tilespmem:$0x1FE90];
	_ =	sdelay $0x4  }
0x23d: {  	vm11 =	veq.s32 v36, v4;
	v4 =	vnsel vm12, $0xFF61B1E6, v11  }
0x23e: {  	[tilespmem:$0x1F7B0] =	vst v4;
	v4 =	vld [tilespmem:$0x1FEA0];
	_ =	sdelay $0x4  }
0x23f: {  	vm12 =	veq.s32 v36, v4;
	v4 =	vnsel vm13, $0xFF61B1E6, v8  }
0x240: {  	[tilespmem:$0x1F7C0] =	vst v4;
	v4 =	vld [tilespmem:$0x1FEB0];
	_ =	sdelay $0x4  }
0x241: {  	vm13 =	veq.s32 v36, v4;
	v4 =	vnsel vm14, $0xFF61B1E6, v31  }
0x242: {  	[tilespmem:$0x1F7D0] =	vst v4;
	v4 =	vld [tilespmem:$0x1FE40];
	_ =	sdelay $0x4  }
0x243: {  	vm14 =	veq.s32 v36, v4;
	v4 =	vnsel vm3, $0xFF61B1E6, v26  }
0x244: {  	[tilespmem:$0x1F7E0] =	vst v4;
	v4 =	vld [tilespmem:$0x1FE50];
	_ =	sdelay $0x4  }
0x245: {  	vm3 =	veq.s32 v36, v4;
	v4 =	vnsel vm4, $0xFF61B1E6, v45  }
0x246: {  	[tilespmem:$0x1F7F0] =	vst v4;
	v4 =	vld [tilespmem:$0x1FE60];
	_ =	sdelay $0x4  }
0x247: {  	vm4 =	veq.s32 v36, v4;
	v4 =	vnsel vm2, $0xFF61B1E6, v15  }
0x248: {  	[tilespmem:$0x1F800] =	vst v4;
	v4 =	vld [tilespmem:$0x1FE00];
	_ =	sdelay $0x4  }
0x249: {  	vm2 =	veq.s32 v36, v4;
	v4 =	vnsel vm5, $0xFF61B1E6, v35  }
0x24a: {  	[tilespmem:$0x1F810] =	vst v4;
	v4 =	vld [tilespmem:$0x1FE10];
	_ =	sdelay $0x4  }
0x24b: {  	vm5 =	veq.s32 v36, v4;
	v4 =	vnsel vm1, $0xFF61B1E6, v17  }
0x24c: {  	[tilespmem:$0x1F820] =	vst v4;
	v4 =	vld [tilespmem:$0x1FE70];
	_ =	sdelay $0x4  }
0x24d: {  	vm1 =	veq.s32 v36, v4;
	v4 =	vnsel vm7, $0xFF61B1E6, v7  }
0x24e: {  	[tilespmem:$0x1F830] =	vst v4;
	v4 =	vld [tilespmem:$0x1FDC0];
	_ =	sdelay $0x4  }
0x24f: {  	vm7 =	veq.s32 v36, v4;
	v4 =	vnsel vm6, $0xFF61B1E6, v19  }
0x250: {  	[tilespmem:$0x1F840] =	vst v4;
	v4 =	vld [tilespmem:$0x1FE20];
	_ =	sdelay $0x3  }
0x251: {  	[tilespmem:$0x1F740] =	vst v0;
	v0 =	vsub.f32 v13, v23;
	v13 =	vsub.f32 v52, v23  }
0x252: {  	v52 =	vsub.f32 v32, v23;
	v32 =	vld [tilespmem:$0x1FEF0];
	vm6 =	veq.s32 v36, v4;
	v4 =	vnsel vm9, $0xFF61B1E6, v29  }
0x253: {  	[tilespmem:$0x1F850] =	vst v4;
	v4 =	vld [tilespmem:$0x1FE30];
	_ =	sdelay $0x3  }
0x254: {  	vm10 =	veq.s32 v36, v32  }
0x255: {  	vm9 =	veq.s32 v36, v4;
	v4 =	vnsel vm10, $0xFF61B1E6, v9  }
0x256: {  	[tilespmem:$0x1F870] =	vst v4;
	v4 =	vld [tilespmem:$0x1FDD0];
	_ =	sdelay $0x4  }
0x257: {  	vm10 =	veq.s32 v36, v4;
	v4 =	vnsel vm8, $0xFF61B1E6, v60  }
0x258: {  	[tilespmem:$0x1F890] =	vst v4;
	v4 =	vld [tilespmem:$0x1FDE0];
	_ =	sdelay $0x4  }
0x259: {  	vm8 =	veq.s32 v36, v4;
	v4 =	vnsel vm11, $0xFF61B1E6, v28  }
0x25a: {  	[tilespmem:$0x1F8A0] =	vst v4;
	v4 =	vld [tilespmem:$0x1FDF0];
	_ =	sdelay $0x2  }
0x25b: {  	v37 =	vsub.f32 v1, v23;
	v1 =	vld [tilespmem:$0x1F900];
	_ =	sdelay $0x1  }
0x25c: {  	vm11 =	veq.s32 v36, v4;
	v4 =	vnsel vm12, $0xFF61B1E6, v6  }
0x25d: {  	[tilespmem:$0x1F8C0] =	vst v4;
	v4 =	vnsel vm14, $0xFF61B1E6, v59  }
0x25e: {  	[tilespmem:$0x1F8D0] =	vst v4;
	v4 =	vnsel vm3, $0xFF61B1E6, v49  }
0x25f: {  	[tilespmem:$0x1F8F0] =	vst v4;
	v4 =	vnsel vm13, $0xFF61B1E6, v1;
	v1 =	vld [tilespmem:$0x1FD40];
	_ =	sdelay $0x4  }
0x260: {  	vm13 =	veq.s32 v36, v1;
	v1 =	vld [tilespmem:$0x1FD50];
	_ =	sdelay $0x4  }
0x261: {  	vm3 =	veq.s32 v36, v1;
	v1 =	vld [tilespmem:$0x1FDB0];
	_ =	sdelay $0x4  }
0x262: {  	vm0 =	veq.s32 v36, v1;
	v1 =	vnsel vm2, $0xFF61B1E6, v51  }
0x263: {  	[tilespmem:$0x1F960] =	vst v1;
	v1 =	vld [tilespmem:$0x1FD00];
	_ =	sdelay $0x4  }
0x264: {  	[tilespmem:$0x1F920] =	vst v4;
	v4 =	vnsel vm4, $0xFF61B1E6, v61;
	vm4 =	veq.s32 v36, v1;
	v1 =	vimm.s32 $0x0  }
0x265: {  	v1 =	vsel vm4, $0xFFFFFFFF, v1  }
0x266: {  	[tilespmem:$0x1FB70] =	vst v1;
	v1 =	vld [tilespmem:$0x1FD60];
	_ =	sdelay $0x4  }
0x267: {  	vm2 =	veq.s32 v36, v1;
	v1 =	vld [tilespmem:$0x1FD70];
	_ =	sdelay $0x4  }
0x268: {  	[tilespmem:$0x1F940] =	vst v4;
	v4 =	vnsel vm1, $0xFF61B1E6, v10;
	vm1 =	veq.s32 v36, v1;
	v1 =	vld [tilespmem:$0x1FD10];
	_ =	sdelay $0x4  }
0x269: {  	vm4 =	veq.s32 v36, v1;
	v1 =	vnsel vm7, $0xFF61B1E6, v62  }
0x26a: {  	[tilespmem:$0x1F9C0] =	vst v1;
	v1 =	vld [tilespmem:$0x1FD20];
	_ =	sdelay $0x3  }
0x26b: {  	[tilespmem:$0x1FAD0] =	vst v2  }
0x26c: {  	v2 =	vld [tilespmem:$0x1FD80];
	[tilespmem:$0x1F950] =	vst v4;
	v4 =	vnsel vm5, $0xFF61B1E6, v43;
	vm5 =	veq.s32 v36, v1;
	v1 =	vnsel vm10, $0xFF61B1E6, v33  }
0x26d: {  	[tilespmem:$0x1F9D0] =	vst v1;
	v1 =	vld [tilespmem:$0x1FD30];
	_ =	sdelay $0x3  }
0x26e: {  	v38 =	vsub.f32 v40, v23;
	vm12 =	veq.s32 v36, v2  }
0x26f: {  	v40 =	vld [tilespmem:$0x1F910];
	[tilespmem:$0x1F970] =	vst v4;
	v4 =	vnsel vm6, $0xFF61B1E6, v18;
	vm6 =	veq.s32 v36, v1;
	v1 =	vnsel vm12, $0xFF61B1E6, v21  }
0x270: {  	[tilespmem:$0x1F9E0] =	vst v1;
	v1 =	vld [tilespmem:$0x1FCC0];
	_ =	sdelay $0x4  }
0x271: {  	vm7 =	veq.s32 v36, v1;
	v1 =	vnsel vm8, $0xFF61B1E6, v40  }
0x272: {  	[tilespmem:$0x1F9F0] =	vst v1;
	v1 =	vld [tilespmem:$0x1FCD0];
	_ =	sdelay $0x3  }
0x273: {  	v48 =	vld [tilespmem:$0x1FA20]  }
0x274: {  	v2 =	vld [tilespmem:$0x1FD90];
	vm8 =	veq.s32 v36, v1;
	v1 =	vnsel vm11, $0xFF61B1E6, v27  }
0x275: {  	[tilespmem:$0x1FA40] =	vst v1;
	v1 =	vld [tilespmem:$0x1FCE0];
	_ =	sdelay $0x3  }
0x276: {  	vm14 =	veq.s32 v36, v2  }
0x277: {  	v2 =	vld [tilespmem:$0x1FDA0];
	[tilespmem:$0x1F990] =	vst v4;
	v4 =	vnsel vm9, $0xFF61B1E6, v12;
	vm9 =	veq.s32 v36, v1;
	v1 =	vnsel vm14, $0xFF61B1E6, v48  }
0x278: {  	[tilespmem:$0x1FA50] =	vst v1;
	v1 =	vld [tilespmem:$0x1FCF0];
	_ =	sdelay $0x3  }
0x279: {  	vm15 =	veq.s32 v36, v2  }
0x27a: {  	vm11 =	veq.s32 v36, v1;
	v1 =	vnsel vm15, $0xFF61B1E6, v24  }
0x27b: {  	[tilespmem:$0x1FA60] =	vst v1;
	v1 =	vld [tilespmem:$0x1FCA0];
	_ =	sdelay $0x4  }
0x27c: {  	vm12 =	veq.s32 v36, v1;
	v1 =	vnsel vm13, $0xFF61B1E6, v47  }
0x27d: {  	[tilespmem:$0x1FA70] =	vst v1;
	v1 =	vld [tilespmem:$0x1FFE0];
	_ =	sdelay $0x4  }
0x27e: {  	[tilespmem:$0x1F880] =	vst v60;
	vm10 =	veq.s32 v36, v1;
	v1 =	vld [tilespmem:$0x1FCB0]  }
0x27f: {  	[tilespmem:$0x1F930] =	vst v61  }
0x280: {  	[tilespmem:$0x1F8E0] =	vst v49  }
0x281: {  	[tilespmem:$0x1FA80] =	vst v30  }
0x282: {  	[tilespmem:$0x1FB50] =	vst v34  }
0x283: {  	[tilespmem:$0x1F980] =	vst v18;
	vm13 =	veq.s32 v36, v1;
	v1 =	vld [tilespmem:$0x1FC70]  }
0x284: {  	[tilespmem:$0x1F9A0] =	vst v12  }
0x285: {  	[tilespmem:$0x1FA00] =	vst v27  }
0x286: {  	[tilespmem:$0x1F8B0] =	vst v6;
	v20 =	vmov v35;
	v35 =	vmul.f32 $1.442695020e+00, v0;
	v0 =	vmul.f32 $1.442695020e+00, v37  }
0x287: {  	[tilespmem:$0x1F860] =	vst v9  }
0x288: {  	[tilespmem:$0x1FAC0] =	vst v0;
	v0 =	vmul.f32 $1.442695020e+00, v52;
	vm14 =	veq.s32 v36, v1;
	v1 =	vld [tilespmem:$0x1FAB0]  }
0x289: {  	[tilespmem:$0x1F5B0] =	vst v29;
	v37 =	vmul.f32 $1.442695020e+00, v13;
	v13 =	vmov v20;
	v20 =	vld [tilespmem:$0x1FB10]  }
0x28a: {  	v16 =	vmov v42;
	v42 =	vmov v25;
	[tilespmem:$0x1FAE0] =	vst v0;
	v0 =	vld [tilespmem:$0x1FB70]  }
0x28b: {  	v25 =	vsub.f32 v54, v23;
	v54 =	vmovc v40;
	[tilespmem:$0x1F9B0] =	vst v4;
	v4 =	vnsel vm0, $0xFF61B1E6, v30;
	v40 =	vsub.f32 v26, v23;
	v26 =	vld [tilespmem:$0x1FB20]  }
0x28c: {  	v49 =	vld [tilespmem:$0x1FA30];
	[tilespmem:$0x1FA90] =	vst v4;
	v4 =	vnsel vm3, $0xFF61B1E6, v41  }
0x28d: {  	[tilespmem:$0x1FAA0] =	vst v4;
	v2 =	vnsel vm1, $0xFF61B1E6, v34;
	vm3 =	vnez.u8 v1;
	v1 =	vld [tilespmem:$0x1FB00]  }
0x28e: {  	v52 =	vld [tilespmem:$0x1FAF0];
	[tilespmem:$0x1FB60] =	vst v2;
	v12 =	vnsel vm5, $0xFF61B1E6, v50  }
0x28f: {  	vm0 =	vcmask $0x3F20;
	v30 =	vld [tilespmem:$0x1FB30];
	[tilespmem:$0x1FBA0] =	vst v12;
	v12 =	vnsel vm6, $0xFF61B1E6, v20  }
0x290: {  	[tilespmem:$0x1FBB0] =	vst v12;
	vm15 =	vmand vm3, vm0;
	vm0 =	vnez.u8 v0;
	v0 =	vnsel vm7, $0xFF61B1E6, v26  }
0x291: {  	[tilespmem:$0x1FBC0] =	vst v0;
	v0 =	vnsel vm8, $0xFF61B1E6, v49  }
0x292: {  	v27 =	vld [tilespmem:$0x1FA10];
	[tilespmem:$0x1FBD0] =	vst v0;
	v0 =	vnsel vm12, $0xFF61B1E6, v1  }
0x293: {  	v39 =	vsub.f32 v39, v23;
	v60 =	vmovc v28;
	v28 =	vmov v59;
	v59 =	vld [tilespmem:$0x1FAD0];
	[tilespmem:$0x1FC00] =	vst v0;
	v0 =	vnsel vm13, $0xFF61B1E6, v52  }
0x294: {  	v5 =	vsub.f32 v63, v23;
	v22 =	vmovc v8;
	v14 =	vmov v43;
	[tilespmem:$0x1FC10] =	vst v0;
	v0 =	vnsel vm10, $0xFF61B1E6, v30  }
0x295: {  	v22 =	vsub.f32 v22, v23;
	v63 =	vmovc v21;
	v58 =	vmul.f32 $1.442695020e+00, v39;
	v8 =	vmovc v33;
	v12 =	vnsel vm9, $0xFF61B1E6, v55;
	[tilespmem:$0x1FC20] =	vst v0;
	v0 =	vld [tilespmem:$0x1FC30]  }
0x296: {  	v7 =	vsub.f32 v7, v23;
	v29 =	vmovc v51;
	v4 =	vsub.f32 v11, v23;
	[tilespmem:$0x1FBE0] =	vst v12;
	v2 =	vnsel vm0, $0xFF61B1E6, v53  }
0x297: {  	v6 =	vmovc v41;
	v43 =	vsub.f32 v31, v23;
	v51 =	vmovc v62;
	v12 =	vnsel vm11, $0xFF61B1E6, v27;
	[tilespmem:$0x1FB80] =	vst v2;
	v2 =	vnsel vm4, $0xFF61B1E6, v46  }
0x298: {  	v41 =	vsub.f32 v45, v23;
	v62 =	vmovc v47;
	[tilespmem:$0x1FBF0] =	vst v12;
	v47 =	vsub.f32 v15, v23;
	v15 =	vnsel vm2, $0xFF61B1E6, v59  }
0x299: {  	v18 =	vmovc v46;
	v45 =	vsub.f32 v17, v23;
	v33 =	vmul.f32 $1.442695020e+00, v25;
	v21 =	vmovc v24;
	[tilespmem:$0x1FB40] =	vst v15;
	v36 =	vmul.f32 $1.442695020e+00, v5  }
0x29a: {  	p0 =	por p1, p1;
	s15 =	simm.s32 $0x7D0;
	v5 =	vmul.f32 $1.442695020e+00, v38;
	v38 =	vmul.f32 $1.442695020e+00, v4;
	[tilespmem:$0x1FB90] =	vst v2;
	v2 =	vmovc v50;
	v4 =	vmovc v0;
	v15 =	vnsel vm14, $0xFF61B1E6, v0  }
.LBB2_3:
0x29b: {  	v0 =	vmul.f32 $1.442695020e+00, v43  }
0x29c: {  	[tilespmem:$0x1EE00] =	vst v5;
	v5 =	vld [tilespmem:$0x1F8B0]  }
0x29d: {  	[tilespmem:$0x1EDE0] =	vst v0;
	v0 =	vmul.f32 $1.442695020e+00, v47;
	_ =	sdelay $0x1  }
0x29e: {  	[tilespmem:$0x1EDF0] =	vst v0;
	v0 =	vld [tilespmem:$0x1F5B0];
	_ =	sdelay $0x1  }
0x29f: {  	v31 =	vsub.f32 v5, v23;
	v5 =	vld [tilespmem:$0x1F900];
	_ =	sdelay $0x2  }
0x2a0: {  	v50 =	vsub.f32 v0, v23  }
0x2a1: {  	v34 =	vsub.f32 v13, v23;
	(erf) = vpow2.f32 v33;
	v0 =	vld [tilespmem:$0x1F860]  }
0x2a2: {  	v32 =	vmul.f32 $1.442695020e+00, v50;
	v50 =	vsub.f32 v60, v23;
	v60 =	vsub.f32 v5, v23;
	v5 =	vld [tilespmem:$0x1F8E0]  }
0x2a3: {  	v39 =	vsub.f32 v19, v23;
	v22 =	vmul.f32 $1.442695020e+00, v22;
	v40 =	vmul.f32 $1.442695020e+00, v40  }
0x2a4: {  	v10 =	vsub.f32 v10, v23;
	v41 =	vmul.f32 $1.442695020e+00, v41;
	(erf) = vpow2.f32 v35  }
0x2a5: {  	v11 =	vsub.f32 v51, v23;
	v61 =	vmul.f32 $1.442695020e+00, v45;
	(erf) = vpow2.f32 v36  }
0x2a6: {  	(erf) = vpow2.f32 v37;
	v17 =	vsub.f32 v0, v23;
	v0 =	vmul.f32 $1.442695020e+00, v7;
	v7 =	vld [tilespmem:$0x1F880]  }
0x2a7: {  	v34 =	vmul.f32 $1.442695020e+00, v34;
	(erf) = vpow2.f32 v38;
	v12 =	vsub.f32 v5, v23;
	v5 =	vld [tilespmem:$0x1F930]  }
0x2a8: {  	v51 =	vsub.f32 v53, v23;
	v39 =	vmul.f32 $1.442695020e+00, v39;
	(erf) = vpow2.f32 v22  }
0x2a9: {  	v53 =	vsub.f32 v26, v23;
	v37 =	vmul.f32 $1.442695020e+00, v10;
	(erf) = vpow2.f32 v40  }
0x2aa: {  	v46 =	vsub.f32 v28, v23;
	v40 =	vmul.f32 $1.442695020e+00, v11;
	(erf) = vpow2.f32 v41  }
0x2ab: {  	v13 =	vsub.f32 v14, v23;
	v41 =	vmul.f32 $1.442695020e+00, v53;
	v36 =	vmul.f32 $1.442695020e+00, v31  }
0x2ac: {  	(erf) = vpow2.f32 v34;
	v45 =	vsub.f32 v7, v23;
	v47 =	vsub.f32 v5, v23;
	v5 =	vld [tilespmem:$0x1F980]  }
0x2ad: {  	v31 =	vmul.f32 $1.442695020e+00, v46;
	(erf) = vpow2.f32 v39  }
0x2ae: {  	v39 =	vmul.f32 $1.442695020e+00, v13;
	v33 =	vmul.f32 $1.442695020e+00, v45  }
0x2af: {  	v22 =	vmul.f32 $1.442695020e+00, v12;
	v12 =	vsub.f32 v29, v23;
	v45 =	vmul.f32 $1.442695020e+00, v50  }
0x2b0: {  	v35 =	vmul.f32 $1.442695020e+00, v60;
	v29 =	vpop (erf);
	(erf) = vpow2.f32 v33  }
0x2b1: {  	v60 =	vsub.f32 v54, v23;
	v9 =	vpop (erf);
	(erf) = vpow2.f32 v45;
	v7 =	vsub.f32 v5, v23;
	v5 =	vld [tilespmem:$0x1F9A0]  }
0x2b2: {  	v54 =	vsub.f32 v6, v23;
	v10 =	vpop (erf);
	v50 =	vmul.f32 $1.442695020e+00, v12;
	(erf) = vpow2.f32 v31  }
0x2b3: {  	v6 =	vmul.f32 $1.442695020e+00, v51;
	v12 =	vpop (erf);
	(erf) = vpow2.f32 v22;
	v22 =	vsub.f32 v63, v23  }
0x2b4: {  	v13 =	vpop (erf);
	(erf) = vpow2.f32 v50;
	v43 =	vmul.f32 $1.442695020e+00, v7;
	v7 =	vsub.f32 v8, v23  }
0x2b5: {  	v31 =	vpop (erf);
	v63 =	vsub.f32 v48, v23;
	v48 =	vmul.f32 $1.442695020e+00, v60;
	(erf) = vpow2.f32 v39  }
0x2b6: {  	v33 =	vpop (erf);
	v22 =	vmul.f32 $1.442695020e+00, v22;
	v46 =	vmul.f32 $1.442695020e+00, v7;
	v5 =	vsub.f32 v5, v23  }
0x2b7: {  	v34 =	vpop (erf);
	v39 =	vsub.f32 v62, v23;
	v50 =	vmul.f32 $1.442695020e+00, v63;
	(erf) = vpow2.f32 v40  }
0x2b8: {  	v60 =	vpop (erf);
	v40 =	vmul.f32 $1.442695020e+00, v54;
	(erf) = vpow2.f32 v46  }
0x2b9: {  	v39 =	vmul.f32 $1.442695020e+00, v39;
	(erf) = vpow2.f32 v22  }
0x2ba: {  	v45 =	vmul.f32 $1.442695020e+00, v5;
	v22 =	vsub.f32 v18, v23;
	v5 =	vpop (erf);
	(erf) = vpow2.f32 v50  }
0x2bb: {  	v38 =	vmul.f32 $1.442695020e+00, v47;
	v8 =	vsub.f32 v49, v23;
	v7 =	vpop (erf);
	(erf) = vpow2.f32 v39  }
0x2bc: {  	v63 =	vsub.f32 v44, v23;
	v22 =	vmul.f32 $1.442695020e+00, v22;
	v24 =	vpop (erf);
	(erf) = vpow2.f32 v40  }
0x2bd: {  	v54 =	vsub.f32 v16, v23;
	v50 =	vmul.f32 $1.442695020e+00, v8;
	v25 =	vpop (erf);
	(erf) = vpow2.f32 v6  }
0x2be: {  	v8 =	vmul.f32 $1.442695020e+00, v63;
	v6 =	vsub.f32 v42, v23;
	v39 =	vpop (erf);
	(erf) = vpow2.f32 v22  }
0x2bf: {  	v62 =	vsub.f32 v3, v23;
	v22 =	vmul.f32 $1.442695020e+00, v54;
	v46 =	vpop (erf);
	(erf) = vpow2.f32 v41  }
0x2c0: {  	v3 =	vmul.f32 $1.442695020e+00, v6;
	v47 =	vpop (erf);
	(erf) = vpow2.f32 v50  }
0x2c1: {  	v44 =	vsub.f32 v57, v23;
	v6 =	vmul.f32 $1.442695020e+00, v62;
	v49 =	vpop (erf);
	(erf) = vpow2.f32 v22  }
0x2c2: {  	v50 =	vsub.f32 v56, v23;
	v22 =	vsub.f32 v30, v23;
	v41 =	vpop (erf);
	(erf) = vpow2.f32 v3  }
0x2c3: {  	v3 =	vmul.f32 $1.442695020e+00, v44;
	v51 =	vpop (erf);
	(erf) = vpow2.f32 v6  }
0x2c4: {  	v56 =	vsub.f32 v4, v23;
	v11 =	vmul.f32 $1.442695020e+00, v22;
	v40 =	vpop (erf);
	(erf) = vpow2.f32 v8  }
0x2c5: {  	v4 =	vmul.f32 $1.442695020e+00, v50;
	v44 =	vpop (erf);
	(erf) = vpow2.f32 v3  }
0x2c6: {  	v6 =	vsub.f32 v1, v23;
	v1 =	vmul.f32 $1.442695020e+00, v56;
	v50 =	vpop (erf);
	(erf) = vpow2.f32 v11  }
0x2c7: {  	v22 =	vpop (erf);
	(erf) = vpow2.f32 v4  }
0x2c8: {  	v42 =	vpop (erf);
	(erf) = vpow2.f32 v1;
	v1 =	vld [tilespmem:$0x1FB50];
	_ =	sdelay $0x2  }
0x2c9: {  	v57 =	vsub.f32 v52, v23  }
0x2ca: {  	v28 =	vsub.f32 v55, v23;
	v26 =	vsub.f32 v27, v23;
	v3 =	vmul.f32 $1.442695020e+00, v6  }
0x2cb: {  	v11 =	vsub.f32 v20, v23;
	v4 =	vmul.f32 $1.442695020e+00, v57;
	v53 =	vpop (erf);
	v20 =	vsub.f32 v1, v23;
	v1 =	vld [tilespmem:$0x1FA80]  }
0x2cc: {  	v27 =	vsub.f32 v2, v23;
	v8 =	vmul.f32 $1.442695020e+00, v28;
	(erf) = vpow2.f32 v3;
	v6 =	vpop (erf)  }
0x2cd: {  	v2 =	vmul.f32 $1.442695020e+00, v26;
	v55 =	vpop (erf);
	(erf) = vpow2.f32 v4  }
0x2ce: {  	v27 =	vmul.f32 $1.442695020e+00, v27;
	v54 =	vpop (erf);
	(erf) = vpow2.f32 v8  }
0x2cf: {  	v28 =	vpop (erf);
	(erf) = vpow2.f32 v2  }
0x2d0: {  	v26 =	vpop (erf);
	(erf) = vpow2.f32 v27;
	v27 =	vsub.f32 v1, v23;
	v1 =	vld [tilespmem:$0x1FA00];
	_ =	sdelay $0x2  }
0x2d1: {  	v18 =	vsub.f32 v21, v23;
	v11 =	vmul.f32 $1.442695020e+00, v11  }
0x2d2: {  	v19 =	vsub.f32 v59, v23  }
0x2d3: {  	v62 =	vpop (erf);
	(erf) = vpow2.f32 v11;
	v11 =	vmul.f32 $1.442695020e+00, v18;
	v18 =	vsub.f32 v1, v23;
	v1 =	vld [tilespmem:$0x1FC20];
	_ =	sdelay $0x1  }
0x2d4: {  	v3 =	vmul.f32 $1.442695020e+00, v19  }
0x2d5: {  	v20 =	vmul.f32 $1.442695020e+00, v20  }
0x2d6: {  	v63 =	vpop (erf);
	(erf) = vpow2.f32 v3  }
0x2d7: {  	v19 =	vpop (erf);
	(erf) = vpow2.f32 v20;
	v1 =	vmax.f32 v1, v15;
	v15 =	vmul.f32 $1.442695020e+00, v27  }
0x2d8: {  	v21 =	vpop (erf);
	(erf) = vpow2.f32 v11;
	v18 =	vmul.f32 $1.442695020e+00, v18  }
0x2d9: {  	v11 =	vadd.f32 v19, v62;
	v19 =	vadd.f32 v21, v63;
	v21 =	vpop (erf);
	(erf) = vpow2.f32 v15  }
0x2da: {  	v27 =	vpop (erf);
	(erf) = vpow2.f32 v48  }
0x2db: {  	v11 =	vadd.f32 v11, v21;
	v3 =	vadd.f32 v19, v27;
	v21 =	vpop (erf);
	(erf) = vpow2.f32 v18  }
0x2dc: {  	v18 =	vpop (erf);
	(erf) = vpow2.f32 v43  }
0x2dd: {  	v11 =	vadd.f32 v11, v21;
	v18 =	vadd.f32 v3, v18;
	v19 =	vpop (erf);
	(erf) = vpow2.f32 v45  }
0x2de: {  	v21 =	vpop (erf);
	(erf) = vpow2.f32 v38  }
0x2df: {  	v11 =	vadd.f32 v11, v19;
	v18 =	vadd.f32 v18, v21;
	v19 =	vpop (erf);
	(erf) = vpow2.f32 v37  }
0x2e0: {  	v17 =	vmul.f32 $1.442695020e+00, v17;
	v21 =	vpop (erf);
	(erf) = vpow2.f32 v36  }
0x2e1: {  	v11 =	vadd.f32 v11, v19;
	v18 =	vadd.f32 v18, v21;
	v19 =	vpop (erf);
	(erf) = vpow2.f32 v35  }
0x2e2: {  	v21 =	vpop (erf);
	(erf) = vpow2.f32 v32  }
0x2e3: {  	v11 =	vadd.f32 v11, v19;
	v19 =	vpop (erf);
	(erf) = vpow2.f32 v17  }
0x2e4: {  	v17 =	vpop (erf);
	(erf) = vpow2.f32 v61  }
0x2e5: {  	v15 =	vadd.f32 v28, v55;
	v3 =	vadd.f32 v18, v21;
	v18 =	vpop (erf);
	(erf) = vpow2.f32 v0;
	v0 =	vld [tilespmem:$0x1EDE0];
	_ =	sdelay $0x1  }
0x2e6: {  	v15 =	vadd.f32 v15, v53;
	_ =	sdelay $0x1  }
0x2e7: {  	v15 =	vadd.f32 v15, v22  }
0x2e8: {  	v16 =	vpop (erf);
	(erf) = vpow2.f32 v0;
	v0 =	vld [tilespmem:$0x1EDF0]  }
0x2e9: {  	v15 =	vadd.f32 v15, v44;
	_ =	sdelay $0x1  }
0x2ea: {  	v15 =	vadd.f32 v15, v51;
	_ =	sdelay $0x1  }
0x2eb: {  	v15 =	vadd.f32 v15, v49;
	v3 =	vadd.f32 v3, v17;
	v17 =	vpop (erf);
	(erf) = vpow2.f32 v0;
	v0 =	vld [tilespmem:$0x1FAE0]  }
0x2ec: {  	v26 =	vadd.f32 v26, v54;
	_ =	sdelay $0x1  }
0x2ed: {  	v2 =	vmov v58;
	v6 =	vadd.f32 v26, v6  }
0x2ee: {  	v4 =	vadd.f32 v15, v46;
	v15 =	vpop (erf);
	(erf) = vpow2.f32 v2  }
0x2ef: {  	v6 =	vadd.f32 v6, v42;
	v3 =	vadd.f32 v3, v16;
	v16 =	vpop (erf);
	(erf) = vpow2.f32 v0;
	v0 =	vld [tilespmem:$0x1FAC0];
	_ =	sdelay $0x1  }
0x2f0: {  	v6 =	vadd.f32 v6, v50  }
0x2f1: {  	v11 =	vadd.f32 v11, v19;
	v14 =	vadd.f32 v4, v25  }
0x2f2: {  	v6 =	vadd.f32 v6, v40  }
0x2f3: {  	v11 =	vadd.f32 v11, v18;
	v4 =	vadd.f32 v14, v7;
	v7 =	vpop (erf);
	(erf) = vpow2.f32 v0;
	v0 =	vld [tilespmem:$0x1EE00]  }
0x2f4: {  	v6 =	vadd.f32 v6, v41  }
0x2f5: {  	v2 =	vadd.f32 v11, v17  }
0x2f6: {  	v6 =	vadd.f32 v6, v47  }
0x2f7: {  	v15 =	vadd.f32 v3, v15;
	v3 =	vadd.f32 v2, v16;
	v2 =	vld [tilespmem:$0x1FBC0]  }
0x2f8: {  	v11 =	vpop (erf);
	(erf) = vpow2.f32 v0;
	v0 =	vld [tilespmem:$0x1F670]  }
0x2f9: {  	v6 =	vadd.f32 v6, v39;
	_ =	sdelay $0x1  }
0x2fa: {  	v6 =	vadd.f32 v6, v24  }
0x2fb: {  	v8 =	vld [tilespmem:$0x1FBD0]  }
0x2fc: {  	v0 =	vmax.f32 v0, v2;
	v2 =	vadd.f32 v4, v60;
	v4 =	vadd.f32 v6, v5;
	v6 =	vld [tilespmem:$0x1F680];
	_ =	sdelay $0x1  }
0x2fd: {  	v15 =	vadd.f32 v15, v7  }
0x2fe: {  	v5 =	vpop (erf)  }
0x2ff: {  	v5 =	vadd.f32 v15, v5;
	v15 =	vld [tilespmem:$0x1F690]  }
0x300: {  	v6 =	vmax.f32 v6, v8;
	v8 =	vld [tilespmem:$0x1FC00]  }
0x301: {  	v59 =	vld [tilespmem:$0x1F620];
	_ =	sdelay $0x1  }
0x302: {  	v3 =	vadd.f32 v3, v11;
	v7 =	vpop (erf)  }
0x303: {  	v2 =	vadd.f32 v2, v33;
	v14 =	vpop (erf)  }
0x304: {  	v3 =	vadd.f32 v3, v7;
	v5 =	vadd.f32 v5, v14;
	v7 =	vpop (erf);
	v15 =	vmax.f32 v15, v8;
	v8 =	vld [tilespmem:$0x1FC10]  }
0x305: {  	v20 =	vsub.f32 v59, v23;
	v2 =	vadd.f32 v2, v13;
	v13 =	vpop (erf)  }
0x306: {  	v3 =	vadd.f32 v3, v7;
	v5 =	vadd.f32 v5, v13;
	v7 =	vpop (erf)  }
0x307: {  	v2 =	vadd.f32 v2, v10;
	v10 =	vpop (erf)  }
0x308: {  	v11 =	vmul.f32 $1.442695020e+00, v20;
	v3 =	vadd.f32 v3, v7;
	v5 =	vadd.f32 v5, v10;
	v7 =	vpop (erf)  }
0x309: {  	v4 =	vadd.f32 v4, v34;
	v1 =	vmax.f32 v1, v8;
	v8 =	vpop (erf)  }
0x30a: {  	(erf) = vpow2.f32 v11;
	v11 =	vld [tilespmem:$0x1FB80];
	v3 =	vadd.f32 v3, v7;
	v5 =	vadd.f32 v5, v8  }
0x30b: {  	v8 =	vld [tilespmem:$0x1FA70]  }
0x30c: {  	v4 =	vadd.f32 v4, v31;
	v3 =	vadd.f32 v5, v3;
	v5 =	vld [tilespmem:$0x1F9E0]  }
0x30d: {  	v10 =	vld [tilespmem:$0x1FBE0]  }
0x30e: {  	v4 =	vadd.f32 v4, v12;
	v7 =	vld [tilespmem:$0x1FBA0]  }
0x30f: {  	v0 =	vmax.f32 v0, v11;
	v11 =	vld [tilespmem:$0x1FB90]  }
0x310: {  	v2 =	vadd.f32 v2, v29;
	v4 =	vadd.f32 v4, v9;
	v0 =	vmax.f32 v0, v8;
	v8 =	vld [tilespmem:$0x1FAA0]  }
0x311: {  	v0 =	vmax.f32 v0, v5;
	v5 =	vld [tilespmem:$0x1FA50]  }
0x312: {  	v2 =	vadd.f32 v4, v2;
	v4 =	vld [tilespmem:$0x1FB40];
	_ =	sdelay $0x1  }
0x313: {  	v9 =	vld [tilespmem:$0x1FBF0];
	v6 =	vmax.f32 v6, v11  }
0x314: {  	v10 =	vmax.f32 v15, v10;
	v6 =	vmax.f32 v6, v8;
	v8 =	vld [tilespmem:$0x1FBB0]  }
0x315: {  	v7 =	vmax.f32 v10, v7;
	v5 =	vmax.f32 v6, v5;
	v6 =	vld [tilespmem:$0x1FB60]  }
0x316: {  	v4 =	vmax.f32 v7, v4;
	v7 =	vld [tilespmem:$0x1FA90]  }
0x317: {  	v2 =	vadd.f32 v3, v2;
	v3 =	vld [tilespmem:$0x1FA60]  }
0x318: {  	v1 =	vmax.f32 v1, v9  }
0x319: {  	v1 =	vmax.f32 v1, v8  }
0x31a: {  	v6 =	vmax.f32 v1, v6;
	v1 =	vld [tilespmem:$0x1F9C0]  }
0x31b: {  	v6 =	vmax.f32 v6, v7;
	v7 =	vld [tilespmem:$0x1F960]  }
0x31c: {  	v3 =	vmax.f32 v4, v3;
	v4 =	vld [tilespmem:$0x1F9D0];
	_ =	sdelay $0x2  }
0x31d: {  	v0 =	vmax.f32 v0, v1  }
0x31e: {  	v7 =	vmax.f32 v0, v7;
	v0 =	vld [tilespmem:$0x1F9F0]  }
0x31f: {  	v4 =	vmax.f32 v5, v4;
	v5 =	vld [tilespmem:$0x1FFF0];
	_ =	sdelay $0x2  }
0x320: {  	v57 =	vld [tilespmem:$0x1FFB0]  }
0x321: {  	v8 =	vmax.f32 v3, v0;
	v0 =	vld [tilespmem:$0x1FA40]  }
0x322: {  	v10 =	vld [tilespmem:$0x1F990];
	vm0 =	vnez.u8 v5;
	v1 =	vpop (erf)  }
0x323: {  	v5 =	vsel vm0, $0x0, v1  }
0x324: {  	v2 =	vadd.f32 v2, v5;
	_ =	sdelay $0x1  }
0x325: {  	v9 =	vperm.xlane v2, v57;
	v6 =	vmax.f32 v6, v0;
	v0 =	vld [tilespmem:$0x1F970]  }
0x326: {  	v8 =	vmax.f32 v8, v10;
	v10 =	vld [tilespmem:$0x1F9B0]  }
0x327: {  	v2 =	vadd.f32 v2, v9;
	v9 =	vld [tilespmem:$0x1F950];
	_ =	sdelay $0x1  }
0x328: {  	v11 =	vld [tilespmem:$0x1F940]  }
0x329: {  	v3 =	vmax.f32 v4, v0;
	v4 =	vld [tilespmem:$0x1F8D0]  }
0x32a: {  	v6 =	vmax.f32 v6, v10;
	v10 =	vld [tilespmem:$0x1F890]  }
0x32b: {  	v6 =	vmax.f32 v6, v9;
	v9 =	vld [tilespmem:$0x1F810];
	_ =	sdelay $0x2  }
0x32c: {  	v4 =	vmax.f32 v7, v4;
	v7 =	vld [tilespmem:$0x1F8F0]  }
0x32d: {  	v8 =	vmax.f32 v8, v11;
	v11 =	vld [tilespmem:$0x1F8A0];
	v10 =	vmax.f32 v4, v10  }
0x32e: {  	v9 =	vmax.f32 v10, v9;
	v10 =	vld [tilespmem:$0x1F840];
	_ =	sdelay $0x2  }
0x32f: {  	v7 =	vmax.f32 v3, v7  }
0x330: {  	v7 =	vmax.f32 v7, v11  }
0x331: {  	v7 =	vmax.f32 v7, v10;
	v10 =	vld [tilespmem:$0x1F8C0]  }
0x332: {  	v11 =	vld [tilespmem:$0x1F850];
	_ =	sdelay $0x2  }
0x333: {  	v52 =	vld [tilespmem:$0x1FFA0]  }
0x334: {  	v8 =	vmax.f32 v8, v10;
	v10 =	vld [tilespmem:$0x1F920]  }
0x335: {  	v8 =	vmax.f32 v8, v11;
	v11 =	vld [tilespmem:$0x1F7E0];
	_ =	sdelay $0x3  }
0x336: {  	v6 =	vmax.f32 v6, v10;
	v10 =	vperm.xlane v2, v52  }
0x337: {  	v9 =	vmax.f32 v9, v11;
	v11 =	vld [tilespmem:$0x1F7F0]  }
0x338: {  	v2 =	vadd.f32 v2, v10;
	v10 =	vld [tilespmem:$0x1F820];
	_ =	sdelay $0x3  }
0x339: {  	v7 =	vmax.f32 v7, v11;
	v11 =	vld [tilespmem:$0x1F870]  }
0x33a: {  	v8 =	vmax.f32 v8, v10;
	v10 =	vld [tilespmem:$0x1F830];
	_ =	sdelay $0x3  }
0x33b: {  	v6 =	vmax.f32 v6, v11  }
0x33c: {  	v6 =	vmax.f32 v6, v10;
	v10 =	vld [tilespmem:$0x1F7C0]  }
0x33d: {  	v11 =	vld [tilespmem:$0x1F7B0];
	_ =	sdelay $0x3  }
0x33e: {  	v7 =	vmax.f32 v7, v10;
	v10 =	vld [tilespmem:$0x1F770]  }
0x33f: {  	v9 =	vmax.f32 v9, v11;
	v11 =	vld [tilespmem:$0x1F7D0];
	_ =	sdelay $0x2  }
0x340: {  	v42 =	vld [tilespmem:$0x1FF80]  }
0x341: {  	v9 =	vmax.f32 v9, v10;
	v10 =	vld [tilespmem:$0x1F780]  }
0x342: {  	v8 =	vmax.f32 v8, v11;
	v11 =	vld [tilespmem:$0x1F800];
	_ =	sdelay $0x3  }
0x343: {  	v7 =	vmax.f32 v7, v10;
	v10 =	vperm.xlane v2, v42  }
0x344: {  	v6 =	vmax.f32 v6, v11;
	v11 =	vld [tilespmem:$0x1F730]  }
0x345: {  	v2 =	vadd.f32 v2, v10;
	v10 =	vld [tilespmem:$0x1F740];
	_ =	sdelay $0x3  }
0x346: {  	v9 =	vmax.f32 v9, v11;
	v11 =	vld [tilespmem:$0x1F790]  }
0x347: {  	v7 =	vmax.f32 v7, v10;
	v10 =	vld [tilespmem:$0x1F750];
	_ =	sdelay $0x3  }
0x348: {  	v8 =	vmax.f32 v8, v11;
	v11 =	vld [tilespmem:$0x1F7A0]  }
0x349: {  	v8 =	vmax.f32 v8, v10;
	v10 =	vld [tilespmem:$0x1F760]  }
0x34a: {  	v44 =	vld [tilespmem:$0x1FF90]  }
0x34b: {  	s13 =	sadd.s32 $0x3E8, s13  }
0x34c: {  	v5 =	vld [tilespmem:s13+$0x1E8]  }
0x34d: {  	v0 =	vld [tilespmem:s13+$0xFFFFFE70];
	v6 =	vmax.f32 v6, v11  }
0x34e: {  	v7 =	vmax.f32 v9, v7;
	v9 =	vld [tilespmem:$0x1F640];
	v6 =	vmax.f32 v6, v10  }
0x34f: {  	v3 =	vld [tilespmem:s13+$0xFFFFFE30];
	v6 =	vmax.f32 v8, v6;
	v8 =	vperm.xlane v2, v44  }
0x350: {  	v6 =	vmax.f32 v6, v7;
	v7 =	vnsel vm15, $0xFF61B1E6, v59  }
0x351: {  	v11 =	vmov v5;
	v5 =	vmax.f32 v6, v7;
	v2 =	vadd.f32 v2, v8;
	v8 =	vld [tilespmem:$0x1F1A0]  }
0x352: {  	s14 =	sadd.s32 $0x1, s14;
	v7 =	vperm.xlane v5, v57  }
0x353: {  	v1 =	vld.msk [tilespmem:s14+$0x0 ss:$0x0], $0xffff;
	[tilespmem:$0x1F0D0] =	vst v0;
	vm1 =	vnez.u8 v9;
	v10 =	vimm.f32 $0.0e+00;
	(erf) = vrcp.f32 v2  }
0x354: {  	[tilespmem:$0x1F620] =	vst v11;
	v2 =	vmax.f32 v5, v7;
	v7 =	vmax.f32 v3, v0;
	v0 =	vsel vm0, $0xFF61B1E6, v11;
	v11 =	vld [tilespmem:$0x1F6A0]  }
0x355: {  	v9 =	vsel vm1, $0x3F800000, v10  }
0x356: {  	v8 =	vadd.f32 v9, v8  }
0x357: {  	v6 =	vld [tilespmem:$0x1F630]  }
0x358: {  	[tilespmem:$0x1F1A0] =	vst v8;
	v8 =	vld [tilespmem:$0x1F190]  }
0x359: {  	vm9 =	veq.s32 v1, v11;
	v11 =	vld [tilespmem:$0x1F6B0];
	_ =	sdelay $0x3  }
0x35a: {  	v6 =	vnsel vm1, $0x0, v6  }
0x35b: {  	v8 =	vadd.f32 v6, v8;
	vm10 =	veq.s32 v1, v11;
	v11 =	vld [tilespmem:$0x1F6C0]  }
0x35c: {  	v13 =	vld [tilespmem:s13+$0xFFFFFE10]  }
0x35d: {  	[tilespmem:$0x1F190] =	vst v8;
	v8 =	vld [tilespmem:s13+$0xFFFFFE50];
	_ =	sdelay $0x1  }
0x35e: {  	v5 =	vperm.xlane v2, v52  }
0x35f: {  	vm11 =	veq.s32 v1, v11;
	v11 =	vld [tilespmem:$0x1F6D0]  }
0x360: {  	v6 =	vmax.f32 v2, v5  }
0x361: {  	[tilespmem:$0x1F160] =	vst v8;
	v5 =	vmax.f32 v13, v8;
	v8 =	vperm.xlane v6, v42;
	_ =	sdelay $0x1  }
0x362: {  	v6 =	vmax.f32 v6, v8;
	v8 =	vld [tilespmem:$0x1F6E0]  }
0x363: {  	vm4 =	veq.s32 v1, v11;
	v11 =	vld [tilespmem:$0x1F700];
	_ =	sdelay $0x3  }
0x364: {  	vm5 =	veq.s32 v1, v8;
	v8 =	vld [tilespmem:$0x1F6F0]  }
0x365: {  	vm7 =	veq.s32 v1, v11;
	v11 =	vld [tilespmem:$0x1F710];
	_ =	sdelay $0x3  }
0x366: {  	vm6 =	veq.s32 v1, v8;
	v8 =	vperm.xlane v6, v44  }
0x367: {  	vm8 =	veq.s32 v1, v11;
	v11 =	vld [tilespmem:$0x1F720]  }
0x368: {  	v6 =	vmax.f32 v6, v8;
	v8 =	vld [tilespmem:$0x1FC40];
	_ =	sdelay $0x1  }
0x369: {  	v2 =	vimm.s32 $0x0  }
0x36a: {  	v2 =	vsel vm9, $0xFFFFFFFF, v2  }
0x36b: {  	[tilespmem:$0x1EE10] =	vst v2;
	v2 =	vimm.s32 $0x0;
	vm9 =	veq.s32 v1, v11;
	v11 =	vpop (erf)  }
0x36c: {  	v2 =	vsel vm10, $0xFFFFFFFF, v2;
	vm10 =	vgt.f32 v11, v8;
	v8 =	vld [tilespmem:$0x1FC50]  }
0x36d: {  	[tilespmem:$0x1EE30] =	vst v2;
	v2 =	vimm.s32 $0x0  }
0x36e: {  	v2 =	vsel vm11, $0xFFFFFFFF, v2  }
0x36f: {  	[tilespmem:$0x1EE20] =	vst v2;
	v2 =	vimm.s32 $0x0  }
0x370: {  	v2 =	vsel vm4, $0xFFFFFFFF, v2;
	vm4 =	veq.f32 v6, v23;
	v6 =	vld [tilespmem:$0x1FF50]  }
0x371: {  	vm11 =	vle.f32 v11, v8;
	v8 =	vld [tilespmem:$0x1FF40]  }
0x372: {  	[tilespmem:$0x1EE50] =	vst v2;
	v2 =	vimm.s32 $0x0  }
0x373: {  	v2 =	vsel vm5, $0xFFFFFFFF, v2  }
0x374: {  	[tilespmem:$0x1EE40] =	vst v2;
	v2 =	vimm.s32 $0x0  }
0x375: {  	v2 =	vsel vm6, $0xFFFFFFFF, v2;
	vm5 =	veq.s32 v1, v6;
	v6 =	vld [tilespmem:$0x1FF60]  }
0x376: {  	[tilespmem:$0x1EE60] =	vst v2;
	v2 =	vimm.s32 $0x0;
	vm2 =	veq.s32 v1, v8;
	v8 =	vld [tilespmem:$0x1FF10]  }
0x377: {  	v2 =	vsel vm7, $0xFFFFFFFF, v2  }
0x378: {  	[tilespmem:$0x1EE70] =	vst v2;
	v2 =	vimm.s32 $0x0  }
0x379: {  	v2 =	vsel vm8, $0xFFFFFFFF, v2  }
0x37a: {  	[tilespmem:$0x1EE80] =	vst v2;
	v2 =	vimm.s32 $0x0;
	vm6 =	veq.s32 v1, v6;
	v6 =	vld [tilespmem:$0x1FF00]  }
0x37b: {  	v2 =	vsel vm9, $0xFFFFFFFF, v2;
	vm8 =	veq.s32 v1, v8;
	v8 =	vld [tilespmem:$0x1FF20]  }
0x37c: {  	[tilespmem:$0x1EE90] =	vst v2;
	v2 =	vimm.s32 $0x0  }
0x37d: {  	v2 =	vsel vm2, $0xFFFFFFFF, v2  }
0x37e: {  	[tilespmem:$0x1EEA0] =	vst v2;
	v2 =	vimm.s32 $0x0  }
0x37f: {  	vm13 =	veq.s32 v1, v6;
	v6 =	vld [tilespmem:$0x1FF70];
	v2 =	vsel vm5, $0xFFFFFFFF, v2  }
0x380: {  	[tilespmem:$0x1EEB0] =	vst v2;
	v2 =	vimm.s32 $0x0;
	vm14 =	veq.s32 v1, v8;
	v8 =	vld [tilespmem:$0x1F660]  }
0x381: {  	v2 =	vsel vm6, $0xFFFFFFFF, v2  }
0x382: {  	vm0 =	vmand vm10, vm11;
	[tilespmem:$0x1EEC0] =	vst v2;
	v2 =	vimm.s32 $0x0  }
0x383: {  	v2 =	vsel vm0, $0xFFFFFFFF, v2;
	vm0 =	vmand vm0, vm4  }
0x384: {  	vm7 =	veq.s32 v1, v6;
	v6 =	vsel vm0, $0x3F800000, v10  }
0x385: {  	v8 =	vadd.f32 v6, v8;
	v6 =	vld [tilespmem:$0x1FEC0];
	_ =	sdelay $0x4  }
0x386: {  	vm2 =	veq.s32 v1, v6;
	v6 =	vld [tilespmem:$0x1FED0];
	_ =	sdelay $0x4  }
0x387: {  	vm10 =	veq.s32 v1, v6;
	v6 =	vld [tilespmem:$0x1FF30];
	_ =	sdelay $0x4  }
0x388: {  	vm5 =	veq.s32 v1, v6;
	v6 =	vld [tilespmem:$0x1FE80];
	_ =	sdelay $0x4  }
0x389: {  	vm11 =	veq.s32 v1, v6;
	v6 =	vld [tilespmem:$0x1FEE0];
	_ =	sdelay $0x4  }
0x38a: {  	vm3 =	veq.s32 v1, v6;
	v6 =	vld [tilespmem:$0x1FEF0];
	_ =	sdelay $0x4  }
0x38b: {  	vm4 =	veq.s32 v1, v6;
	v6 =	vld [tilespmem:$0x1FE90];
	_ =	sdelay $0x4  }
0x38c: {  	vm9 =	veq.s32 v1, v6;
	v6 =	vld [tilespmem:$0x1FEA0];
	_ =	sdelay $0x3  }
0x38d: {  	[tilespmem:$0x1F640] =	vst v2;
	v2 =	vimm.s32 $0x0  }
0x38e: {  	v2 =	vsel vm7, $0xFFFFFFFF, v2;
	vm7 =	veq.s32 v1, v6;
	v6 =	vld [tilespmem:$0x1FEB0];
	_ =	sdelay $0x4  }
0x38f: {  	vm12 =	veq.s32 v1, v6;
	v6 =	vld [tilespmem:$0x1FE40];
	_ =	sdelay $0x4  }
0x390: {  	vm6 =	veq.s32 v1, v6;
	v6 =	vld [tilespmem:$0x1FE50];
	_ =	sdelay $0x4  }
0x391: {  	vm1 =	veq.s32 v1, v6;
	v6 =	vld [tilespmem:$0x1FE60];
	_ =	sdelay $0x4  }
0x392: {  	vm0 =	veq.s32 v1, v6;
	v6 =	vld [tilespmem:$0x1FE00];
	_ =	sdelay $0x4  }
0x393: {  	vm15 =	veq.s32 v1, v6;
	v6 =	vld [tilespmem:$0x1FE10];
	_ =	sdelay $0x1  }
0x394: {  	[tilespmem:$0x1F080] =	vst v3;
	v3 =	vimm.s32 $0x0  }
0x395: {  	v3 =	vsel vm0, $0xFFFFFFFF, v3  }
0x396: {  	[tilespmem:$0x1EEE0] =	vst v3;
	v3 =	vimm.s32 $0x0  }
0x397: {  	v3 =	vsel vm15, $0xFFFFFFFF, v3;
	vm15 =	veq.s32 v1, v6;
	v6 =	vld [tilespmem:$0x1FE70];
	_ =	sdelay $0x3  }
0x398: {  	[tilespmem:$0x1EF00] =	vst v3;
	v3 =	vimm.s32 $0x0  }
0x399: {  	v3 =	vsel vm15, $0xFFFFFFFF, v3;
	vm15 =	veq.s32 v1, v6;
	v6 =	vld [tilespmem:$0x1FDC0];
	_ =	sdelay $0x3  }
0x39a: {  	[tilespmem:$0x1EF10] =	vst v3;
	v3 =	vimm.s32 $0x0  }
0x39b: {  	v3 =	vsel vm15, $0xFFFFFFFF, v3;
	vm15 =	veq.s32 v1, v6;
	v6 =	vld [tilespmem:$0x1FE20];
	_ =	sdelay $0x3  }
0x39c: {  	[tilespmem:$0x1EEF0] =	vst v3;
	v3 =	vimm.s32 $0x0  }
0x39d: {  	v3 =	vsel vm15, $0xFFFFFFFF, v3;
	vm15 =	veq.s32 v1, v6;
	v6 =	vld [tilespmem:$0x1FE30];
	_ =	sdelay $0x3  }
0x39e: {  	[tilespmem:$0x1EF50] =	vst v3;
	v3 =	vimm.s32 $0x0  }
0x39f: {  	v3 =	vsel vm15, $0xFFFFFFFF, v3;
	vm15 =	veq.s32 v1, v6;
	v6 =	vld [tilespmem:$0x1FDD0];
	_ =	sdelay $0x3  }
0x3a0: {  	[tilespmem:$0x1EF30] =	vst v3;
	v3 =	vimm.s32 $0x0  }
0x3a1: {  	v3 =	vsel vm15, $0xFFFFFFFF, v3;
	vm15 =	veq.s32 v1, v6;
	v6 =	vld [tilespmem:$0x1FDE0];
	_ =	sdelay $0x3  }
0x3a2: {  	[tilespmem:$0x1EF40] =	vst v3;
	v3 =	vimm.s32 $0x0  }
0x3a3: {  	v3 =	vsel vm15, $0xFFFFFFFF, v3;
	vm15 =	veq.s32 v1, v6;
	v6 =	vld [tilespmem:$0x1FDF0];
	_ =	sdelay $0x3  }
0x3a4: {  	[tilespmem:$0x1EF60] =	vst v3;
	v3 =	vimm.s32 $0x0  }
0x3a5: {  	v3 =	vsel vm15, $0xFFFFFFFF, v3;
	vm15 =	veq.s32 v1, v6;
	v6 =	vld [tilespmem:$0x1FD80];
	_ =	sdelay $0x3  }
0x3a6: {  	[tilespmem:$0x1EF80] =	vst v3;
	v3 =	vimm.s32 $0x0  }
0x3a7: {  	v3 =	vsel vm15, $0xFFFFFFFF, v3;
	vm15 =	veq.s32 v1, v6;
	v6 =	vimm.s32 $0x0  }
0x3a8: {  	v6 =	vsel vm15, $0xFFFFFFFF, v6  }
0x3a9: {  	[tilespmem:$0x1EF70] =	vst v6;
	v6 =	vld [tilespmem:$0x1FD90];
	_ =	sdelay $0x4  }
0x3aa: {  	vm15 =	veq.s32 v1, v6;
	v6 =	vimm.s32 $0x0  }
0x3ab: {  	v6 =	vsel vm15, $0xFFFFFFFF, v6  }
0x3ac: {  	[tilespmem:$0x1EFA0] =	vst v6;
	v6 =	vld [tilespmem:$0x1FDA0];
	_ =	sdelay $0x4  }
0x3ad: {  	vm15 =	veq.s32 v1, v6;
	v6 =	vimm.s32 $0x0  }
0x3ae: {  	v6 =	vsel vm15, $0xFFFFFFFF, v6  }
0x3af: {  	[tilespmem:$0x1EFB0] =	vst v6;
	v6 =	vld [tilespmem:$0x1FD40];
	_ =	sdelay $0x4  }
0x3b0: {  	vm15 =	veq.s32 v1, v6;
	v6 =	vimm.s32 $0x0  }
0x3b1: {  	v6 =	vsel vm15, $0xFFFFFFFF, v6  }
0x3b2: {  	[tilespmem:$0x1EFC0] =	vst v6;
	v6 =	vld [tilespmem:$0x1FD50];
	_ =	sdelay $0x4  }
0x3b3: {  	vm15 =	veq.s32 v1, v6;
	v6 =	vimm.s32 $0x0  }
0x3b4: {  	v6 =	vsel vm15, $0xFFFFFFFF, v6  }
0x3b5: {  	[tilespmem:$0x1EFE0] =	vst v6;
	v6 =	vld [tilespmem:$0x1FDB0];
	_ =	sdelay $0x4  }
0x3b6: {  	vm15 =	veq.s32 v1, v6;
	v6 =	vimm.s32 $0x0  }
0x3b7: {  	v6 =	vsel vm15, $0xFFFFFFFF, v6  }
0x3b8: {  	[tilespmem:$0x1EFD0] =	vst v6;
	v6 =	vld [tilespmem:$0x1FD00];
	_ =	sdelay $0x4  }
0x3b9: {  	vm15 =	veq.s32 v1, v6;
	v6 =	vimm.s32 $0x0  }
0x3ba: {  	v6 =	vsel vm15, $0xFFFFFFFF, v6  }
0x3bb: {  	[tilespmem:$0x1F010] =	vst v6;
	v6 =	vld [tilespmem:$0x1FD60];
	_ =	sdelay $0x4  }
0x3bc: {  	vm15 =	veq.s32 v1, v6;
	v6 =	vimm.s32 $0x0  }
0x3bd: {  	v6 =	vsel vm15, $0xFFFFFFFF, v6  }
0x3be: {  	[tilespmem:$0x1EFF0] =	vst v6;
	v6 =	vld [tilespmem:$0x1FD70];
	_ =	sdelay $0x4  }
0x3bf: {  	vm15 =	veq.s32 v1, v6;
	v6 =	vimm.s32 $0x0  }
0x3c0: {  	v6 =	vsel vm15, $0xFFFFFFFF, v6  }
0x3c1: {  	[tilespmem:$0x1F000] =	vst v6;
	v6 =	vld [tilespmem:$0x1FD10];
	_ =	sdelay $0x4  }
0x3c2: {  	vm15 =	veq.s32 v1, v6;
	v6 =	vimm.s32 $0x0  }
0x3c3: {  	v6 =	vsel vm15, $0xFFFFFFFF, v6  }
0x3c4: {  	[tilespmem:$0x1F020] =	vst v6;
	v6 =	vld [tilespmem:$0x1FD20];
	_ =	sdelay $0x4  }
0x3c5: {  	vm15 =	veq.s32 v1, v6;
	v6 =	vimm.s32 $0x0  }
0x3c6: {  	v6 =	vsel vm15, $0xFFFFFFFF, v6  }
0x3c7: {  	[tilespmem:$0x1F030] =	vst v6;
	v6 =	vld [tilespmem:$0x1FD30]  }
0x3c8: {  	[tilespmem:$0x1F660] =	vst v8;
	v8 =	vld [tilespmem:$0x1FCC0];
	_ =	sdelay $0x3  }
0x3c9: {  	vm15 =	veq.s32 v1, v6;
	v6 =	vimm.s32 $0x0  }
0x3ca: {  	v6 =	vsel vm15, $0xFFFFFFFF, v6;
	vm15 =	veq.s32 v1, v8;
	v8 =	vld [tilespmem:$0x1FCD0];
	_ =	sdelay $0x3  }
0x3cb: {  	[tilespmem:$0x1F040] =	vst v6;
	v6 =	vimm.s32 $0x0  }
0x3cc: {  	v6 =	vsel vm15, $0xFFFFFFFF, v6;
	vm15 =	veq.s32 v1, v8;
	v8 =	vld [tilespmem:$0x1FCE0];
	_ =	sdelay $0x3  }
0x3cd: {  	[tilespmem:$0x1F050] =	vst v6;
	v6 =	vimm.s32 $0x0  }
0x3ce: {  	v6 =	vsel vm15, $0xFFFFFFFF, v6;
	vm15 =	veq.s32 v1, v8;
	v8 =	vld [tilespmem:$0x1FFD0];
	_ =	sdelay $0x3  }
0x3cf: {  	[tilespmem:$0x1F060] =	vst v6;
	v6 =	vimm.s32 $0x0  }
0x3d0: {  	v6 =	vsel vm15, $0xFFFFFFFF, v6;
	vm15 =	veq.s32 v1, v8;
	v8 =	vld [tilespmem:$0x1FFC0];
	_ =	sdelay $0x3  }
0x3d1: {  	[tilespmem:$0x1F070] =	vst v6;
	v6 =	vimm.s32 $0x0  }
0x3d2: {  	v6 =	vsel vm15, $0xFFFFFFFF, v6;
	vm15 =	veq.s32 v1, v8;
	v8 =	vld [tilespmem:$0x1FCF0];
	_ =	sdelay $0x3  }
0x3d3: {  	[tilespmem:$0x1F090] =	vst v6;
	v6 =	vimm.s32 $0x0  }
0x3d4: {  	v6 =	vsel vm15, $0xFFFFFFFF, v6;
	vm15 =	veq.s32 v1, v8;
	v8 =	vld [tilespmem:$0x1FC80];
	_ =	sdelay $0x3  }
0x3d5: {  	[tilespmem:$0x1F0C0] =	vst v6;
	v6 =	vimm.s32 $0x0  }
0x3d6: {  	v6 =	vsel vm15, $0xFFFFFFFF, v6;
	vm15 =	veq.s32 v1, v8;
	v8 =	vld [tilespmem:$0x1FC90];
	_ =	sdelay $0x3  }
0x3d7: {  	[tilespmem:$0x1F0A0] =	vst v6;
	v6 =	vimm.s32 $0x0  }
0x3d8: {  	v6 =	vsel vm15, $0xFFFFFFFF, v6;
	vm15 =	veq.s32 v1, v8;
	v8 =	vld [tilespmem:$0x1FCA0];
	_ =	sdelay $0x2  }
0x3d9: {  	[tilespmem:$0x1F0E0] =	vst v6;
	v6 =	vimm.s32 $0x0  }
0x3da: {  	v6 =	vsel vm15, $0xFFFFFFFF, v6  }
0x3db: {  	[tilespmem:$0x1F100] =	vst v6;
	v6 =	vimm.s32 $0x0;
	vm15 =	veq.s32 v1, v8;
	v8 =	vlaneseq.u32  }
0x3dc: {  	v6 =	vsel vm15, $0xFFFFFFFF, v6;
	vm15 =	veq.s32 v1, v8;
	v8 =	vld [tilespmem:$0x1FFE0];
	_ =	sdelay $0x3  }
0x3dd: {  	v33 =	vld [tilespmem:s13+$0xFFFFFEB0];
	[tilespmem:$0x1F110] =	vst v6;
	v6 =	vimm.s32 $0x0  }
0x3de: {  	v6 =	vsel vm15, $0xFFFFFFFF, v6;
	vm15 =	veq.s32 v1, v8;
	v8 =	vld [tilespmem:$0x1FCB0];
	_ =	sdelay $0x3  }
0x3df: {  	[tilespmem:$0x1F140] =	vst v6;
	v6 =	vimm.s32 $0x0  }
0x3e0: {  	v6 =	vsel vm15, $0xFFFFFFFF, v6;
	vm15 =	veq.s32 v1, v8;
	v8 =	vmax.f32 v7, v33;
	v7 =	vld [tilespmem:$0x1FC60];
	_ =	sdelay $0x3  }
0x3e1: {  	[tilespmem:$0x1F150] =	vst v6;
	v6 =	vimm.s32 $0x0  }
0x3e2: {  	v6 =	vsel vm15, $0xFFFFFFFF, v6;
	vm15 =	veq.s32 v1, v7;
	v7 =	vimm.s32 $0x0  }
0x3e3: {  	v14 =	vld [tilespmem:s13+$0xFFFFFE40];
	v7 =	vsel vm15, $0xFFFFFFFF, v7  }
0x3e4: {  	[tilespmem:$0x1F170] =	vst v7;
	v7 =	vld [tilespmem:$0x1FC70]  }
0x3e5: {  	v4 =	vld [tilespmem:s13+$0xFFFFFE80]  }
0x3e6: {  	v49 =	vld [tilespmem:s13+$0xFFFFFEC0];
	_ =	sdelay $0x2  }
0x3e7: {  	vm15 =	veq.s32 v1, v7;
	v1 =	vimm.s32 $0x0  }
0x3e8: {  	[tilespmem:$0x1EF20] =	vst v0;
	v0 =	vmax.f32 v14, v4;
	v1 =	vsel vm15, $0xFFFFFFFF, v1  }
0x3e9: {  	[tilespmem:$0x1F180] =	vst v1;
	v1 =	vmax.f32 v0, v49;
	v0 =	vld [tilespmem:$0x1EE10];
	_ =	sdelay $0x1  }
0x3ea: {  	s16 =	sand.u32 $0xFFF8, s15  }
0x3eb: {  	v26 =	vld [tilespmem:s16+$0x80]  }
0x3ec: {  	v22 =	vld [tilespmem:s13+$0x1B0]  }
0x3ed: {  	vm0 =	vnez.u8 v0;
	v0 =	vld [tilespmem:$0x1EE20];
	_ =	sdelay $0x3  }
0x3ee: {  	v54 =	vld [tilespmem:s13+$0x1C0]  }
0x3ef: {  	v10 =	vmax.f32 v5, v26;
	v5 =	vnsel vm0, $0xFF61B1E6, v22;
	vm0 =	vnez.u8 v0;
	v0 =	vld [tilespmem:$0x1EE30]  }
0x3f0: {  	v7 =	vld [tilespmem:$0x1EE40]  }
0x3f1: {  	v18 =	vld [tilespmem:s13+$0x170];
	_ =	sdelay $0x2  }
0x3f2: {  	vm15 =	vcmask $0x3F20;
	[tilespmem:$0x1F730] =	vst v5;
	v5 =	vnsel vm0, $0xFF61B1E6, v54;
	vm0 =	vnez.u8 v0  }
0x3f3: {  	vm0 =	vmand vm0, vm15;
	vm15 =	vnez.u8 v7  }
0x3f4: {  	v7 =	vnsel vm15, $0xFF61B1E6, v18  }
0x3f5: {  	[tilespmem:$0x1F770] =	vst v7;
	v7 =	vld [tilespmem:$0x1EE50]  }
0x3f6: {  	v17 =	vld [tilespmem:s13+$0x1D0];
	_ =	sdelay $0x3  }
0x3f7: {  	vm15 =	vnez.u8 v7  }
0x3f8: {  	v30 =	vld [tilespmem:s13+$0xFFFFFEE0];
	v7 =	vnsel vm15, $0xFF61B1E6, v17  }
0x3f9: {  	[tilespmem:$0x1F750] =	vst v7;
	v7 =	vld [tilespmem:$0x1EE60]  }
0x3fa: {  	v19 =	vld [tilespmem:s13+$0x1E0]  }
0x3fb: {  	v56 =	vld [tilespmem:s13+$0xFFFFFF00]  }
0x3fc: {  	v58 =	vld [tilespmem:s13+$0x150]  }
0x3fd: {  	v62 =	vld [tilespmem:s13+$0x0]  }
0x3fe: {  	v63 =	vld [tilespmem:s16+$0x200];
	vm15 =	vmmov vm0;
	vm0 =	vnez.u8 v7  }
0x3ff: {  	v50 =	vld [tilespmem:s13+$0xFFFFFEA0];
	v7 =	vnsel vm0, $0xFF61B1E6, v19  }
0x400: {  	[tilespmem:$0x1F760] =	vst v7;
	v7 =	vld [tilespmem:$0x1EE70]  }
0x401: {  	v40 =	vld [tilespmem:s13+$0x160]  }
0x402: {  	v47 =	vld [tilespmem:s13+$0xFFFFFF60]  }
0x403: {  	v27 =	vld [tilespmem:s13+$0x140]  }
0x404: {  	v61 =	vld [tilespmem:s13+$0x180]  }
0x405: {  	vm0 =	vnez.u8 v7;
	v7 =	vld [tilespmem:$0x1EE80]  }
0x406: {  	v39 =	vld [tilespmem:s16+$0x300]  }
0x407: {  	v28 =	vld [tilespmem:s13+$0x30]  }
0x408: {  	v55 =	vld [tilespmem:s16+$0x100]  }
0x409: {  	v38 =	vld [tilespmem:s16+$0x380]  }
0x40a: {  	[tilespmem:$0x1F630] =	vst v11;
	v11 =	vnsel vm0, $0xFF61B1E6, v61;
	vm0 =	vnez.u8 v7;
	v7 =	vld [tilespmem:$0x1EE90]  }
0x40b: {  	v24 =	vld [tilespmem:s13+$0xFFFFFFD0]  }
0x40c: {  	v48 =	vld [tilespmem:s13+$0xFFFFFF80]  }
0x40d: {  	v43 =	vld [tilespmem:s16+$0x180]  }
0x40e: {  	v20 =	vld [tilespmem:s13+$0x1A0]  }
0x40f: {  	[tilespmem:$0x1F780] =	vst v11;
	v11 =	vnsel vm0, $0xFF61B1E6, v38;
	vm0 =	vnez.u8 v7;
	v7 =	vld [tilespmem:$0x1EEA0]  }
0x410: {  	v25 =	vld [tilespmem:s13+$0x50]  }
0x411: {  	v37 =	vld [tilespmem:s13+$0xC0]  }
0x412: {  	v34 =	vld [tilespmem:s13+$0x130]  }
0x413: {  	v12 =	vld [tilespmem:s13+$0xFFFFFE20]  }
0x414: {  	[tilespmem:$0x1F790] =	vst v11;
	v11 =	vnsel vm0, $0xFF61B1E6, v20;
	vm0 =	vnez.u8 v7;
	v7 =	vld [tilespmem:$0x1EEB0]  }
0x415: {  	[tilespmem:$0x1F930] =	vst v25;
	v9 =	vld [tilespmem:s13+$0xFFFFFE60]  }
0x416: {  	v36 =	vld [tilespmem:s13+$0x100];
	[tilespmem:$0x1F0B0] =	vst v14  }
0x417: {  	v35 =	vld [tilespmem:s13+$0xF0];
	[tilespmem:$0x1F130] =	vst v13  }
0x418: {  	v32 =	vld [tilespmem:s13+$0x120];
	[tilespmem:$0x1FB30] =	vst v12  }
0x419: {  	[tilespmem:$0x1F0F0] =	vst v4;
	v0 =	vmov v18;
	v18 =	vnsel vm0, $0xFF61B1E6, v34;
	vm0 =	vnez.u8 v7;
	v7 =	vld [tilespmem:$0x1EEC0]  }
0x41a: {  	v46 =	vld [tilespmem:s13+$0xFFFFFF50];
	[tilespmem:$0x1FC30] =	vst v9  }
0x41b: {  	v16 =	vld [tilespmem:s13+$0xFFFFFF30];
	[tilespmem:$0x1EED0] =	vst v2  }
0x41c: {  	v15 =	vld [tilespmem:s13+$0xFFFFFF70];
	[tilespmem:$0x1EF90] =	vst v3  }
0x41d: {  	[tilespmem:$0x1F740] =	vst v5;
	v5 =	vld [tilespmem:s13+$0xFFFFFEF0]  }
0x41e: {  	[tilespmem:$0x1F7B0] =	vst v18;
	v18 =	vnsel vm0, $0xFF61B1E6, v27;
	vm0 =	vnez.u8 v7;
	v7 =	vld [tilespmem:$0x1EED0]  }
0x41f: {  	v13 =	vld [tilespmem:s13+$0xB0];
	[tilespmem:$0x1F120] =	vst v6  }
0x420: {  	[tilespmem:$0x1F7A0] =	vst v11;
	v11 =	vld [tilespmem:s13+$0xFFFFFED0]  }
0x421: {  	v4 =	vld [tilespmem:s13+$0xFFFFFFB0];
	v9 =	vmax.f32 v12, v9;
	[tilespmem:$0x1F7C0] =	vst v18;
	v18 =	vnsel vm0, $0xFF61B1E6, v58  }
0x422: {  	v12 =	vld [tilespmem:s13+$0xFFFFFFF0];
	v23 =	vmax.f32 v9, v50;
	[tilespmem:$0x1F7D0] =	vst v18;
	v18 =	vnsel vm13, $0xFF61B1E6, v35  }
0x423: {  	v29 =	vld [tilespmem:s13+$0xD0];
	v8 =	vmax.f32 v8, v5;
	[tilespmem:$0x1F7E0] =	vst v18;
	v18 =	vnsel vm8, $0xFF61B1E6, v36;
	vm8 =	vnez.u8 v7  }
0x424: {  	v14 =	vld [tilespmem:s13+$0x70];
	v9 =	vmovc v40;
	v21 =	vmax.f32 v1, v56;
	[tilespmem:$0x1F7F0] =	vst v18;
	v18 =	vnsel vm8, $0xFF61B1E6, v40;
	v40 =	vmax.f32 v8, v16  }
0x425: {  	v45 =	vld [tilespmem:s13+$0xE0];
	v10 =	vmax.f32 v10, v11;
	[tilespmem:$0x1F800] =	vst v18;
	v18 =	vnsel vm2, $0xFF61B1E6, v13;
	v40 =	vmax.f32 v40, v15  }
0x426: {  	v60 =	vld [tilespmem:s13+$0x80];
	v10 =	vmax.f32 v10, v55;
	[tilespmem:$0x1F810] =	vst v18;
	v18 =	vnsel vm14, $0xFF61B1E6, v39;
	v40 =	vmax.f32 v40, v4  }
0x427: {  	v1 =	vld [tilespmem:$0x1EEE0];
	v41 =	vmax.f32 v10, v46;
	[tilespmem:$0x1F820] =	vst v18;
	v18 =	vnsel vm5, $0xFF61B1E6, v32;
	v40 =	vmax.f32 v40, v12  }
0x428: {  	v51 =	vld [tilespmem:s16+$0x280];
	v41 =	vmax.f32 v41, v43;
	[tilespmem:$0x1F830] =	vst v18;
	v18 =	vnsel vm10, $0xFF61B1E6, v37;
	v40 =	vmax.f32 v40, v28  }
0x429: {  	v53 =	vld [tilespmem:s13+$0xFFFFFF40];
	v41 =	vmax.f32 v41, v24;
	[tilespmem:$0x1F840] =	vst v18;
	v18 =	vnsel vm3, $0xFF61B1E6, v29;
	v40 =	vmax.f32 v40, v14  }
0x42a: {  	v2 =	vld [tilespmem:s13+$0x40];
	v41 =	vmax.f32 v41, v63;
	[tilespmem:$0x1F850] =	vst v18;
	v18 =	vnsel vm4, $0xFF61B1E6, v45;
	v40 =	vmax.f32 v40, v13  }
0x42b: {  	v59 =	vld [tilespmem:s13+$0xA0];
	v41 =	vmax.f32 v41, v25;
	[tilespmem:$0x1F870] =	vst v18;
	v18 =	vnsel vm11, $0xFF61B1E6, v14;
	v40 =	vmax.f32 v40, v35  }
0x42c: {  	v31 =	vld [tilespmem:s13+$0xFFFFFF20];
	vm8 =	vnez.u8 v1;
	[tilespmem:$0x1F890] =	vst v18;
	v18 =	vnsel vm9, $0xFF61B1E6, v60;
	v40 =	vmax.f32 v40, v34  }
0x42d: {  	v1 =	vnsel vm8, $0xFF61B1E6, v25;
	v25 =	vmovc v0;
	[tilespmem:$0x1F8A0] =	vst v18;
	v18 =	vnsel vm7, $0xFF61B1E6, v51;
	v40 =	vmax.f32 v40, v0;
	v0 =	vld [tilespmem:$0x1EEF0]  }
0x42e: {  	v3 =	vld [tilespmem:s13+$0xFFFFFFC0];
	[tilespmem:$0x1F8C0] =	vst v18;
	v18 =	vnsel vm6, $0xFF61B1E6, v28  }
0x42f: {  	v6 =	vld [tilespmem:s13+$0xFFFFFFA0];
	[tilespmem:$0x1F8D0] =	vst v18;
	v18 =	vnsel vm1, $0xFF61B1E6, v2  }
0x430: {  	v8 =	vld [tilespmem:s13+$0x20];
	[tilespmem:$0x1F8F0] =	vst v18;
	v18 =	vnsel vm12, $0xFF61B1E6, v59  }
0x431: {  	[tilespmem:$0x1F920] =	vst v18;
	v18 =	vld [tilespmem:s13+$0xFFFFFFE0]  }
0x432: {  	v23 =	vmax.f32 v23, v30;
	v21 =	vmax.f32 v21, v53;
	vm9 =	vnez.u8 v0;
	v0 =	vld [tilespmem:$0x1EF00]  }
0x433: {  	v23 =	vmax.f32 v23, v31;
	v21 =	vmax.f32 v21, v48;
	v7 =	vld [tilespmem:s13+$0x60]  }
0x434: {  	v23 =	vmax.f32 v23, v47;
	v21 =	vmax.f32 v21, v3  }
0x435: {  	v23 =	vmax.f32 v23, v6;
	v21 =	vmax.f32 v21, v62  }
0x436: {  	v21 =	vmax.f32 v21, v2;
	v23 =	vmax.f32 v23, v18  }
0x437: {  	v21 =	vmax.f32 v21, v60;
	v23 =	vmax.f32 v23, v8;
	vm10 =	vnez.u8 v0;
	v0 =	vld [tilespmem:$0x1EF10]  }
0x438: {  	v21 =	vmax.f32 v21, v37;
	v23 =	vmax.f32 v23, v7  }
0x439: {  	v21 =	vmax.f32 v21, v36;
	v41 =	vmax.f32 v41, v51;
	v23 =	vmax.f32 v23, v59  }
0x43a: {  	v21 =	vmax.f32 v21, v27;
	v41 =	vmax.f32 v41, v29;
	v23 =	vmax.f32 v23, v45  }
0x43b: {  	v21 =	vmax.f32 v21, v61;
	v41 =	vmax.f32 v41, v39;
	v23 =	vmax.f32 v23, v32  }
0x43c: {  	v41 =	vmax.f32 v41, v58;
	v23 =	vmax.f32 v23, v9;
	vm11 =	vnez.u8 v0;
	v0 =	vld [tilespmem:$0x1EF20]  }
0x43d: {  	v21 =	vmax.f32 v21, v54;
	v41 =	vmax.f32 v41, v38;
	v23 =	vmax.f32 v23, v20  }
0x43e: {  	v41 =	vmax.f32 v41, v17;
	v40 =	vmax.f32 v40, v22;
	v23 =	vmax.f32 v23, v19  }
0x43f: {  	v21 =	vmax.f32 v40, v21;
	v23 =	vmax.f32 v41, v23  }
0x440: {  	v21 =	vmax.f32 v23, v21  }
0x441: {  	[tilespmem:$0x1F8E0] =	vst v2;
	v2 =	vmov v15;
	v15 =	vmax.f32 v21, v0;
	v0 =	vld [tilespmem:$0x1EF30];
	_ =	sdelay $0x4  }
0x442: {  	vm4 =	vnez.u8 v0;
	v0 =	vld [tilespmem:$0x1EF40];
	_ =	sdelay $0x4  }
0x443: {  	vm5 =	vnez.u8 v0;
	v0 =	vld [tilespmem:$0x1EF50];
	_ =	sdelay $0x4  }
0x444: {  	vm6 =	vnez.u8 v0;
	v0 =	vld [tilespmem:$0x1EF60];
	_ =	sdelay $0x4  }
0x445: {  	vm7 =	vnez.u8 v0;
	v0 =	vld [tilespmem:$0x1EF70];
	_ =	sdelay $0x4  }
0x446: {  	vm8 =	vnez.u8 v0;
	v0 =	vld [tilespmem:$0x1EF80];
	_ =	sdelay $0x4  }
0x447: {  	[tilespmem:$0x1F860] =	vst v45;
	v45 =	vmovc v34;
	v34 =	vmov v54;
	v54 =	vnsel vm9, $0xFF61B1E6, v7;
	vm9 =	vnez.u8 v0;
	v0 =	vld [tilespmem:$0x1EF90];
	_ =	sdelay $0x4  }
0x448: {  	[tilespmem:$0x1F940] =	vst v1;
	v1 =	vnsel vm10, $0xFF61B1E6, v12;
	vm10 =	vnez.u8 v0;
	v0 =	vld [tilespmem:$0x1EFA0];
	_ =	sdelay $0x4  }
0x449: {  	v23 =	vnsel vm11, $0xFF61B1E6, v62;
	vm11 =	vnez.u8 v0;
	v0 =	vld [tilespmem:$0x1EFB0];
	_ =	sdelay $0x4  }
0x44a: {  	v21 =	vnsel vm4, $0xFF61B1E6, v63;
	vm4 =	vnez.u8 v0;
	v0 =	vld [tilespmem:$0x1EFC0];
	_ =	sdelay $0x4  }
0x44b: {  	[tilespmem:$0x1F990] =	vst v21;
	v21 =	vnsel vm5, $0xFF61B1E6, v8;
	vm5 =	vnez.u8 v0;
	v0 =	vld [tilespmem:$0x1EFD0];
	_ =	sdelay $0x4  }
0x44c: {  	[tilespmem:$0x1F960] =	vst v1;
	v1 =	vnsel vm6, $0xFF61B1E6, v4;
	vm6 =	vnez.u8 v0  }
0x44d: {  	v0 =	vnsel vm6, $0xFF61B1E6, v6  }
0x44e: {  	[tilespmem:$0x1FA90] =	vst v0;
	v0 =	vld [tilespmem:$0x1EFE0];
	_ =	sdelay $0x4  }
0x44f: {  	[tilespmem:$0x1F9C0] =	vst v1;
	v1 =	vnsel vm7, $0xFF61B1E6, v3;
	vm7 =	vnez.u8 v0;
	v0 =	vld [tilespmem:$0x1EFF0];
	_ =	sdelay $0x4  }
0x450: {  	[tilespmem:$0x1F970] =	vst v23;
	v23 =	vnsel vm8, $0xFF61B1E6, v2;
	vm8 =	vnez.u8 v0;
	v0 =	vld [tilespmem:$0x1F000];
	_ =	sdelay $0x4  }
0x451: {  	v10 =	vmov v17;
	v17 =	vnsel vm9, $0xFF61B1E6, v24;
	vm9 =	vnez.u8 v0  }
0x452: {  	v0 =	vnsel vm9, $0xFF61B1E6, v47  }
0x453: {  	[tilespmem:$0x1FB60] =	vst v0;
	v0 =	vld [tilespmem:$0x1F010];
	_ =	sdelay $0x4  }
0x454: {  	[tilespmem:$0x1F5B0] =	vst v29;
	v29 =	vmov v12;
	v12 =	vnsel vm10, $0xFF61B1E6, v18;
	vm10 =	vnez.u8 v0  }
0x455: {  	v0 =	vnsel vm10, $0xFF61B1E6, v5  }
0x456: {  	[tilespmem:$0x1FB80] =	vst v0;
	v0 =	vld [tilespmem:$0x1F020];
	_ =	sdelay $0x4  }
0x457: {  	[tilespmem:$0x1F8B0] =	vst v51;
	v51 =	vmov v4;
	v4 =	vnsel vm11, $0xFF61B1E6, v48;
	vm11 =	vnez.u8 v0  }
0x458: {  	v0 =	vnsel vm11, $0xFF61B1E6, v56  }
0x459: {  	[tilespmem:$0x1FB90] =	vst v0;
	v0 =	vld [tilespmem:$0x1F030];
	_ =	sdelay $0x4  }
0x45a: {  	[tilespmem:$0x1F9A0] =	vst v8;
	v8 =	vmov v3;
	v3 =	vnsel vm4, $0xFF61B1E6, v43;
	vm4 =	vnez.u8 v0;
	v0 =	vld [tilespmem:$0x1F040];
	_ =	sdelay $0x4  }
0x45b: {  	[tilespmem:$0x1F980] =	vst v63;
	v63 =	vmov v2;
	v2 =	vnsel vm5, $0xFF61B1E6, v16;
	vm5 =	vnez.u8 v0;
	v0 =	vld [tilespmem:$0x1F050];
	_ =	sdelay $0x4  }
0x45c: {  	vm6 =	vnez.u8 v0  }
0x45d: {  	v0 =	vnsel vm6, $0xFF61B1E6, v33  }
0x45e: {  	[tilespmem:$0x1FBC0] =	vst v0;
	v0 =	vld [tilespmem:$0x1F060];
	_ =	sdelay $0x4  }
0x45f: {  	[tilespmem:$0x1FA60] =	vst v3;
	v3 =	vnsel vm7, $0xFF61B1E6, v53;
	vm7 =	vnez.u8 v0  }
0x460: {  	v0 =	vnsel vm7, $0xFF61B1E6, v49  }
0x461: {  	[tilespmem:$0x1FBD0] =	vst v0;
	v0 =	vld [tilespmem:$0x1F070];
	_ =	sdelay $0x4  }
0x462: {  	[tilespmem:$0x1FAA0] =	vst v3;
	v3 =	vnsel vm8, $0xFF61B1E6, v46;
	vm8 =	vnez.u8 v0;
	v0 =	vld [tilespmem:$0x1F090];
	_ =	sdelay $0x4  }
0x463: {  	vm9 =	vnez.u8 v0;
	v0 =	vld [tilespmem:$0x1F0A0];
	_ =	sdelay $0x4  }
0x464: {  	vm10 =	vnez.u8 v0;
	v0 =	vld [tilespmem:$0x1F0C0];
	_ =	sdelay $0x4  }
0x465: {  	vm11 =	vnez.u8 v0;
	v0 =	vld [tilespmem:$0x1F0E0];
	_ =	sdelay $0x4  }
0x466: {  	[tilespmem:$0x1F9E0] =	vst v23;
	v23 =	vnsel vm4, $0xFF61B1E6, v55;
	vm4 =	vnez.u8 v0;
	v0 =	vld [tilespmem:$0x1F100];
	_ =	sdelay $0x4  }
0x467: {  	[tilespmem:$0x1FA40] =	vst v12;
	v12 =	vnsel vm5, $0xFF61B1E6, v31;
	vm5 =	vnez.u8 v0;
	v0 =	vld [tilespmem:$0x1F110];
	_ =	sdelay $0x4  }
0x468: {  	[tilespmem:$0x1F9D0] =	vst v1;
	v1 =	vmov v26;
	vm6 =	vnez.u8 v0  }
0x469: {  	v0 =	vnsel vm6, $0xFF61B1E6, v1  }
0x46a: {  	[tilespmem:$0x1FC00] =	vst v0;
	v0 =	vld [tilespmem:$0x1F120];
	_ =	sdelay $0x3  }
0x46b: {  	[tilespmem:$0x1F9B0] =	vst v21;
	v21 =	vperm.xlane v15, v57  }
0x46c: {  	[tilespmem:$0x1FB50] =	vst v47;
	vm7 =	vnez.u8 v0  }
0x46d: {  	[tilespmem:$0x1F900] =	vst v59;
	v15 =	vmax.f32 v15, v21;
	v0 =	vnsel vm7, $0xFF61B1E6, v50  }
0x46e: {  	v21 =	vperm.xlane v15, v52;
	[tilespmem:$0x1FC10] =	vst v0;
	v0 =	vld [tilespmem:$0x1F140]  }
0x46f: {  	[tilespmem:$0x1F880] =	vst v14  }
0x470: {  	[tilespmem:$0x1FA80] =	vst v6;
	v15 =	vmax.f32 v15, v21  }
0x471: {  	[tilespmem:$0x1F950] =	vst v54;
	v54 =	vmov v24;
	v21 =	vperm.xlane v15, v42;
	v24 =	vld [tilespmem:$0x1F130]  }
0x472: {  	v14 =	vmov v62;
	v62 =	vmov v16;
	[tilespmem:$0x1F9F0] =	vst v17;
	v16 =	vld [tilespmem:$0x1F080]  }
0x473: {  	v15 =	vmax.f32 v15, v21;
	[tilespmem:$0x1FBB0] =	vst v12;
	v12 =	vnsel vm8, $0xFF61B1E6, v11;
	vm8 =	vnez.u8 v0;
	v0 =	vld [tilespmem:$0x1F150]  }
0x474: {  	v21 =	vperm.xlane v15, v44;
	v17 =	vld [tilespmem:$0x1FB30];
	[tilespmem:$0x1FA50] =	vst v4  }
0x475: {  	v4 =	vld [tilespmem:$0x1F180];
	[tilespmem:$0x1FA70] =	vst v2  }
0x476: {  	v6 =	vmov v53;
	v53 =	vmov v5;
	v5 =	vld [tilespmem:$0x1F0B0];
	[tilespmem:$0x1FBA0] =	vst v23;
	v23 =	vmax.f32 v15, v21  }
0x477: {  	[tilespmem:$0x1FB40] =	vst v3;
	v3 =	vsub.f32 v34, v23;
	v34 =	vld [tilespmem:$0x1FC30]  }
0x478: {  	v2 =	vmovc v55;
	v55 =	vmovc v11;
	v11 =	vld [tilespmem:$0x1F0D0];
	[tilespmem:$0x1FBE0] =	vst v12;
	v40 =	vnsel vm9, $0xFF61B1E6, v16;
	v12 =	vnsel vm10, $0xFF61B1E6, v30;
	vm9 =	vnez.u8 v0  }
0x479: {  	v59 =	vsub.f32 v19, v23;
	[tilespmem:$0x1FBF0] =	vst v12;
	v12 =	vld [tilespmem:$0x1F0F0];
	v0 =	vnsel vm9, $0xFF61B1E6, v17  }
0x47a: {  	v61 =	vsub.f32 v61, v23;
	v38 =	vsub.f32 v38, v23;
	[tilespmem:$0x1FC20] =	vst v0;
	v0 =	vld [tilespmem:$0x1F170]  }
0x47b: {  	[tilespmem:$0x1FA00] =	vst v18;
	v18 =	vmovc v56;
	v56 =	vld [tilespmem:$0x1F160];
	v21 =	vmov v43;
	v43 =	vsub.f32 v58, v23;
	v47 =	vsub.f32 v9, v23  }
0x47c: {  	v19 =	vmovc v37;
	v37 =	vmul.f32 $1.442695020e+00, v61;
	v58 =	vmul.f32 $1.442695020e+00, v38;
	v41 =	vnsel vm11, $0xFF61B1E6, v5  }
0x47d: {  	vm11 =	vnez.u8 v4;
	v4 =	vsub.f32 v10, v23;
	v10 =	vmovc v7;
	v7 =	vsub.f32 v32, v23  }
0x47e: {  	v15 =	vnsel vm11, $0xFF61B1E6, v34;
	v42 =	vnsel vm4, $0xFF61B1E6, v11;
	v44 =	vnsel vm5, $0xFF61B1E6, v12  }
0x47f: {  	vm10 =	vnez.u8 v0;
	v0 =	vsub.f32 v22, v23;
	v22 =	vmax.f32 v40, v42  }
0x480: {  	v52 =	vnsel vm8, $0xFF61B1E6, v24;
	v57 =	vnsel vm10, $0xFF61B1E6, v56;
	[tilespmem:$0x1F670] =	vst v22;
	v22 =	vmax.f32 v41, v44  }
0x481: {  	p1 =	sne.s32 s15, $0xF618;
	v42 =	vsub.f32 v25, v23;
	v44 =	vsub.f32 v20, v23;
	[tilespmem:$0x1F680] =	vst v22;
	v22 =	vmax.f32 v52, v57  }
.Ltmp0:
0x482: {  	v26 =	vmovc v33;
	v52 =	vsub.f32 v45, v23;
	v33 =	vmul.f32 $1.442695020e+00, v0;
	v0 =	vmul.f32 $1.442695020e+00, v4;
	(pc) =	sbr.rel @p1 .LBB2_3-.Ltmp0, $4  }
0x483: {  	v40 =	vsub.f32 v35, v23;
	v35 =	vmul.f32 $1.442695020e+00, v3;
	v3 =	vmovc v11;
	v41 =	vsub.f32 v36, v23  }
0x484: {  	v20 =	vmovc v31;
	v36 =	vmul.f32 $1.442695020e+00, v42;
	v4 =	vmovc v34;
	v45 =	vsub.f32 v39, v23;
	[tilespmem:$0x1FAC0] =	vst v0;
	v0 =	vmul.f32 $1.442695020e+00, v44  }
0x485: {  	[tilespmem:$0x1F690] =	vst v22;
	v22 =	vsub.f32 v27, v23;
	v27 =	vmovc v30;
	v30 =	vmovc v17;
	v57 =	vmov v24;
	v42 =	vmov v5  }
0x486: {  	s15 =	sadd.s32 $0x3E8, s15;
	v5 =	vmul.f32 $1.442695020e+00, v59;
	v59 =	vmovc v46;
	v38 =	vmul.f32 $1.442695020e+00, v52;
	v44 =	vmovc v12;
	v52 =	vmov v50;
	[tilespmem:$0x1FAE0] =	vst v0  }
0x487: {  	v0 =	vld [tilespmem:$0x1F880]  }
0x488: {  	(erf) = vpow2.f32 v33  }
0x489: {  	v22 =	vmul.f32 $1.442695020e+00, v22;
	(erf) = vpow2.f32 v35  }
0x48a: {  	v34 =	vmul.f32 $1.442695020e+00, v40;
	(erf) = vpow2.f32 v36  }
0x48b: {  	v39 =	vsub.f32 v13, v23;
	v46 =	vmul.f32 $1.442695020e+00, v41;
	(erf) = vpow2.f32 v37  }
0x48c: {  	v9 =	vsub.f32 v28, v23;
	(erf) = vpow2.f32 v38;
	v50 =	vsub.f32 v0, v23;
	v0 =	vld [tilespmem:$0x1F8E0]  }
0x48d: {  	v33 =	vmul.f32 $1.442695020e+00, v39;
	(erf) = vpow2.f32 v22;
	v22 =	vsub.f32 v19, v23  }
0x48e: {  	(erf) = vpow2.f32 v34;
	v34 =	vmul.f32 $1.442695020e+00, v9  }
0x48f: {  	v60 =	vsub.f32 v60, v23;
	(erf) = vpow2.f32 v46;
	v22 =	vmul.f32 $1.442695020e+00, v22  }
0x490: {  	v24 =	vsub.f32 v29, v23;
	v61 =	vmul.f32 $1.442695020e+00, v50;
	(erf) = vpow2.f32 v33  }
0x491: {  	(erf) = vpow2.f32 v22;
	v22 =	vmul.f32 $1.442695020e+00, v60;
	v11 =	vsub.f32 v0, v23  }
0x492: {  	v36 =	vmul.f32 $1.442695020e+00, v24;
	v31 =	vpop (erf);
	(erf) = vpow2.f32 v61  }
0x493: {  	v25 =	vsub.f32 v14, v23;
	v12 =	vpop (erf);
	(erf) = vpow2.f32 v22;
	v22 =	vmul.f32 $1.442695020e+00, v11  }
0x494: {  	v28 =	vsub.f32 v51, v23;
	v29 =	vsub.f32 v8, v23;
	v33 =	vpop (erf);
	(erf) = vpow2.f32 v34  }
0x495: {  	v51 =	vsub.f32 v62, v23;
	v34 =	vpop (erf);
	(erf) = vpow2.f32 v22;
	v22 =	vmul.f32 $1.442695020e+00, v25  }
0x496: {  	v39 =	vmul.f32 $1.442695020e+00, v28;
	v46 =	vsub.f32 v63, v23;
	v35 =	vpop (erf);
	(erf) = vpow2.f32 v36  }
0x497: {  	v50 =	vsub.f32 v48, v23;
	v36 =	vpop (erf);
	(erf) = vpow2.f32 v22;
	v22 =	vmul.f32 $1.442695020e+00, v29  }
0x498: {  	v62 =	vsub.f32 v26, v23;
	v40 =	vmul.f32 $1.442695020e+00, v46;
	v37 =	vpop (erf);
	(erf) = vpow2.f32 v39  }
0x499: {  	v41 =	vmul.f32 $1.442695020e+00, v50;
	v38 =	vpop (erf);
	(erf) = vpow2.f32 v22;
	v22 =	vsub.f32 v6, v23  }
0x49a: {  	v60 =	vsub.f32 v53, v23;
	v39 =	vmul.f32 $1.442695020e+00, v51;
	v13 =	vpop (erf);
	(erf) = vpow2.f32 v40  }
0x49b: {  	v61 =	vsub.f32 v18, v23;
	v28 =	vpop (erf);
	(erf) = vpow2.f32 v41;
	v22 =	vmul.f32 $1.442695020e+00, v22  }
0x49c: {  	v8 =	vsub.f32 v42, v23;
	v40 =	vmul.f32 $1.442695020e+00, v60;
	v32 =	vpop (erf);
	(erf) = vpow2.f32 v39  }
0x49d: {  	v41 =	vmul.f32 $1.442695020e+00, v61;
	v29 =	vpop (erf);
	(erf) = vpow2.f32 v22;
	v22 =	vsub.f32 v49, v23  }
0x49e: {  	v63 =	vsub.f32 v16, v23;
	v0 =	vmul.f32 $1.442695020e+00, v62;
	v24 =	vpop (erf);
	(erf) = vpow2.f32 v40  }
0x49f: {  	v26 =	vsub.f32 v56, v23;
	v39 =	vpop (erf);
	(erf) = vpow2.f32 v41;
	v22 =	vmul.f32 $1.442695020e+00, v22  }
0x4a0: {  	v9 =	vsub.f32 v3, v23;
	v40 =	vmul.f32 $1.442695020e+00, v63;
	v14 =	vpop (erf);
	(erf) = vpow2.f32 v0  }
0x4a1: {  	v11 =	vsub.f32 v44, v23;
	v3 =	vpop (erf);
	(erf) = vpow2.f32 v22;
	v22 =	vmul.f32 $1.442695020e+00, v8  }
0x4a2: {  	v42 =	vmul.f32 $1.442695020e+00, v9;
	v25 =	vsub.f32 v57, v23;
	v46 =	vpop (erf);
	(erf) = vpow2.f32 v40  }
0x4a3: {  	v41 =	vmul.f32 $1.442695020e+00, v11;
	v44 =	vpop (erf);
	(erf) = vpow2.f32 v22;
	v22 =	vsub.f32 v30, v23  }
0x4a4: {  	v57 =	vsub.f32 v1, v23;
	v40 =	vmul.f32 $1.442695020e+00, v25;
	v0 =	vpop (erf);
	(erf) = vpow2.f32 v42  }
0x4a5: {  	v1 =	vld [tilespmem:$0x1FB50];
	v30 =	vsub.f32 v4, v23;
	v48 =	vpop (erf);
	(erf) = vpow2.f32 v41;
	v22 =	vmul.f32 $1.442695020e+00, v22  }
0x4a6: {  	v56 =	vmul.f32 $1.442695020e+00, v26;
	v16 =	vsub.f32 v20, v23;
	v49 =	vpop (erf);
	(erf) = vpow2.f32 v40  }
0x4a7: {  	v60 =	vsub.f32 v52, v23;
	v42 =	vpop (erf);
	(erf) = vpow2.f32 v22;
	v22 =	vmul.f32 $1.442695020e+00, v30  }
0x4a8: {  	v51 =	vmul.f32 $1.442695020e+00, v57;
	v6 =	vsub.f32 v55, v23;
	v50 =	vpop (erf);
	(erf) = vpow2.f32 v56  }
0x4a9: {  	v61 =	vsub.f32 v27, v23;
	v40 =	vpop (erf);
	(erf) = vpow2.f32 v22;
	v22 =	vmul.f32 $1.442695020e+00, v60  }
0x4aa: {  	v20 =	vsub.f32 v1, v23;
	v1 =	vld [tilespmem:$0x1FA80];
	v63 =	vmul.f32 $1.442695020e+00, v6;
	v62 =	vpop (erf);
	(erf) = vpow2.f32 v51  }
0x4ab: {  	v8 =	vsub.f32 v2, v23;
	v25 =	vpop (erf);
	(erf) = vpow2.f32 v22;
	v22 =	vmul.f32 $1.442695020e+00, v61  }
0x4ac: {  	v19 =	vsub.f32 v59, v23  }
0x4ad: {  	v11 =	vmul.f32 $1.442695020e+00, v8;
	v9 =	vpop (erf);
	(erf) = vpow2.f32 v63  }
0x4ae: {  	v16 =	vmul.f32 $1.442695020e+00, v16;
	v30 =	vpop (erf);
	(erf) = vpow2.f32 v22  }
0x4af: {  	v18 =	vmul.f32 $1.442695020e+00, v20;
	v56 =	vsub.f32 v1, v23;
	v1 =	vld [tilespmem:$0x1FC20];
	v22 =	vpop (erf);
	(erf) = vpow2.f32 v11  }
0x4b0: {  	v55 =	vmul.f32 $1.442695020e+00, v19;
	v2 =	vld [tilespmem:$0x1F980];
	v19 =	vpop (erf);
	(erf) = vpow2.f32 v16;
	v16 =	vsub.f32 v21, v23  }
0x4b1: {  	v20 =	vpop (erf)  }
0x4b2: {  	(erf) = vpow2.f32 v55;
	v57 =	vpop (erf);
	v16 =	vmul.f32 $1.442695020e+00, v16  }
0x4b3: {  	v6 =	vmul.f32 $1.442695020e+00, v56;
	(erf) = vpow2.f32 v18;
	v18 =	vpop (erf)  }
0x4b4: {  	v15 =	vmax.f32 v1, v15;
	v1 =	vld [tilespmem:$0x1FA00];
	v21 =	vpop (erf);
	(erf) = vpow2.f32 v16  }
0x4b5: {  	(erf) = vpow2.f32 v6;
	v6 =	vadd.f32 v22, v9;
	v9 =	vsub.f32 v2, v23;
	v2 =	vld [tilespmem:$0x1F9A0];
	_ =	sdelay $0x1  }
0x4b6: {  	v18 =	vadd.f32 v18, v20;
	v20 =	vsub.f32 v54, v23;
	_ =	sdelay $0x1  }
0x4b7: {  	v1 =	vsub.f32 v1, v23;
	v20 =	vmul.f32 $1.442695020e+00, v20  }
0x4b8: {  	v19 =	vadd.f32 v19, v30;
	v59 =	vsub.f32 v2, v23;
	v2 =	vld [tilespmem:$0x1F930]  }
0x4b9: {  	v1 =	vmul.f32 $1.442695020e+00, v1  }
0x4ba: {  	v16 =	vadd.f32 v21, v57;
	v21 =	vpop (erf);
	(erf) = vpow2.f32 v20  }
0x4bb: {  	v18 =	vadd.f32 v18, v21;
	(erf) = vpow2.f32 v1;
	v1 =	vmul.f32 $1.442695020e+00, v9;
	v20 =	vpop (erf)  }
0x4bc: {  	v60 =	vadd.f32 v19, v25;
	v19 =	vpop (erf)  }
0x4bd: {  	(erf) = vpow2.f32 v1;
	v1 =	vadd.f32 v18, v19;
	v18 =	vsub.f32 v2, v23;
	v2 =	vld [tilespmem:$0x1F8B0];
	_ =	sdelay $0x2  }
0x4be: {  	v19 =	vpop (erf)  }
0x4bf: {  	v6 =	vadd.f32 v6, v62;
	v62 =	vmul.f32 $1.442695020e+00, v18;
	v18 =	vpop (erf)  }
0x4c0: {  	v1 =	vadd.f32 v1, v18;
	v18 =	vsub.f32 v2, v23;
	v2 =	vld [tilespmem:$0x1F900];
	_ =	sdelay $0x4  }
0x4c1: {  	v11 =	vsub.f32 v2, v23;
	v2 =	vld [tilespmem:$0x1F5B0]  }
0x4c2: {  	v16 =	vadd.f32 v16, v20;
	_ =	sdelay $0x1  }
0x4c3: {  	v16 =	vadd.f32 v16, v19  }
0x4c4: {  	v19 =	vpop (erf)  }
0x4c5: {  	v63 =	vadd.f32 v16, v19;
	v16 =	vsub.f32 v2, v23;
	v2 =	vld [tilespmem:$0x1F860]  }
0x4c6: {  	v43 =	vmul.f32 $1.442695020e+00, v43;
	v61 =	vsub.f32 v10, v23;
	v8 =	vmul.f32 $1.442695020e+00, v59  }
0x4c7: {  	v41 =	vmul.f32 $1.442695020e+00, v7;
	v30 =	vmul.f32 $1.442695020e+00, v45  }
0x4c8: {  	v6 =	vadd.f32 v6, v50;
	(erf) = vpow2.f32 v8;
	v8 =	vmul.f32 $1.442695020e+00, v61  }
0x4c9: {  	v9 =	vadd.f32 v60, v40;
	(erf) = vpow2.f32 v62;
	v25 =	vmul.f32 $1.442695020e+00, v18  }
0x4ca: {  	(erf) = vpow2.f32 v8;
	v11 =	vmul.f32 $1.442695020e+00, v11;
	v26 =	vsub.f32 v2, v23  }
0x4cb: {  	v9 =	vadd.f32 v9, v42;
	v18 =	vpop (erf);
	(erf) = vpow2.f32 v25;
	v27 =	vmul.f32 $1.442695020e+00, v16  }
0x4cc: {  	v1 =	vadd.f32 v1, v18;
	v17 =	vpop (erf);
	(erf) = vpow2.f32 v11;
	v8 =	vmul.f32 $1.442695020e+00, v26  }
0x4cd: {  	v6 =	vadd.f32 v6, v49;
	v9 =	vadd.f32 v9, v48;
	v16 =	vpop (erf);
	(erf) = vpow2.f32 v27  }
0x4ce: {  	v10 =	vadd.f32 v63, v17;
	v1 =	vadd.f32 v1, v16;
	v16 =	vpop (erf);
	(erf) = vpow2.f32 v8  }
0x4cf: {  	v6 =	vadd.f32 v6, v0;
	v0 =	vld [tilespmem:$0x1FAE0];
	v9 =	vadd.f32 v9, v44;
	v40 =	vpop (erf);
	(erf) = vpow2.f32 v30  }
0x4d0: {  	v44 =	vmul.f32 $1.442695020e+00, v47;
	v10 =	vadd.f32 v10, v16;
	v16 =	vpop (erf);
	(erf) = vpow2.f32 v41  }
0x4d1: {  	v6 =	vadd.f32 v6, v46;
	v45 =	vpop (erf);
	(erf) = vpow2.f32 v43  }
0x4d2: {  	v46 =	vpop (erf);
	(erf) = vpow2.f32 v44  }
0x4d3: {  	v6 =	vadd.f32 v6, v14;
	v47 =	vpop (erf);
	(erf) = vpow2.f32 v58  }
0x4d4: {  	v48 =	vpop (erf);
	(erf) = vpow2.f32 v0;
	v0 =	vld [tilespmem:$0x1FAC0]  }
0x4d5: {  	v6 =	vadd.f32 v6, v24  }
0x4d6: {  	v9 =	vadd.f32 v9, v3;
	v42 =	vadd.f32 v10, v16  }
0x4d7: {  	v4 =	vadd.f32 v6, v32;
	v1 =	vadd.f32 v1, v40  }
0x4d8: {  	v49 =	vld [tilespmem:$0x1F620];
	v9 =	vadd.f32 v9, v39;
	v8 =	vadd.f32 v42, v46  }
0x4d9: {  	v1 =	vadd.f32 v1, v45;
	v6 =	vpop (erf);
	(erf) = vpow2.f32 v0;
	v0 =	vadd.f32 v4, v13;
	v4 =	vld [tilespmem:$0x1F670]  }
0x4da: {  	v8 =	vadd.f32 v8, v48;
	v3 =	vpop (erf);
	(erf) = vpow2.f32 v5;
	v5 =	vld [tilespmem:$0x1FBC0]  }
0x4db: {  	v7 =	vadd.f32 v9, v29;
	v1 =	vadd.f32 v1, v47  }
0x4dc: {  	v3 =	vadd.f32 v8, v3  }
0x4dd: {  	v1 =	vadd.f32 v1, v6;
	v6 =	vsub.f32 v49, v23  }
0x4de: {  	v2 =	vpop (erf)  }
0x4df: {  	v6 =	vmul.f32 $1.442695020e+00, v6;
	v4 =	vmax.f32 v4, v5;
	v5 =	vadd.f32 v7, v28;
	v7 =	vpop (erf)  }
0x4e0: {  	v1 =	vadd.f32 v1, v2;
	v2 =	vadd.f32 v3, v7;
	v3 =	vpop (erf)  }
0x4e1: {  	v7 =	vpop (erf)  }
0x4e2: {  	v1 =	vadd.f32 v1, v3;
	v2 =	vadd.f32 v2, v7;
	v3 =	vpop (erf)  }
0x4e3: {  	(erf) = vpow2.f32 v6;
	v6 =	vpop (erf)  }
0x4e4: {  	v2 =	vadd.f32 v2, v6;
	v6 =	vld [tilespmem:$0x1FB80];
	_ =	sdelay $0x3  }
0x4e5: {  	v1 =	vadd.f32 v1, v3;
	v3 =	vpop (erf)  }
0x4e6: {  	v4 =	vmax.f32 v4, v6;
	v6 =	vpop (erf)  }
0x4e7: {  	v53 =	vld [tilespmem:$0x1FC00];
	v1 =	vadd.f32 v1, v3;
	v2 =	vadd.f32 v2, v6;
	v3 =	vpop (erf)  }
0x4e8: {  	v52 =	vld [tilespmem:$0x1F690];
	v55 =	vpop (erf)  }
0x4e9: {  	v6 =	vld [tilespmem:$0x1FBE0];
	v1 =	vadd.f32 v1, v3;
	v2 =	vadd.f32 v2, v55  }
0x4ea: {  	v3 =	vld [tilespmem:$0x1FBA0]  }
0x4eb: {  	v1 =	vadd.f32 v2, v1;
	v2 =	vld [tilespmem:$0x1FB40];
	_ =	sdelay $0x1  }
0x4ec: {  	v9 =	vmax.f32 v52, v53  }
0x4ed: {  	v6 =	vmax.f32 v9, v6  }
0x4ee: {  	v3 =	vmax.f32 v6, v3;
	v6 =	vld [tilespmem:$0x1FA70]  }
0x4ef: {  	v2 =	vmax.f32 v3, v2;
	v3 =	vld [tilespmem:$0x1F9E0]  }
0x4f0: {  	v51 =	vld [tilespmem:$0x1FBD0]  }
0x4f1: {  	v50 =	vld [tilespmem:$0x1F680]  }
0x4f2: {  	v54 =	vld [tilespmem:$0x1FB90]  }
0x4f3: {  	v4 =	vmax.f32 v4, v6;
	v6 =	vld [tilespmem:$0x1FAA0]  }
0x4f4: {  	v3 =	vmax.f32 v4, v3;
	v4 =	vld [tilespmem:$0x1FA50];
	_ =	sdelay $0x1  }
0x4f5: {  	v8 =	vmax.f32 v50, v51  }
0x4f6: {  	v8 =	vmax.f32 v8, v54  }
0x4f7: {  	v6 =	vmax.f32 v8, v6  }
0x4f8: {  	v4 =	vmax.f32 v6, v4;
	v6 =	vld [tilespmem:$0x1F9C0];
	_ =	sdelay $0x4  }
0x4f9: {  	v3 =	vmax.f32 v3, v6;
	v6 =	vld [tilespmem:$0x1FA60];
	_ =	sdelay $0x4  }
0x4fa: {  	v0 =	vadd.f32 v0, v37;
	v5 =	vadd.f32 v5, v38;
	v2 =	vmax.f32 v2, v6;
	v6 =	vld [tilespmem:$0x1F9D0];
	_ =	sdelay $0x1  }
0x4fb: {  	v0 =	vadd.f32 v0, v35;
	v5 =	vadd.f32 v5, v36;
	_ =	sdelay $0x1  }
0x4fc: {  	v0 =	vadd.f32 v0, v33;
	v5 =	vadd.f32 v5, v34  }
0x4fd: {  	v4 =	vmax.f32 v4, v6;
	v6 =	vld [tilespmem:$0x1FFF0]  }
0x4fe: {  	v0 =	vadd.f32 v0, v31;
	v5 =	vadd.f32 v5, v12;
	_ =	sdelay $0x1  }
0x4ff: {  	v0 =	vadd.f32 v5, v0;
	_ =	sdelay $0x1  }
0x500: {  	v0 =	vadd.f32 v1, v0;
	v1 =	vpop (erf);
	vm3 =	vnez.u8 v6  }
0x501: {  	v7 =	vld [tilespmem:$0x1FC10];
	v1 =	vsel vm3, $0x0, v1  }
0x502: {  	v0 =	vadd.f32 v0, v1;
	v1 =	vld [tilespmem:$0x1F9F0]  }
0x503: {  	v56 =	vld [tilespmem:$0x1FBF0]  }
0x504: {  	v57 =	vld [tilespmem:$0x1FBB0]  }
0x505: {  	v5 =	vld [tilespmem:$0x1FB60]  }
0x506: {  	v6 =	vld [tilespmem:$0x1FA90]  }
0x507: {  	v7 =	vmax.f32 v15, v7;
	v1 =	vmax.f32 v2, v1;
	v2 =	vld [tilespmem:$0x1FA40]  }
0x508: {  	v7 =	vmax.f32 v7, v56  }
0x509: {  	v7 =	vmax.f32 v7, v57  }
0x50a: {  	v5 =	vmax.f32 v7, v5  }
0x50b: {  	v5 =	vmax.f32 v5, v6  }
0x50c: {  	v2 =	vmax.f32 v5, v2;
	v5 =	vld [tilespmem:$0x1F970]  }
0x50d: {  	v6 =	vld [tilespmem:$0x1F960];
	_ =	sdelay $0x3  }
0x50e: {  	v4 =	vmax.f32 v4, v5;
	v5 =	vld [tilespmem:$0x1F8D0]  }
0x50f: {  	v3 =	vmax.f32 v3, v6;
	v6 =	vld [tilespmem:$0x1F990];
	_ =	sdelay $0x2  }
0x510: {  	v58 =	vld [tilespmem:$0x1FFB0]  }
0x511: {  	v3 =	vmax.f32 v3, v5;
	v5 =	vld [tilespmem:$0x1F8F0]  }
0x512: {  	v1 =	vmax.f32 v1, v6;
	v6 =	vld [tilespmem:$0x1F9B0];
	_ =	sdelay $0x3  }
0x513: {  	v4 =	vmax.f32 v4, v5;
	v5 =	vperm.xlane v0, v58  }
0x514: {  	v2 =	vmax.f32 v2, v6;
	v6 =	vld [tilespmem:$0x1F890]  }
0x515: {  	v0 =	vadd.f32 v0, v5;
	v5 =	vld [tilespmem:$0x1F950];
	_ =	sdelay $0x3  }
0x516: {  	v3 =	vmax.f32 v3, v6;
	v6 =	vld [tilespmem:$0x1F940]  }
0x517: {  	v2 =	vmax.f32 v2, v5;
	v5 =	vld [tilespmem:$0x1F810];
	_ =	sdelay $0x3  }
0x518: {  	v1 =	vmax.f32 v1, v6;
	v6 =	vld [tilespmem:$0x1F8A0]  }
0x519: {  	v3 =	vmax.f32 v3, v5;
	v5 =	vld [tilespmem:$0x1F840];
	_ =	sdelay $0x3  }
0x51a: {  	v4 =	vmax.f32 v4, v6  }
0x51b: {  	v4 =	vmax.f32 v4, v5;
	v5 =	vld [tilespmem:$0x1F8C0]  }
0x51c: {  	v6 =	vld [tilespmem:$0x1F850];
	_ =	sdelay $0x2  }
0x51d: {  	v7 =	vld [tilespmem:$0x1FFA0]  }
0x51e: {  	v1 =	vmax.f32 v1, v5;
	v5 =	vld [tilespmem:$0x1F920]  }
0x51f: {  	v1 =	vmax.f32 v1, v6;
	v6 =	vld [tilespmem:$0x1F7E0];
	_ =	sdelay $0x3  }
0x520: {  	v2 =	vmax.f32 v2, v5;
	v5 =	vperm.xlane v0, v7  }
0x521: {  	v3 =	vmax.f32 v3, v6;
	v6 =	vld [tilespmem:$0x1F7F0]  }
0x522: {  	v0 =	vadd.f32 v0, v5;
	v5 =	vld [tilespmem:$0x1F820];
	_ =	sdelay $0x3  }
0x523: {  	v4 =	vmax.f32 v4, v6;
	v6 =	vld [tilespmem:$0x1F870]  }
0x524: {  	v1 =	vmax.f32 v1, v5;
	v5 =	vld [tilespmem:$0x1F830];
	_ =	sdelay $0x3  }
0x525: {  	v2 =	vmax.f32 v2, v6  }
0x526: {  	v2 =	vmax.f32 v2, v5;
	v5 =	vld [tilespmem:$0x1F7C0];
	_ =	sdelay $0x3  }
0x527: {  	v6 =	vld [tilespmem:$0x1F7B0]  }
0x528: {  	v4 =	vmax.f32 v4, v5;
	v5 =	vld [tilespmem:$0x1F770];
	_ =	sdelay $0x3  }
0x529: {  	v3 =	vmax.f32 v3, v6;
	v6 =	vld [tilespmem:$0x1FF80]  }
0x52a: {  	v3 =	vmax.f32 v3, v5;
	v5 =	vld [tilespmem:$0x1F780];
	_ =	sdelay $0x4  }
0x52b: {  	v4 =	vmax.f32 v4, v5;
	v5 =	vperm.xlane v0, v6;
	_ =	sdelay $0x1  }
0x52c: {  	v0 =	vadd.f32 v0, v5;
	v5 =	vld [tilespmem:$0x1F740];
	_ =	sdelay $0x2  }
0x52d: {  	v59 =	vld [tilespmem:$0x1F7D0]  }
0x52e: {  	v62 =	vld [tilespmem:$0x1F790]  }
0x52f: {  	v4 =	vmax.f32 v4, v5;
	v5 =	vld [tilespmem:$0x1F750];
	_ =	sdelay $0x1  }
0x530: {  	v60 =	vld [tilespmem:$0x1F800]  }
0x531: {  	v61 =	vld [tilespmem:$0x1F730];
	v1 =	vmax.f32 v1, v59  }
0x532: {  	v63 =	vld [tilespmem:$0x1F7A0];
	v1 =	vmax.f32 v1, v62  }
0x533: {  	v1 =	vmax.f32 v1, v5;
	v5 =	vld [tilespmem:$0x1F760];
	_ =	sdelay $0x1  }
0x534: {  	v18 =	vld [tilespmem:$0x1FF90]  }
0x535: {  	v2 =	vmax.f32 v2, v60  }
0x536: {  	v2 =	vmax.f32 v2, v63  }
0x537: {  	v3 =	vmax.f32 v3, v61;
	v2 =	vmax.f32 v2, v5  }
0x538: {  	v1 =	vmax.f32 v1, v2;
	v2 =	vmax.f32 v3, v4  }
0x539: {  	v3 =	vperm.xlane v0, v18;
	v1 =	vmax.f32 v1, v2;
	v2 =	vnsel vm15, $0xFF61B1E6, v49  }
0x53a: {  	v1 =	vmax.f32 v1, v2  }
0x53b: {  	v0 =	vadd.f32 v0, v3;
	v2 =	vperm.xlane v1, v58;
	_ =	sdelay $0x1  }
0x53c: {  	(erf) = vrcp.f32 v0;
	v0 =	vmax.f32 v1, v2  }
0x53d: {  	v1 =	vperm.xlane v0, v7;
	_ =	sdelay $0x1  }
0x53e: {  	v0 =	vmax.f32 v0, v1  }
0x53f: {  	v1 =	vperm.xlane v0, v6;
	_ =	sdelay $0x1  }
0x540: {  	v0 =	vmax.f32 v0, v1  }
0x541: {  	v1 =	vperm.xlane v0, v18;
	_ =	sdelay $0x1  }
0x542: {  	v0 =	vmax.f32 v0, v1;
	v1 =	vld [tilespmem:$0x1FC40];
	_ =	sdelay $0x3  }
0x543: {  	v2 =	vpop (erf)  }
0x544: {  	vm0 =	vgt.f32 v2, v1;
	v1 =	vld [tilespmem:$0x1FC50];
	_ =	sdelay $0x4  }
0x545: {  	vm1 =	vle.f32 v2, v1;
	v1 =	vld [tilespmem:$0x1F640];
	_ =	sdelay $0x1  }
0x546: {  	v3 =	vld [tilespmem:$0x1F1A0];
	_ =	sdelay $0x2  }
0x547: {  	v4 =	vimm.f32 $0.0e+00;
	vm0 =	vmand vm0, vm1;
	vm1 =	vnez.u8 v1  }
0x548: {  	vm2 =	veq.f32 v0, v23;
	v0 =	vld [tilespmem:$0x1F630];
	v1 =	vsel vm1, $0x3F800000, v4  }
0x549: {  	v1 =	vadd.f32 v1, v3;
	v3 =	vld [tilespmem:$0x1F190]  }
0x54a: {  	v5 =	vld [tilespmem:$0x1F660];
	_ =	sdelay $0x2  }
0x54b: {  	v0 =	vnsel vm1, $0x0, v0;
	vm1 =	vmand vm0, vm2  }
.Ltmp1:
0x54c: {  	v0 =	vadd.f32 v0, v3;
	v3 =	vsel vm1, $0x3F800000, v4;
	(pc) =	sbr.rel @p0 .LBB2_2-.Ltmp1, $4  }
0x54d: {  	v2 =	vnsel vm0, $0x0, v2;
	v5 =	vadd.f32 v3, v5;
	v3 =	vsel vm0, $0x3F800000, v4  }
0x54e: {  	v32 =	vld [tilespmem:$0x1FFE0]  }
0x54f: {  	v59 =	vld [tilespmem:$0x1FFC0];
	v23 =	vlaneseq.u32;
	vm2 =	vmmov vm3  }
0x550: {  	s13 =	simm.s32 $0x40;
	p1 =	por $0x0, $0x0;
	v4 =	vadd.f32 v3, v1;
	v0 =	vadd.f32 v2, v0;
	v1 =	vmovc v58;
	v2 =	vmovc v7;
	v58 =	vld [tilespmem:$0x1FFD0];
	v3 =	vmov v6  }
0x551: {  	[tilespmem:$0xFB10] =	vst v5;
	s12 =	sadd.s32 $0x1, s12  }
0x552: {  	[tilespmem:$0xFB00] =	vst v4;
	p0 =	sne.s32 s12, s8  }
.Ltmp2:
0x553: {  	[tilespmem:$0xFB20] =	vst v0;
	(pc) =	sbr.rel @p0 .LBB2_1-.Ltmp2, $4  }
0x554: {  	[hbm4b:s7+s4] =	stream.linear.scatter [tilespmem:s11], [sflag:$0x1], $0x80, $0x38;
	[tilespmem:$0xFB80] =	vst v63  }
0x555: {  	_ =	swait.ge [sflag:s10], $0x80  }
0x556: {  	[sflag:s10] =	ssyncset.done $0x0  }
0x557: {  	[sflag:s10] =	ssyncadd.s32 $0xFFFFFF80  }
0x558: {  	_ =	sfence.sel $0x180000  }
0x559: {  	[bflag:$0x0] =	sbarrier.arrive $0xFFFF  }
0x55a: {  	p0 =	sne.s32 s3, $0x0;
	_ =	strace $0x90000047  }
0x55b: {  	s0 =	sadd.s32 @!p0 $0x100000, s1;
	[bflag:$0x2] =	sbarrier.arrive $0xFFFF  }
0x55c: {  	[sflag:s0] =	ssyncadd.tile.s32 @!p0 $0x1;
	_ =	shalt  }
.Lfunc_end2:
_tile_overlayer_lowered:
.L_overlay_start_2:
0x55d: {  	(tag) =	ssettag $0x2  }
0x55e: {  	s0 =	rddreg [dreg:$0x0];
	s2 =	stileid.u32  }
0x55f: {  	s1 =	rddreg [dreg:$0x1];
	p0 =	sne.s32 s2, $0x0  }
0x560: {  	s3 =	rddreg [dreg:$0x2];
	[bflag:$0x3] =	sbarrier.arrive $0xFFFF;
	s2 =	simm.s32 @!p0 $0x1C01  }
0x561: {  	[timem:s3], [sflag:s2] =	dma.local @!p0 [hbm:s0], s1  }
0x562: {  	s0 =	simm.s32 @!p0 $0x1  }
0x563: {  	_ =	swait.ge @!p0 [sflag:s0], s1  }
0x564: {  	s1 =	ssub.s32 @!p0 $0x0, s1;
	[sflag:s0] =	ssyncset.done @!p0 $0x0  }
0x565: {  	[sflag:s0] =	ssyncadd.s32 @!p0 s1  }
0x566: {  	[bflag:$0x3] =	sbarrier.arrive $0xFFFF  }
0x567: {  	_ =	shalt  }

</sc_bundles>
